<compile_context>
chip_gen: v7x
topology: tpu7x:2x2x1
jax: 0.10.2.dev20260603
libtpu: 0.0.44.dev20260713+nightly
codegen_flags: <defaults>
</compile_context>

<pallas_src>
import functools

import jax
import jax.numpy as jnp
from jax import lax
from jax.experimental import pallas as pl
from jax.experimental.pallas import tpu as pltpu
from jax.experimental.pallas import tpu_sc as plsc

N = 10000
E = 320000
D = 128

NC = 2
NS = 16
NW = NC * NS
K = 128
NB = 3
D2 = D // NC
EPW = E // NS
NCH_A = EPW // K
KT = EPW - NCH_A * K
R0 = 624
RL = N - (NS - 1) * R0
ZR = 104
DW = 16

f32 = jnp.float32


def _zero_shared(sid, zrow_v, sh):
  lo = sid * R0
  for r in range(R0 // ZR):
    pltpu.sync_copy(zrow_v, sh.at[pl.ds(lo + r * ZR, ZR)])

  @pl.when(sid == NS - 1)
  def _():
    pltpu.sync_copy(zrow_v.at[pl.ds(0, RL - R0)],
                    sh.at[pl.ds(N - (RL - R0), RL - R0)])


def _writeback(core, sid, sh, out_hbm):
  @pl.when(sid < NS - 1)
  def _():
    pltpu.sync_copy(sh.at[pl.ds(sid * R0, R0)],
                    out_hbm.at[core, pl.ds(sid * R0, R0)])

  @pl.when(sid == NS - 1)
  def _():
    pltpu.sync_copy(sh.at[pl.ds((NS - 1) * R0, RL)],
                    out_hbm.at[core, pl.ds((NS - 1) * R0, RL)])


def _make_agg(with_deg, interleaved):
  mesh = plsc.VectorSubcoreMesh(core_axis_name="c", subcore_axis_name="s")
  dw = D2
  nch = NCH_A

  out_type = [jax.ShapeDtypeStruct((NC, N, dw), f32)]
  scratch = (
      [pltpu.VMEM((EPW,), jnp.int32),
       pltpu.VMEM((EPW,), jnp.int32)]
      + [pltpu.VMEM((K, dw), f32)] * NB
      + [pltpu.VMEM((ZR, dw), f32)]
      + [pltpu.VMEM_SHARED((N, dw), f32)]
      + [pltpu.SemaphoreType.DMA] * (2 * NB)
  )
  if with_deg:
    out_type.append(jax.ShapeDtypeStruct((NC, N, DW), f32))
    scratch += [
        pltpu.VMEM((K, DW), f32),
        pltpu.VMEM((ZR, DW), f32),
        pltpu.VMEM_SHARED((N, DW), f32),
    ]

  def body(feat_hbm, ei_hbm, *rest):
    rest = list(rest)
    agg_hbm = rest.pop(0)
    deg_hbm = rest.pop(0) if with_deg else None
    srcs_v, dsts_v = rest.pop(0), rest.pop(0)
    rb = [rest.pop(0) for _ in range(NB)]
    zrow_v = rest.pop(0)
    agg_sh = rest.pop(0)
    gsems = [rest.pop(0) for _ in range(NB)]
    ssems = [rest.pop(0) for _ in range(NB)]
    if with_deg:
      ones_v, zdeg_v, deg_sh = rest
    core = lax.axis_index("c")
    sid = lax.axis_index("s")

    def fill(i, _):
      for j in range(dw // 16):
        zrow_v[i, pl.ds(j * 16, 16)] = jnp.zeros((16,), f32)
      return 0

    lax.fori_loop(0, ZR, fill, 0)
    _zero_shared(sid, zrow_v, agg_sh)
    if with_deg:
      def dfill(i, _):
        zdeg_v[i, :] = jnp.zeros((16,), f32)
        return 0

      lax.fori_loop(0, ZR, dfill, 0)

      def ofill(i, _):
        ones_v[i, :] = jnp.full((16,), 0.5, f32)
        return 0

      lax.fori_loop(0, K, ofill, 0)
      _zero_shared(sid, zdeg_v, deg_sh)
    pltpu.sync_copy(ei_hbm.at[0, sid], srcs_v)
    pltpu.sync_copy(ei_hbm.at[1, sid], dsts_v)
    if interleaved:
      def xform(i, _):
        sl = pl.ds(i * 16, 16)
        srcs_v[sl] = srcs_v[sl] * 2 + core
        return 0

      lax.fori_loop(0, EPW // 16, xform, 0)
    plsc.subcore_barrier()

    feat = feat_hbm if interleaved else feat_hbm.at[core]

    def sidx(c):
      return srcs_v.at[pl.ds(c * K, K)]

    def didx(c):
      return dsts_v.at[pl.ds(c * K, K)]

    for b in range(NB - 1):
      pltpu.async_copy(feat.at[sidx(b)], rb[b], gsems[b])

    def ring(i, _):
      for b in range(NB):
        c = i * NB + b
        nxt = (b + NB - 1) % NB
        pltpu.make_async_copy(feat.at[sidx(c)], rb[b], gsems[b]).wait()

        @pl.when(c + NB - 1 < nch)
        def _():
          @pl.when(c >= 1)
          def _():
            pltpu.make_async_copy(rb[nxt], agg_sh.at[didx(c)],
                                  ssems[nxt]).wait()
          pltpu.async_copy(feat.at[sidx(c + NB - 1)], rb[nxt], gsems[nxt])

        pltpu.async_copy(rb[b], agg_sh.at[didx(c)], ssems[b], add=True)
        if with_deg:
          pltpu.sync_copy(ones_v, deg_sh.at[didx(c)], add=True)
      return 0

    lax.fori_loop(0, nch // NB, ring, 0)
    tb = nch % NB
    pltpu.make_async_copy(rb[tb], agg_sh.at[didx(0)], ssems[tb]).wait()
    tsrc = srcs_v.at[pl.ds(NCH_A * K, KT)]
    tdst = dsts_v.at[pl.ds(NCH_A * K, KT)]
    pltpu.async_copy(feat.at[tsrc], rb[tb].at[pl.ds(0, KT)], gsems[tb])
    pltpu.make_async_copy(feat.at[tsrc], rb[tb].at[pl.ds(0, KT)],
                          gsems[tb]).wait()
    pltpu.async_copy(rb[tb].at[pl.ds(0, KT)], agg_sh.at[tdst], ssems[tb],
                     add=True)
    if with_deg:
      pltpu.sync_copy(ones_v.at[pl.ds(0, KT)], deg_sh.at[tdst], add=True)
    for b in range(NB):
      if b == tb:
        pltpu.make_async_copy(rb[b].at[pl.ds(0, KT)], agg_sh.at[didx(0)],
                              ssems[b]).wait()
      else:
        pltpu.make_async_copy(rb[b], agg_sh.at[didx(0)], ssems[b]).wait()
    plsc.subcore_barrier()
    _writeback(core, sid, agg_sh, agg_hbm)
    if with_deg:
      _writeback(core, sid, deg_sh, deg_hbm)

  return functools.partial(
      pl.kernel, mesh=mesh, out_type=out_type, scratch_types=scratch,
      compiler_params=pltpu.CompilerParams(
          use_tc_tiling_on_sc=False, skip_device_barrier=True))(body)


_make_agg = functools.lru_cache(maxsize=None)(_make_agg)

BN = 2000


def _make_combine(relu, logsm, split_x, split_out, agg_full):
  def body(agg_ref, deg_ref, x_ref, wn_ref, ws_ref, b_ref, out_ref):
    if agg_full:
      agg = agg_ref[0] + agg_ref[1]
    else:
      agg = jnp.concatenate([agg_ref[0], agg_ref[1]], axis=1)
    deg = deg_ref[0][:, 0:1] + deg_ref[1][:, 0:1]
    mean = agg / jnp.maximum(deg, 1.0)
    if split_x:
      xv = jnp.concatenate([x_ref[0], x_ref[1]], axis=1)
    else:
      xv = x_ref[...]
    h = (jnp.dot(mean, wn_ref[...], preferred_element_type=f32,
                 precision=lax.Precision.HIGHEST)
         + jnp.dot(xv, ws_ref[...], preferred_element_type=f32,
                   precision=lax.Precision.HIGHEST)
         + b_ref[...])
    if relu:
      h = jnp.maximum(h, 0.0)
    if logsm:
      m = jnp.max(h, axis=1, keepdims=True)
      h = h - (jnp.log(jnp.sum(jnp.exp(h - m), axis=1, keepdims=True)) + m)
    if split_out:
      out_ref[0] = h[:, :D2]
      out_ref[1] = h[:, D2:]
    else:
      out_ref[...] = h

  x_spec = (pl.BlockSpec((2, BN, D2), lambda i: (0, i, 0)) if split_x
            else pl.BlockSpec((BN, D), lambda i: (i, 0)))
  if split_out:
    out_spec = pl.BlockSpec((2, BN, D2), lambda i: (0, i, 0))
    out_shape = jax.ShapeDtypeStruct((NC, N, D2), f32)
  else:
    out_spec = pl.BlockSpec((BN, D), lambda i: (i, 0))
    out_shape = jax.ShapeDtypeStruct((N, D), f32)

  return pl.pallas_call(
      body,
      grid=(N // BN,),
      in_specs=[
          pl.BlockSpec((2, BN, D if agg_full else D2), lambda i: (0, i, 0)),
          pl.BlockSpec((2, BN, DW), lambda i: (0, i, 0)),
          x_spec,
          pl.BlockSpec((D, D), lambda i: (0, 0)),
          pl.BlockSpec((D, D), lambda i: (0, 0)),
          pl.BlockSpec((1, D), lambda i: (0, 0)),
      ],
      out_specs=out_spec,
      out_shape=out_shape,
  )


_combine1 = _make_combine(relu=True, logsm=False, split_x=False,
                          split_out=True, agg_full=False)
_combine2 = _make_combine(relu=False, logsm=True, split_x=True,
                          split_out=False, agg_full=False)


def kernel(x, edge_index, W1_neigh, W1_self, b1, W2_neigh, W2_self, b2):
  ei4 = edge_index.reshape(2, NS, EPW)
  xi = x.reshape(NC * N, D2)
  agg1, degp = _make_agg(True, True)(xi, ei4)
  h2 = _combine1(agg1, degp, x, W1_neigh, W1_self, b1.reshape(1, D))
  (agg2,) = _make_agg(False, False)(h2, ei4)
  return _combine2(agg2, degp, h2, W2_neigh, W2_self, b2.reshape(1, D))

# --- scband reference (transcript-rebuilt; emitter-appended) ---
"""Pipeline reference for scband-graph-sage-58506044506614 (READ-ONLY COPY).

The authoritative reference and input builder live on the scoring server;
editing this copy changes nothing except your own understanding.
"""

import jax, jax.numpy as jnp
import numpy as np

N = 10000
E = 320000
D_IN = 128
D_HID = 128
D_OUT = 128


def setup_inputs(seed: int = 0) -> dict:
    key = jax.random.key(seed)
    ks = jax.random.split(key, 8)
    x = jax.random.normal(ks[0], (N, D_IN), dtype=jnp.float32)
    edge_index = jax.random.randint(ks[1], (2, E), 0, N, dtype=jnp.int32)
    s1 = 1.0 / np.sqrt(D_IN)
    s2 = 1.0 / np.sqrt(D_HID)
    W1_neigh = jax.random.normal(ks[2], (D_IN, D_HID), dtype=jnp.float32) * s1
    W1_self = jax.random.normal(ks[3], (D_IN, D_HID), dtype=jnp.float32) * s1
    b1 = jnp.zeros((D_HID,), dtype=jnp.float32)
    W2_neigh = jax.random.normal(ks[4], (D_HID, D_OUT), dtype=jnp.float32) * s2
    W2_self = jax.random.normal(ks[5], (D_HID, D_OUT), dtype=jnp.float32) * s2
    b2 = jnp.zeros((D_OUT,), dtype=jnp.float32)
    return {
        'x': x,
        'edge_index': edge_index,
        'W1_neigh': W1_neigh,
        'W1_self': W1_self,
        'b1': b1,
        'W2_neigh': W2_neigh,
        'W2_self': W2_self,
        'b2': b2,
    }


def _sage_conv(x, src, dst, Wn, Ws, b, num_nodes):
    # mean-aggregator SAGEConv: lin_neigh(mean of neighbor feats) + lin_self(x) + b
    msg = jnp.take(x, src, axis=0)
    agg = jax.ops.segment_sum(msg, dst, num_segments=num_nodes)
    deg = jax.ops.segment_sum(jnp.ones((src.shape[0],), dtype=jnp.float32), dst, num_segments=num_nodes)
    mean = agg / jnp.clip(deg, 1.0)[:, None]
    return mean @ Wn + x @ Ws + b


def reference(x, edge_index, W1_neigh, W1_self, b1, W2_neigh, W2_self, b2):
    # encoding=False -> no edge removal; eval mode -> dropout is identity
    src = edge_index[0]
    dst = edge_index[1]
    h = _sage_conv(x, src, dst, W1_neigh, W1_self, b1, N)
    h = jax.nn.relu(h)
    h = _sage_conv(h, src, dst, W2_neigh, W2_self, b2, N)
    return jax.nn.log_softmax(h, axis=1)

if __name__ == "__main__":
    import jax
    _d = setup_inputs()
    print(jax.jit(kernel)(*tuple(_d.values())))

</pallas_src>

<mosaic_0001>
#map = affine_map<(d0, d1) -> (0, 0, 0)>
module attributes {stable_mosaic.version = 14 : i64} {
  func.func @body(%arg0: i32, %arg1: i32, %arg2: memref<2x10000x64xf32, #tpu.memory_space<hbm>>, %arg3: memref<2x16x20000xi32, #tpu.memory_space<hbm>>, %arg4: memref<2x10000x64xf32, #tpu.memory_space<hbm>>, %arg5: memref<20000xi32, #tpu.memory_space<vmem>>, %arg6: memref<20000xi32, #tpu.memory_space<vmem>>, %arg7: memref<128x64xf32, #tpu.memory_space<vmem>>, %arg8: memref<128x64xf32, #tpu.memory_space<vmem>>, %arg9: memref<128x64xf32, #tpu.memory_space<vmem>>, %arg10: memref<104x64xf32, #tpu.memory_space<vmem>>, %arg11: memref<10000x64xf32, #tpu.memory_space<vmem_shared>>, %arg12: memref<!tpu.dma_semaphore, #tpu.memory_space<semaphore_mem>>, %arg13: memref<!tpu.dma_semaphore, #tpu.memory_space<semaphore_mem>>, %arg14: memref<!tpu.dma_semaphore, #tpu.memory_space<semaphore_mem>>, %arg15: memref<!tpu.dma_semaphore, #tpu.memory_space<semaphore_mem>>, %arg16: memref<!tpu.dma_semaphore, #tpu.memory_space<semaphore_mem>>, %arg17: memref<!tpu.dma_semaphore, #tpu.memory_space<semaphore_mem>>) attributes {dimension_semantics = [#tpu.dimension_semantics<core_parallel>, #tpu.dimension_semantics<subcore_parallel>], iteration_bounds = array<i64: 2, 16>, scalar_prefetch = 0 : i64, scratch_operands = 13 : i64, tpu.core_type = #tpu.core_type<sc_vector_subcore>, window_params = [{transform_indices = #map}, {transform_indices = #map}, {transform_indices = #map}]} {
    %scan3A = arith.constant 0 : i32
    %scan3A_0 = arith.constant 0 : i32
    %scan3A_1 = arith.constant 104 : i32
    %scan3A_2 = arith.addi %scan3A_0, %scan3A_1 : i32
    %scan3A_3 = arith.constant 1 : i32
    %scan3A_4 = scf.for %scan3A_109 = %scan3A_0 to %scan3A_2 step %scan3A_3 iter_args(%scan3A_110 = %scan3A) -> (i32)  : i32 {
      %broadcast_in_dim3A = arith.constant 0.000000e+00 : f32
      %broadcast_in_dim3A_111 = vector.broadcast %broadcast_in_dim3A : f32 to vector<16xf32>
      %swap3A = arith.index_cast %scan3A_109 : i32 to index
      %swap3A_112 = arith.constant 0 : index
      %swap3A_113 = tpu.vector_load %arg10[%swap3A, %swap3A_112] {strides = array<i32>} : memref<104x64xf32, #tpu.memory_space<vmem>>, vector<1x16xf32>,
      %swap3A_114 = vector.shape_cast %swap3A_113 : vector<1x16xf32> to vector<16xf32>
      %swap3A_115 = vector.shape_cast %broadcast_in_dim3A_111 : vector<16xf32> to vector<1x16xf32>
      tpu.vector_store %arg10[%swap3A, %swap3A_112], %swap3A_115 {strides = array<i32>} : memref<104x64xf32, #tpu.memory_space<vmem>>, vector<1x16xf32>,
      %broadcast_in_dim3A_116 = arith.constant 0.000000e+00 : f32
      %broadcast_in_dim3A_117 = vector.broadcast %broadcast_in_dim3A_116 : f32 to vector<16xf32>
      %swap3A_118 = arith.index_cast %scan3A_109 : i32 to index
      %swap3A_119 = arith.constant 16 : index
      %swap3A_120 = tpu.vector_load %arg10[%swap3A_118, %swap3A_119] {strides = array<i32>} : memref<104x64xf32, #tpu.memory_space<vmem>>, vector<1x16xf32>,
      %swap3A_121 = vector.shape_cast %swap3A_120 : vector<1x16xf32> to vector<16xf32>
      %swap3A_122 = vector.shape_cast %broadcast_in_dim3A_117 : vector<16xf32> to vector<1x16xf32>
      tpu.vector_store %arg10[%swap3A_118, %swap3A_119], %swap3A_122 {strides = array<i32>} : memref<104x64xf32, #tpu.memory_space<vmem>>, vector<1x16xf32>,
      %broadcast_in_dim3A_123 = arith.constant 0.000000e+00 : f32
      %broadcast_in_dim3A_124 = vector.broadcast %broadcast_in_dim3A_123 : f32 to vector<16xf32>
      %swap3A_125 = arith.index_cast %scan3A_109 : i32 to index
      %swap3A_126 = arith.constant 32 : index
      %swap3A_127 = tpu.vector_load %arg10[%swap3A_125, %swap3A_126] {strides = array<i32>} : memref<104x64xf32, #tpu.memory_space<vmem>>, vector<1x16xf32>,
      %swap3A_128 = vector.shape_cast %swap3A_127 : vector<1x16xf32> to vector<16xf32>
      %swap3A_129 = vector.shape_cast %broadcast_in_dim3A_124 : vector<16xf32> to vector<1x16xf32>
      tpu.vector_store %arg10[%swap3A_125, %swap3A_126], %swap3A_129 {strides = array<i32>} : memref<104x64xf32, #tpu.memory_space<vmem>>, vector<1x16xf32>,
      %broadcast_in_dim3A_130 = arith.constant 0.000000e+00 : f32
      %broadcast_in_dim3A_131 = vector.broadcast %broadcast_in_dim3A_130 : f32 to vector<16xf32>
      %swap3A_132 = arith.index_cast %scan3A_109 : i32 to index
      %swap3A_133 = arith.constant 48 : index
      %swap3A_134 = tpu.vector_load %arg10[%swap3A_132, %swap3A_133] {strides = array<i32>} : memref<104x64xf32, #tpu.memory_space<vmem>>, vector<1x16xf32>,
      %swap3A_135 = vector.shape_cast %swap3A_134 : vector<1x16xf32> to vector<16xf32>
      %swap3A_136 = vector.shape_cast %broadcast_in_dim3A_131 : vector<16xf32> to vector<1x16xf32>
      tpu.vector_store %arg10[%swap3A_132, %swap3A_133], %swap3A_136 {strides = array<i32>} : memref<104x64xf32, #tpu.memory_space<vmem>>, vector<1x16xf32>,
      %scan3A_137 = arith.constant 0 : i32
      scf.yield %scan3A_137 : i32
    }
    %scan3A_5 = arith.constant 104 : i32
    %mul3A = arith.constant 624 : i32
    %mul3A_6 = arith.muli %arg1, %mul3A : i32
    %add3A = arith.constant 0 : i32
    %add3A_7 = arith.addi %mul3A_6, %add3A : i32
    "tpu.region"() ({
      %run_scoped3A_109 = tpu.sem_alloc : memref<!tpu.dma_semaphore, #tpu.memory_space<semaphore_mem>>
      %dma_start3A_110 = arith.constant 0 : i32
      %dma_start3A_111 = tpu.memref_slice %arg11[%add3A_7, %dma_start3A_110] : memref<10000x64xf32, #tpu.memory_space<vmem_shared>> -> memref<104x64xf32, #tpu.memory_space<vmem_shared>>
      %dma_start3A_112 = arith.constant 0 : i32
      %dma_start3A_113 = tpu.memref_slice %arg11[%add3A_7, %dma_start3A_112] : memref<10000x64xf32, #tpu.memory_space<vmem_shared>> -> memref<104x64xf32, #tpu.memory_space<vmem_shared>>
      tpu.enqueue_dma source(%arg10 : memref<104x64xf32, #tpu.memory_space<vmem>>) target(%dma_start3A_113 : memref<104x64xf32, #tpu.memory_space<vmem_shared>>) target_semaphore(%run_scoped3A_109 : memref<!tpu.dma_semaphore, #tpu.memory_space<semaphore_mem>>)
      %dma_wait3A_114 = arith.constant 0 : i32
      %dma_wait3A_115 = tpu.memref_slice %arg11[%add3A_7, %dma_wait3A_114] : memref<10000x64xf32, #tpu.memory_space<vmem_shared>> -> memref<104x64xf32, #tpu.memory_space<vmem_shared>>
      %dma_wait3A_116 = arith.constant 0 : i32
      %dma_wait3A_117 = tpu.memref_slice %arg11[%add3A_7, %dma_wait3A_116] : memref<10000x64xf32, #tpu.memory_space<vmem_shared>> -> memref<104x64xf32, #tpu.memory_space<vmem_shared>>
      tpu.wait_dma2 semaphore(%run_scoped3A_109 : memref<!tpu.dma_semaphore, #tpu.memory_space<semaphore_mem>>) src(%arg10 : memref<104x64xf32, #tpu.memory_space<vmem>>) dst(%dma_wait3A_117 : memref<104x64xf32, #tpu.memory_space<vmem_shared>>)
      tpu.yield
    }) : () -> ()
    %add3A_8 = arith.constant 104 : i32
    %add3A_9 = arith.addi %mul3A_6, %add3A_8 : i32
    "tpu.region"() ({
      %run_scoped3A_109 = tpu.sem_alloc : memref<!tpu.dma_semaphore, #tpu.memory_space<semaphore_mem>>
      %dma_start3A_110 = arith.constant 0 : i32
      %dma_start3A_111 = tpu.memref_slice %arg11[%add3A_9, %dma_start3A_110] : memref<10000x64xf32, #tpu.memory_space<vmem_shared>> -> memref<104x64xf32, #tpu.memory_space<vmem_shared>>
      %dma_start3A_112 = arith.constant 0 : i32
      %dma_start3A_113 = tpu.memref_slice %arg11[%add3A_9, %dma_start3A_112] : memref<10000x64xf32, #tpu.memory_space<vmem_shared>> -> memref<104x64xf32, #tpu.memory_space<vmem_shared>>
      tpu.enqueue_dma source(%arg10 : memref<104x64xf32, #tpu.memory_space<vmem>>) target(%dma_start3A_113 : memref<104x64xf32, #tpu.memory_space<vmem_shared>>) target_semaphore(%run_scoped3A_109 : memref<!tpu.dma_semaphore, #tpu.memory_space<semaphore_mem>>)
      %dma_wait3A_114 = arith.constant 0 : i32
      %dma_wait3A_115 = tpu.memref_slice %arg11[%add3A_9, %dma_wait3A_114] : memref<10000x64xf32, #tpu.memory_space<vmem_shared>> -> memref<104x64xf32, #tpu.memory_space<vmem_shared>>
      %dma_wait3A_116 = arith.constant 0 : i32
      %dma_wait3A_117 = tpu.memref_slice %arg11[%add3A_9, %dma_wait3A_116] : memref<10000x64xf32, #tpu.memory_space<vmem_shared>> -> memref<104x64xf32, #tpu.memory_space<vmem_shared>>
      tpu.wait_dma2 semaphore(%run_scoped3A_109 : memref<!tpu.dma_semaphore, #tpu.memory_space<semaphore_mem>>) src(%arg10 : memref<104x64xf32, #tpu.memory_space<vmem>>) dst(%dma_wait3A_117 : memref<104x64xf32, #tpu.memory_space<vmem_shared>>)
      tpu.yield
    }) : () -> ()
    %add3A_10 = arith.constant 208 : i32
    %add3A_11 = arith.addi %mul3A_6, %add3A_10 : i32
    "tpu.region"() ({
      %run_scoped3A_109 = tpu.sem_alloc : memref<!tpu.dma_semaphore, #tpu.memory_space<semaphore_mem>>
      %dma_start3A_110 = arith.constant 0 : i32
      %dma_start3A_111 = tpu.memref_slice %arg11[%add3A_11, %dma_start3A_110] : memref<10000x64xf32, #tpu.memory_space<vmem_shared>> -> memref<104x64xf32, #tpu.memory_space<vmem_shared>>
      %dma_start3A_112 = arith.constant 0 : i32
      %dma_start3A_113 = tpu.memref_slice %arg11[%add3A_11, %dma_start3A_112] : memref<10000x64xf32, #tpu.memory_space<vmem_shared>> -> memref<104x64xf32, #tpu.memory_space<vmem_shared>>
      tpu.enqueue_dma source(%arg10 : memref<104x64xf32, #tpu.memory_space<vmem>>) target(%dma_start3A_113 : memref<104x64xf32, #tpu.memory_space<vmem_shared>>) target_semaphore(%run_scoped3A_109 : memref<!tpu.dma_semaphore, #tpu.memory_space<semaphore_mem>>)
      %dma_wait3A_114 = arith.constant 0 : i32
      %dma_wait3A_115 = tpu.memref_slice %arg11[%add3A_11, %dma_wait3A_114] : memref<10000x64xf32, #tpu.memory_space<vmem_shared>> -> memref<104x64xf32, #tpu.memory_space<vmem_shared>>
      %dma_wait3A_116 = arith.constant 0 : i32
      %dma_wait3A_117 = tpu.memref_slice %arg11[%add3A_11, %dma_wait3A_116] : memref<10000x64xf32, #tpu.memory_space<vmem_shared>> -> memref<104x64xf32, #tpu.memory_space<vmem_shared>>
      tpu.wait_dma2 semaphore(%run_scoped3A_109 : memref<!tpu.dma_semaphore, #tpu.memory_space<semaphore_mem>>) src(%arg10 : memref<104x64xf32, #tpu.memory_space<vmem>>) dst(%dma_wait3A_117 : memref<104x64xf32, #tpu.memory_space<vmem_shared>>)
      tpu.yield
    }) : () -> ()
    %add3A_12 = arith.constant 312 : i32
    %add3A_13 = arith.addi %mul3A_6, %add3A_12 : i32
    "tpu.region"() ({
      %run_scoped3A_109 = tpu.sem_alloc : memref<!tpu.dma_semaphore, #tpu.memory_space<semaphore_mem>>
      %dma_start3A_110 = arith.constant 0 : i32
      %dma_start3A_111 = tpu.memref_slice %arg11[%add3A_13, %dma_start3A_110] : memref<10000x64xf32, #tpu.memory_space<vmem_shared>> -> memref<104x64xf32, #tpu.memory_space<vmem_shared>>
      %dma_start3A_112 = arith.constant 0 : i32
      %dma_start3A_113 = tpu.memref_slice %arg11[%add3A_13, %dma_start3A_112] : memref<10000x64xf32, #tpu.memory_space<vmem_shared>> -> memref<104x64xf32, #tpu.memory_space<vmem_shared>>
      tpu.enqueue_dma source(%arg10 : memref<104x64xf32, #tpu.memory_space<vmem>>) target(%dma_start3A_113 : memref<104x64xf32, #tpu.memory_space<vmem_shared>>) target_semaphore(%run_scoped3A_109 : memref<!tpu.dma_semaphore, #tpu.memory_space<semaphore_mem>>)
      %dma_wait3A_114 = arith.constant 0 : i32
      %dma_wait3A_115 = tpu.memref_slice %arg11[%add3A_13, %dma_wait3A_114] : memref<10000x64xf32, #tpu.memory_space<vmem_shared>> -> memref<104x64xf32, #tpu.memory_space<vmem_shared>>
      %dma_wait3A_116 = arith.constant 0 : i32
      %dma_wait3A_117 = tpu.memref_slice %arg11[%add3A_13, %dma_wait3A_116] : memref<10000x64xf32, #tpu.memory_space<vmem_shared>> -> memref<104x64xf32, #tpu.memory_space<vmem_shared>>
      tpu.wait_dma2 semaphore(%run_scoped3A_109 : memref<!tpu.dma_semaphore, #tpu.memory_space<semaphore_mem>>) src(%arg10 : memref<104x64xf32, #tpu.memory_space<vmem>>) dst(%dma_wait3A_117 : memref<104x64xf32, #tpu.memory_space<vmem_shared>>)
      tpu.yield
    }) : () -> ()
    %add3A_14 = arith.constant 416 : i32
    %add3A_15 = arith.addi %mul3A_6, %add3A_14 : i32
    "tpu.region"() ({
      %run_scoped3A_109 = tpu.sem_alloc : memref<!tpu.dma_semaphore, #tpu.memory_space<semaphore_mem>>
      %dma_start3A_110 = arith.constant 0 : i32
      %dma_start3A_111 = tpu.memref_slice %arg11[%add3A_15, %dma_start3A_110] : memref<10000x64xf32, #tpu.memory_space<vmem_shared>> -> memref<104x64xf32, #tpu.memory_space<vmem_shared>>
      %dma_start3A_112 = arith.constant 0 : i32
      %dma_start3A_113 = tpu.memref_slice %arg11[%add3A_15, %dma_start3A_112] : memref<10000x64xf32, #tpu.memory_space<vmem_shared>> -> memref<104x64xf32, #tpu.memory_space<vmem_shared>>
      tpu.enqueue_dma source(%arg10 : memref<104x64xf32, #tpu.memory_space<vmem>>) target(%dma_start3A_113 : memref<104x64xf32, #tpu.memory_space<vmem_shared>>) target_semaphore(%run_scoped3A_109 : memref<!tpu.dma_semaphore, #tpu.memory_space<semaphore_mem>>)
      %dma_wait3A_114 = arith.constant 0 : i32
      %dma_wait3A_115 = tpu.memref_slice %arg11[%add3A_15, %dma_wait3A_114] : memref<10000x64xf32, #tpu.memory_space<vmem_shared>> -> memref<104x64xf32, #tpu.memory_space<vmem_shared>>
      %dma_wait3A_116 = arith.constant 0 : i32
      %dma_wait3A_117 = tpu.memref_slice %arg11[%add3A_15, %dma_wait3A_116] : memref<10000x64xf32, #tpu.memory_space<vmem_shared>> -> memref<104x64xf32, #tpu.memory_space<vmem_shared>>
      tpu.wait_dma2 semaphore(%run_scoped3A_109 : memref<!tpu.dma_semaphore, #tpu.memory_space<semaphore_mem>>) src(%arg10 : memref<104x64xf32, #tpu.memory_space<vmem>>) dst(%dma_wait3A_117 : memref<104x64xf32, #tpu.memory_space<vmem_shared>>)
      tpu.yield
    }) : () -> ()
    %add3A_16 = arith.constant 520 : i32
    %add3A_17 = arith.addi %mul3A_6, %add3A_16 : i32
    "tpu.region"() ({
      %run_scoped3A_109 = tpu.sem_alloc : memref<!tpu.dma_semaphore, #tpu.memory_space<semaphore_mem>>
      %dma_start3A_110 = arith.constant 0 : i32
      %dma_start3A_111 = tpu.memref_slice %arg11[%add3A_17, %dma_start3A_110] : memref<10000x64xf32, #tpu.memory_space<vmem_shared>> -> memref<104x64xf32, #tpu.memory_space<vmem_shared>>
      %dma_start3A_112 = arith.constant 0 : i32
      %dma_start3A_113 = tpu.memref_slice %arg11[%add3A_17, %dma_start3A_112] : memref<10000x64xf32, #tpu.memory_space<vmem_shared>> -> memref<104x64xf32, #tpu.memory_space<vmem_shared>>
      tpu.enqueue_dma source(%arg10 : memref<104x64xf32, #tpu.memory_space<vmem>>) target(%dma_start3A_113 : memref<104x64xf32, #tpu.memory_space<vmem_shared>>) target_semaphore(%run_scoped3A_109 : memref<!tpu.dma_semaphore, #tpu.memory_space<semaphore_mem>>)
      %dma_wait3A_114 = arith.constant 0 : i32
      %dma_wait3A_115 = tpu.memref_slice %arg11[%add3A_17, %dma_wait3A_114] : memref<10000x64xf32, #tpu.memory_space<vmem_shared>> -> memref<104x64xf32, #tpu.memory_space<vmem_shared>>
      %dma_wait3A_116 = arith.constant 0 : i32
      %dma_wait3A_117 = tpu.memref_slice %arg11[%add3A_17, %dma_wait3A_116] : memref<10000x64xf32, #tpu.memory_space<vmem_shared>> -> memref<104x64xf32, #tpu.memory_space<vmem_shared>>
      tpu.wait_dma2 semaphore(%run_scoped3A_109 : memref<!tpu.dma_semaphore, #tpu.memory_space<semaphore_mem>>) src(%arg10 : memref<104x64xf32, #tpu.memory_space<vmem>>) dst(%dma_wait3A_117 : memref<104x64xf32, #tpu.memory_space<vmem_shared>>)
      tpu.yield
    }) : () -> ()
    %eq3A = arith.constant 15 : i32
    %eq3A_18 = arith.cmpi eq, %arg1, %eq3A : i32
    %convert_element_type3A = arith.extui %eq3A_18 : i1 to i32
    %cond3A = arith.constant 0 : i32
    %cond3A_19 = arith.cmpi ne, %convert_element_type3A, %cond3A : i32
    scf.if %cond3A_19 {
      "tpu.region"() ({
        %run_scoped3A_109 = tpu.sem_alloc : memref<!tpu.dma_semaphore, #tpu.memory_space<semaphore_mem>>
        %dma_start3A_110 = arith.constant 0 : i32
        %dma_start3A_111 = arith.constant 0 : i32
        %dma_start3A_112 = tpu.memref_slice %arg10[%dma_start3A_110, %dma_start3A_111] : memref<104x64xf32, #tpu.memory_space<vmem>> -> memref<16x64xf32, #tpu.memory_space<vmem>>
        %dma_start3A_113 = arith.constant 9984 : i32
        %dma_start3A_114 = arith.constant 0 : i32
        %dma_start3A_115 = tpu.memref_slice %arg11[%dma_start3A_113, %dma_start3A_114] : memref<10000x64xf32, #tpu.memory_space<vmem_shared>> -> memref<16x64xf32, #tpu.memory_space<vmem_shared>>
        %dma_start3A_116 = arith.constant 9984 : i32
        %dma_start3A_117 = arith.constant 0 : i32
        %dma_start3A_118 = tpu.memref_slice %arg11[%dma_start3A_116, %dma_start3A_117] : memref<10000x64xf32, #tpu.memory_space<vmem_shared>> -> memref<16x64xf32, #tpu.memory_space<vmem_shared>>
        %dma_start3A_119 = arith.constant 0 : i32
        %dma_start3A_120 = arith.constant 0 : i32
        %dma_start3A_121 = tpu.memref_slice %arg10[%dma_start3A_119, %dma_start3A_120] : memref<104x64xf32, #tpu.memory_space<vmem>> -> memref<16x64xf32, #tpu.memory_space<vmem>>
        tpu.enqueue_dma source(%dma_start3A_121 : memref<16x64xf32, #tpu.memory_space<vmem>>) target(%dma_start3A_118 : memref<16x64xf32, #tpu.memory_space<vmem_shared>>) target_semaphore(%run_scoped3A_109 : memref<!tpu.dma_semaphore, #tpu.memory_space<semaphore_mem>>)
        %dma_wait3A_122 = arith.constant 0 : i32
        %dma_wait3A_123 = arith.constant 0 : i32
        %dma_wait3A_124 = tpu.memref_slice %arg10[%dma_wait3A_122, %dma_wait3A_123] : memref<104x64xf32, #tpu.memory_space<vmem>> -> memref<16x64xf32, #tpu.memory_space<vmem>>
        %dma_wait3A_125 = arith.constant 9984 : i32
        %dma_wait3A_126 = arith.constant 0 : i32
        %dma_wait3A_127 = tpu.memref_slice %arg11[%dma_wait3A_125, %dma_wait3A_126] : memref<10000x64xf32, #tpu.memory_space<vmem_shared>> -> memref<16x64xf32, #tpu.memory_space<vmem_shared>>
        %dma_wait3A_128 = arith.constant 9984 : i32
        %dma_wait3A_129 = arith.constant 0 : i32
        %dma_wait3A_130 = tpu.memref_slice %arg11[%dma_wait3A_128, %dma_wait3A_129] : memref<10000x64xf32, #tpu.memory_space<vmem_shared>> -> memref<16x64xf32, #tpu.memory_space<vmem_shared>>
        %dma_wait3A_131 = arith.constant 0 : i32
        %dma_wait3A_132 = arith.constant 0 : i32
        %dma_wait3A_133 = tpu.memref_slice %arg10[%dma_wait3A_131, %dma_wait3A_132] : memref<104x64xf32, #tpu.memory_space<vmem>> -> memref<16x64xf32, #tpu.memory_space<vmem>>
        tpu.wait_dma2 semaphore(%run_scoped3A_109 : memref<!tpu.dma_semaphore, #tpu.memory_space<semaphore_mem>>) src(%dma_wait3A_133 : memref<16x64xf32, #tpu.memory_space<vmem>>) dst(%dma_wait3A_130 : memref<16x64xf32, #tpu.memory_space<vmem_shared>>)
        tpu.yield
      }) : () -> ()
    } else {
    }
    %run_scoped3A = arith.constant 0 : i32
    "tpu.region"() ({
      %run_scoped3A_109 = tpu.sem_alloc : memref<!tpu.dma_semaphore, #tpu.memory_space<semaphore_mem>>
      %dma_start3A_110 = arith.constant 0 : i32
      %dma_start3A_111 = tpu.memref_slice %arg3[%run_scoped3A, %arg1, %dma_start3A_110] : memref<2x16x20000xi32, #tpu.memory_space<hbm>> -> memref<1x1x20000xi32, #tpu.memory_space<hbm>>
      %dma_start3A_112 = tpu.memref_squeeze %dma_start3A_111 : memref<1x1x20000xi32, #tpu.memory_space<hbm>> -> memref<20000xi32, #tpu.memory_space<hbm>>
      %dma_start3A_113 = arith.constant 0 : i32
      %dma_start3A_114 = tpu.memref_slice %arg3[%run_scoped3A, %arg1, %dma_start3A_113] : memref<2x16x20000xi32, #tpu.memory_space<hbm>> -> memref<1x1x20000xi32, #tpu.memory_space<hbm>>
      %dma_start3A_115 = tpu.memref_squeeze %dma_start3A_114 : memref<1x1x20000xi32, #tpu.memory_space<hbm>> -> memref<20000xi32, #tpu.memory_space<hbm>>
      tpu.enqueue_dma source(%dma_start3A_115 : memref<20000xi32, #tpu.memory_space<hbm>>) target(%arg5 : memref<20000xi32, #tpu.memory_space<vmem>>) target_semaphore(%run_scoped3A_109 : memref<!tpu.dma_semaphore, #tpu.memory_space<semaphore_mem>>)
      %dma_wait3A_116 = arith.constant 0 : i32
      %dma_wait3A_117 = tpu.memref_slice %arg3[%run_scoped3A, %arg1, %dma_wait3A_116] : memref<2x16x20000xi32, #tpu.memory_space<hbm>> -> memref<1x1x20000xi32, #tpu.memory_space<hbm>>
      %dma_wait3A_118 = tpu.memref_squeeze %dma_wait3A_117 : memref<1x1x20000xi32, #tpu.memory_space<hbm>> -> memref<20000xi32, #tpu.memory_space<hbm>>
      %dma_wait3A_119 = arith.constant 0 : i32
      %dma_wait3A_120 = tpu.memref_slice %arg3[%run_scoped3A, %arg1, %dma_wait3A_119] : memref<2x16x20000xi32, #tpu.memory_space<hbm>> -> memref<1x1x20000xi32, #tpu.memory_space<hbm>>
      %dma_wait3A_121 = tpu.memref_squeeze %dma_wait3A_120 : memref<1x1x20000xi32, #tpu.memory_space<hbm>> -> memref<20000xi32, #tpu.memory_space<hbm>>
      tpu.wait_dma2 semaphore(%run_scoped3A_109 : memref<!tpu.dma_semaphore, #tpu.memory_space<semaphore_mem>>) src(%dma_wait3A_121 : memref<20000xi32, #tpu.memory_space<hbm>>) dst(%arg5 : memref<20000xi32, #tpu.memory_space<vmem>>)
      tpu.yield
    }) : () -> ()
    %run_scoped3A_20 = arith.constant 1 : i32
    "tpu.region"() ({
      %run_scoped3A_109 = tpu.sem_alloc : memref<!tpu.dma_semaphore, #tpu.memory_space<semaphore_mem>>
      %dma_start3A_110 = arith.constant 0 : i32
      %dma_start3A_111 = tpu.memref_slice %arg3[%run_scoped3A_20, %arg1, %dma_start3A_110] : memref<2x16x20000xi32, #tpu.memory_space<hbm>> -> memref<1x1x20000xi32, #tpu.memory_space<hbm>>
      %dma_start3A_112 = tpu.memref_squeeze %dma_start3A_111 : memref<1x1x20000xi32, #tpu.memory_space<hbm>> -> memref<20000xi32, #tpu.memory_space<hbm>>
      %dma_start3A_113 = arith.constant 0 : i32
      %dma_start3A_114 = tpu.memref_slice %arg3[%run_scoped3A_20, %arg1, %dma_start3A_113] : memref<2x16x20000xi32, #tpu.memory_space<hbm>> -> memref<1x1x20000xi32, #tpu.memory_space<hbm>>
      %dma_start3A_115 = tpu.memref_squeeze %dma_start3A_114 : memref<1x1x20000xi32, #tpu.memory_space<hbm>> -> memref<20000xi32, #tpu.memory_space<hbm>>
      tpu.enqueue_dma source(%dma_start3A_115 : memref<20000xi32, #tpu.memory_space<hbm>>) target(%arg6 : memref<20000xi32, #tpu.memory_space<vmem>>) target_semaphore(%run_scoped3A_109 : memref<!tpu.dma_semaphore, #tpu.memory_space<semaphore_mem>>)
      %dma_wait3A_116 = arith.constant 0 : i32
      %dma_wait3A_117 = tpu.memref_slice %arg3[%run_scoped3A_20, %arg1, %dma_wait3A_116] : memref<2x16x20000xi32, #tpu.memory_space<hbm>> -> memref<1x1x20000xi32, #tpu.memory_space<hbm>>
      %dma_wait3A_118 = tpu.memref_squeeze %dma_wait3A_117 : memref<1x1x20000xi32, #tpu.memory_space<hbm>> -> memref<20000xi32, #tpu.memory_space<hbm>>
      %dma_wait3A_119 = arith.constant 0 : i32
      %dma_wait3A_120 = tpu.memref_slice %arg3[%run_scoped3A_20, %arg1, %dma_wait3A_119] : memref<2x16x20000xi32, #tpu.memory_space<hbm>> -> memref<1x1x20000xi32, #tpu.memory_space<hbm>>
      %dma_wait3A_121 = tpu.memref_squeeze %dma_wait3A_120 : memref<1x1x20000xi32, #tpu.memory_space<hbm>> -> memref<20000xi32, #tpu.memory_space<hbm>>
      tpu.wait_dma2 semaphore(%run_scoped3A_109 : memref<!tpu.dma_semaphore, #tpu.memory_space<semaphore_mem>>) src(%dma_wait3A_121 : memref<20000xi32, #tpu.memory_space<hbm>>) dst(%arg6 : memref<20000xi32, #tpu.memory_space<vmem>>)
      tpu.yield
    }) : () -> ()
    %barrier3A = arith.constant 0 : index
    tpu.barrier barrier_id(%barrier3A)
    %dma_start3A = arith.constant 0 : i32
    %dma_start3A_21 = tpu.memref_slice %arg5[%dma_start3A] : memref<20000xi32, #tpu.memory_space<vmem>> -> memref<128xi32, #tpu.memory_space<vmem>>
    %dma_start3A_22 = arith.constant 0 : i32
    %dma_start3A_23 = arith.constant 0 : i32
    %dma_start3A_24 = tpu.memref_slice %arg2[%arg0, %dma_start3A_22, %dma_start3A_23] : memref<2x10000x64xf32, #tpu.memory_space<hbm>> -> memref<1x10000x64xf32, #tpu.memory_space<hbm>>
    %dma_start3A_25 = tpu.memref_squeeze %dma_start3A_24 : memref<1x10000x64xf32, #tpu.memory_space<hbm>> -> memref<10000x64xf32, #tpu.memory_space<hbm>>
    %dma_start3A_26 = arith.constant 0 : i32
    %dma_start3A_27 = arith.constant 0 : i32
    %dma_start3A_28 = tpu.memref_slice %dma_start3A_25[%dma_start3A_26, %dma_start3A_27] : memref<10000x64xf32, #tpu.memory_space<hbm>> -> memref<10000x64xf32, #tpu.memory_space<hbm>>
    tpu.enqueue_indirect_dma source(%dma_start3A_28 : memref<10000x64xf32, #tpu.memory_space<hbm>>) target(%arg7 : memref<128x64xf32, #tpu.memory_space<vmem>>) offsets(%dma_start3A_21 : memref<128xi32, #tpu.memory_space<vmem>>) semaphore(%arg12 : memref<!tpu.dma_semaphore, #tpu.memory_space<semaphore_mem>>)
    %dma_start3A_29 = arith.constant 128 : i32
    %dma_start3A_30 = tpu.memref_slice %arg5[%dma_start3A_29] : memref<20000xi32, #tpu.memory_space<vmem>> -> memref<128xi32, #tpu.memory_space<vmem>>
    %dma_start3A_31 = arith.constant 0 : i32
    %dma_start3A_32 = arith.constant 0 : i32
    %dma_start3A_33 = tpu.memref_slice %arg2[%arg0, %dma_start3A_31, %dma_start3A_32] : memref<2x10000x64xf32, #tpu.memory_space<hbm>> -> memref<1x10000x64xf32, #tpu.memory_space<hbm>>
    %dma_start3A_34 = tpu.memref_squeeze %dma_start3A_33 : memref<1x10000x64xf32, #tpu.memory_space<hbm>> -> memref<10000x64xf32, #tpu.memory_space<hbm>>
    %dma_start3A_35 = arith.constant 0 : i32
    %dma_start3A_36 = arith.constant 0 : i32
    %dma_start3A_37 = tpu.memref_slice %dma_start3A_34[%dma_start3A_35, %dma_start3A_36] : memref<10000x64xf32, #tpu.memory_space<hbm>> -> memref<10000x64xf32, #tpu.memory_space<hbm>>
    tpu.enqueue_indirect_dma source(%dma_start3A_37 : memref<10000x64xf32, #tpu.memory_space<hbm>>) target(%arg8 : memref<128x64xf32, #tpu.memory_space<vmem>>) offsets(%dma_start3A_30 : memref<128xi32, #tpu.memory_space<vmem>>) semaphore(%arg13 : memref<!tpu.dma_semaphore, #tpu.memory_space<semaphore_mem>>)
    %scan3A_38 = arith.constant 0 : i32
    %scan3A_39 = arith.constant 0 : i32
    %scan3A_40 = arith.constant 52 : i32
    %scan3A_41 = arith.addi %scan3A_39, %scan3A_40 : i32
    %scan3A_42 = arith.constant 1 : i32
    %scan3A_43 = scf.for %scan3A_109 = %scan3A_39 to %scan3A_41 step %scan3A_42 iter_args(%scan3A_110 = %scan3A_38) -> (i32)  : i32 {
      %mul3A_111 = arith.constant 3 : i32
      %mul3A_112 = arith.muli %scan3A_109, %mul3A_111 : i32
      %add3A_113 = arith.constant 0 : i32
      %add3A_114 = arith.addi %mul3A_112, %add3A_113 : i32
      %mul3A_115 = arith.constant 128 : i32
      %mul3A_116 = arith.muli %add3A_114, %mul3A_115 : i32
      %dma_wait3A_117 = tpu.memref_slice %arg5[%mul3A_116] : memref<20000xi32, #tpu.memory_space<vmem>> -> memref<128xi32, #tpu.memory_space<vmem>>
      %dma_wait3A_118 = arith.constant 0 : i32
      %dma_wait3A_119 = arith.constant 0 : i32
      %dma_wait3A_120 = tpu.memref_slice %arg2[%arg0, %dma_wait3A_118, %dma_wait3A_119] : memref<2x10000x64xf32, #tpu.memory_space<hbm>> -> memref<1x10000x64xf32, #tpu.memory_space<hbm>>
      %dma_wait3A_121 = tpu.memref_squeeze %dma_wait3A_120 : memref<1x10000x64xf32, #tpu.memory_space<hbm>> -> memref<10000x64xf32, #tpu.memory_space<hbm>>
      %dma_wait3A_122 = arith.constant 0 : i32
      %dma_wait3A_123 = arith.constant 0 : i32
      %dma_wait3A_124 = tpu.memref_slice %dma_wait3A_121[%dma_wait3A_122, %dma_wait3A_123] : memref<10000x64xf32, #tpu.memory_space<hbm>> -> memref<10000x64xf32, #tpu.memory_space<hbm>>
      tpu.wait_indirect_dma semaphore(%arg12 : memref<!tpu.dma_semaphore, #tpu.memory_space<semaphore_mem>>) src(%dma_wait3A_124 : memref<10000x64xf32, #tpu.memory_space<hbm>>) dst(%arg7 : memref<128x64xf32, #tpu.memory_space<vmem>>)
      %add3A_125 = arith.constant 3 : i32
      %add3A_126 = arith.addi %add3A_114, %add3A_125 : i32
      %sub3A = arith.constant 1 : i32
      %sub3A_127 = arith.subi %add3A_126, %sub3A : i32
      %lt3A_128 = arith.constant 156 : i32
      %lt3A_129 = arith.cmpi slt, %sub3A_127, %lt3A_128 : i32
      %convert_element_type3A_130 = arith.extui %lt3A_129 : i1 to i32
      %cond3A_131 = arith.constant 0 : i32
      %cond3A_132 = arith.cmpi ne, %convert_element_type3A_130, %cond3A_131 : i32
      scf.if %cond3A_132 {
        %ge3A = arith.constant 1 : i32
        %ge3A_198 = arith.cmpi sge, %add3A_114, %ge3A : i32
        %convert_element_type3A_199 = arith.extui %ge3A_198 : i1 to i32
        %cond3A_200 = arith.constant 0 : i32
        %cond3A_201 = arith.cmpi ne, %convert_element_type3A_199, %cond3A_200 : i32
        scf.if %cond3A_201 {
          %mul3A_216 = arith.constant 128 : i32
          %mul3A_217 = arith.muli %add3A_114, %mul3A_216 : i32
          %dma_wait3A_218 = tpu.memref_slice %arg6[%mul3A_217] : memref<20000xi32, #tpu.memory_space<vmem>> -> memref<128xi32, #tpu.memory_space<vmem>>
          %dma_wait3A_219 = arith.constant 0 : i32
          %dma_wait3A_220 = arith.constant 0 : i32
          %dma_wait3A_221 = tpu.memref_slice %arg11[%dma_wait3A_219, %dma_wait3A_220] : memref<10000x64xf32, #tpu.memory_space<vmem_shared>> -> memref<10000x64xf32, #tpu.memory_space<vmem_shared>>
          tpu.wait_indirect_dma semaphore(%arg17 : memref<!tpu.dma_semaphore, #tpu.memory_space<semaphore_mem>>) src(%arg9 : memref<128x64xf32, #tpu.memory_space<vmem>>) dst(%dma_wait3A_221 : memref<10000x64xf32, #tpu.memory_space<vmem_shared>>)
        } else {
        }
        %add3A_202 = arith.constant 3 : i32
        %add3A_203 = arith.addi %add3A_114, %add3A_202 : i32
        %sub3A_204 = arith.constant 1 : i32
        %sub3A_205 = arith.subi %add3A_203, %sub3A_204 : i32
        %mul3A_206 = arith.constant 128 : i32
        %mul3A_207 = arith.muli %sub3A_205, %mul3A_206 : i32
        %dma_start3A_208 = tpu.memref_slice %arg5[%mul3A_207] : memref<20000xi32, #tpu.memory_space<vmem>> -> memref<128xi32, #tpu.memory_space<vmem>>
        %dma_start3A_209 = arith.constant 0 : i32
        %dma_start3A_210 = arith.constant 0 : i32
        %dma_start3A_211 = tpu.memref_slice %arg2[%arg0, %dma_start3A_209, %dma_start3A_210] : memref<2x10000x64xf32, #tpu.memory_space<hbm>> -> memref<1x10000x64xf32, #tpu.memory_space<hbm>>
        %dma_start3A_212 = tpu.memref_squeeze %dma_start3A_211 : memref<1x10000x64xf32, #tpu.memory_space<hbm>> -> memref<10000x64xf32, #tpu.memory_space<hbm>>
        %dma_start3A_213 = arith.constant 0 : i32
        %dma_start3A_214 = arith.constant 0 : i32
        %dma_start3A_215 = tpu.memref_slice %dma_start3A_212[%dma_start3A_213, %dma_start3A_214] : memref<10000x64xf32, #tpu.memory_space<hbm>> -> memref<10000x64xf32, #tpu.memory_space<hbm>>
        tpu.enqueue_indirect_dma source(%dma_start3A_215 : memref<10000x64xf32, #tpu.memory_space<hbm>>) target(%arg9 : memref<128x64xf32, #tpu.memory_space<vmem>>) offsets(%dma_start3A_208 : memref<128xi32, #tpu.memory_space<vmem>>) semaphore(%arg14 : memref<!tpu.dma_semaphore, #tpu.memory_space<semaphore_mem>>)
      } else {
      }
      %mul3A_133 = arith.constant 128 : i32
      %mul3A_134 = arith.muli %add3A_114, %mul3A_133 : i32
      %dma_start3A_135 = tpu.memref_slice %arg6[%mul3A_134] : memref<20000xi32, #tpu.memory_space<vmem>> -> memref<128xi32, #tpu.memory_space<vmem>>
      %dma_start3A_136 = arith.constant 0 : i32
      %dma_start3A_137 = arith.constant 0 : i32
      %dma_start3A_138 = tpu.memref_slice %arg11[%dma_start3A_136, %dma_start3A_137] : memref<10000x64xf32, #tpu.memory_space<vmem_shared>> -> memref<10000x64xf32, #tpu.memory_space<vmem_shared>>
      tpu.enqueue_indirect_dma source(%arg7 : memref<128x64xf32, #tpu.memory_space<vmem>>) target(%dma_start3A_138 : memref<10000x64xf32, #tpu.memory_space<vmem_shared>>) offsets(%dma_start3A_135 : memref<128xi32, #tpu.memory_space<vmem>>) semaphore(%arg15 : memref<!tpu.dma_semaphore, #tpu.memory_space<semaphore_mem>>) {add = true}
      %mul3A_139 = arith.constant 3 : i32
      %mul3A_140 = arith.muli %scan3A_109, %mul3A_139 : i32
      %add3A_141 = arith.constant 1 : i32
      %add3A_142 = arith.addi %mul3A_140, %add3A_141 : i32
      %mul3A_143 = arith.constant 128 : i32
      %mul3A_144 = arith.muli %add3A_142, %mul3A_143 : i32
      %dma_wait3A_145 = tpu.memref_slice %arg5[%mul3A_144] : memref<20000xi32, #tpu.memory_space<vmem>> -> memref<128xi32, #tpu.memory_space<vmem>>
      %dma_wait3A_146 = arith.constant 0 : i32
      %dma_wait3A_147 = arith.constant 0 : i32
      %dma_wait3A_148 = tpu.memref_slice %arg2[%arg0, %dma_wait3A_146, %dma_wait3A_147] : memref<2x10000x64xf32, #tpu.memory_space<hbm>> -> memref<1x10000x64xf32, #tpu.memory_space<hbm>>
      %dma_wait3A_149 = tpu.memref_squeeze %dma_wait3A_148 : memref<1x10000x64xf32, #tpu.memory_space<hbm>> -> memref<10000x64xf32, #tpu.memory_space<hbm>>
      %dma_wait3A_150 = arith.constant 0 : i32
      %dma_wait3A_151 = arith.constant 0 : i32
      %dma_wait3A_152 = tpu.memref_slice %dma_wait3A_149[%dma_wait3A_150, %dma_wait3A_151] : memref<10000x64xf32, #tpu.memory_space<hbm>> -> memref<10000x64xf32, #tpu.memory_space<hbm>>
      tpu.wait_indirect_dma semaphore(%arg13 : memref<!tpu.dma_semaphore, #tpu.memory_space<semaphore_mem>>) src(%dma_wait3A_152 : memref<10000x64xf32, #tpu.memory_space<hbm>>) dst(%arg8 : memref<128x64xf32, #tpu.memory_space<vmem>>)
      %add3A_153 = arith.constant 3 : i32
      %add3A_154 = arith.addi %add3A_142, %add3A_153 : i32
      %sub3A_155 = arith.constant 1 : i32
      %sub3A_156 = arith.subi %add3A_154, %sub3A_155 : i32
      %lt3A_157 = arith.constant 156 : i32
      %lt3A_158 = arith.cmpi slt, %sub3A_156, %lt3A_157 : i32
      %convert_element_type3A_159 = arith.extui %lt3A_158 : i1 to i32
      %cond3A_160 = arith.constant 0 : i32
      %cond3A_161 = arith.cmpi ne, %convert_element_type3A_159, %cond3A_160 : i32
      scf.if %cond3A_161 {
        %ge3A = arith.constant 1 : i32
        %ge3A_198 = arith.cmpi sge, %add3A_142, %ge3A : i32
        %convert_element_type3A_199 = arith.extui %ge3A_198 : i1 to i32
        %cond3A_200 = arith.constant 0 : i32
        %cond3A_201 = arith.cmpi ne, %convert_element_type3A_199, %cond3A_200 : i32
        scf.if %cond3A_201 {
          %mul3A_216 = arith.constant 128 : i32
          %mul3A_217 = arith.muli %add3A_142, %mul3A_216 : i32
          %dma_wait3A_218 = tpu.memref_slice %arg6[%mul3A_217] : memref<20000xi32, #tpu.memory_space<vmem>> -> memref<128xi32, #tpu.memory_space<vmem>>
          %dma_wait3A_219 = arith.constant 0 : i32
          %dma_wait3A_220 = arith.constant 0 : i32
          %dma_wait3A_221 = tpu.memref_slice %arg11[%dma_wait3A_219, %dma_wait3A_220] : memref<10000x64xf32, #tpu.memory_space<vmem_shared>> -> memref<10000x64xf32, #tpu.memory_space<vmem_shared>>
          tpu.wait_indirect_dma semaphore(%arg15 : memref<!tpu.dma_semaphore, #tpu.memory_space<semaphore_mem>>) src(%arg7 : memref<128x64xf32, #tpu.memory_space<vmem>>) dst(%dma_wait3A_221 : memref<10000x64xf32, #tpu.memory_space<vmem_shared>>)
        } else {
        }
        %add3A_202 = arith.constant 3 : i32
        %add3A_203 = arith.addi %add3A_142, %add3A_202 : i32
        %sub3A_204 = arith.constant 1 : i32
        %sub3A_205 = arith.subi %add3A_203, %sub3A_204 : i32
        %mul3A_206 = arith.constant 128 : i32
        %mul3A_207 = arith.muli %sub3A_205, %mul3A_206 : i32
        %dma_start3A_208 = tpu.memref_slice %arg5[%mul3A_207] : memref<20000xi32, #tpu.memory_space<vmem>> -> memref<128xi32, #tpu.memory_space<vmem>>
        %dma_start3A_209 = arith.constant 0 : i32
        %dma_start3A_210 = arith.constant 0 : i32
        %dma_start3A_211 = tpu.memref_slice %arg2[%arg0, %dma_start3A_209, %dma_start3A_210] : memref<2x10000x64xf32, #tpu.memory_space<hbm>> -> memref<1x10000x64xf32, #tpu.memory_space<hbm>>
        %dma_start3A_212 = tpu.memref_squeeze %dma_start3A_211 : memref<1x10000x64xf32, #tpu.memory_space<hbm>> -> memref<10000x64xf32, #tpu.memory_space<hbm>>
        %dma_start3A_213 = arith.constant 0 : i32
        %dma_start3A_214 = arith.constant 0 : i32
        %dma_start3A_215 = tpu.memref_slice %dma_start3A_212[%dma_start3A_213, %dma_start3A_214] : memref<10000x64xf32, #tpu.memory_space<hbm>> -> memref<10000x64xf32, #tpu.memory_space<hbm>>
        tpu.enqueue_indirect_dma source(%dma_start3A_215 : memref<10000x64xf32, #tpu.memory_space<hbm>>) target(%arg7 : memref<128x64xf32, #tpu.memory_space<vmem>>) offsets(%dma_start3A_208 : memref<128xi32, #tpu.memory_space<vmem>>) semaphore(%arg12 : memref<!tpu.dma_semaphore, #tpu.memory_space<semaphore_mem>>)
      } else {
      }
      %mul3A_162 = arith.constant 128 : i32
      %mul3A_163 = arith.muli %add3A_142, %mul3A_162 : i32
      %dma_start3A_164 = tpu.memref_slice %arg6[%mul3A_163] : memref<20000xi32, #tpu.memory_space<vmem>> -> memref<128xi32, #tpu.memory_space<vmem>>
      %dma_start3A_165 = arith.constant 0 : i32
      %dma_start3A_166 = arith.constant 0 : i32
      %dma_start3A_167 = tpu.memref_slice %arg11[%dma_start3A_165, %dma_start3A_166] : memref<10000x64xf32, #tpu.memory_space<vmem_shared>> -> memref<10000x64xf32, #tpu.memory_space<vmem_shared>>
      tpu.enqueue_indirect_dma source(%arg8 : memref<128x64xf32, #tpu.memory_space<vmem>>) target(%dma_start3A_167 : memref<10000x64xf32, #tpu.memory_space<vmem_shared>>) offsets(%dma_start3A_164 : memref<128xi32, #tpu.memory_space<vmem>>) semaphore(%arg16 : memref<!tpu.dma_semaphore, #tpu.memory_space<semaphore_mem>>) {add = true}
      %mul3A_168 = arith.constant 3 : i32
      %mul3A_169 = arith.muli %scan3A_109, %mul3A_168 : i32
      %add3A_170 = arith.constant 2 : i32
      %add3A_171 = arith.addi %mul3A_169, %add3A_170 : i32
      %mul3A_172 = arith.constant 128 : i32
      %mul3A_173 = arith.muli %add3A_171, %mul3A_172 : i32
      %dma_wait3A_174 = tpu.memref_slice %arg5[%mul3A_173] : memref<20000xi32, #tpu.memory_space<vmem>> -> memref<128xi32, #tpu.memory_space<vmem>>
      %dma_wait3A_175 = arith.constant 0 : i32
      %dma_wait3A_176 = arith.constant 0 : i32
      %dma_wait3A_177 = tpu.memref_slice %arg2[%arg0, %dma_wait3A_175, %dma_wait3A_176] : memref<2x10000x64xf32, #tpu.memory_space<hbm>> -> memref<1x10000x64xf32, #tpu.memory_space<hbm>>
      %dma_wait3A_178 = tpu.memref_squeeze %dma_wait3A_177 : memref<1x10000x64xf32, #tpu.memory_space<hbm>> -> memref<10000x64xf32, #tpu.memory_space<hbm>>
      %dma_wait3A_179 = arith.constant 0 : i32
      %dma_wait3A_180 = arith.constant 0 : i32
      %dma_wait3A_181 = tpu.memref_slice %dma_wait3A_178[%dma_wait3A_179, %dma_wait3A_180] : memref<10000x64xf32, #tpu.memory_space<hbm>> -> memref<10000x64xf32, #tpu.memory_space<hbm>>
      tpu.wait_indirect_dma semaphore(%arg14 : memref<!tpu.dma_semaphore, #tpu.memory_space<semaphore_mem>>) src(%dma_wait3A_181 : memref<10000x64xf32, #tpu.memory_space<hbm>>) dst(%arg9 : memref<128x64xf32, #tpu.memory_space<vmem>>)
      %add3A_182 = arith.constant 3 : i32
      %add3A_183 = arith.addi %add3A_171, %add3A_182 : i32
      %sub3A_184 = arith.constant 1 : i32
      %sub3A_185 = arith.subi %add3A_183, %sub3A_184 : i32
      %lt3A_186 = arith.constant 156 : i32
      %lt3A_187 = arith.cmpi slt, %sub3A_185, %lt3A_186 : i32
      %convert_element_type3A_188 = arith.extui %lt3A_187 : i1 to i32
      %cond3A_189 = arith.constant 0 : i32
      %cond3A_190 = arith.cmpi ne, %convert_element_type3A_188, %cond3A_189 : i32
      scf.if %cond3A_190 {
        %ge3A = arith.constant 1 : i32
        %ge3A_198 = arith.cmpi sge, %add3A_171, %ge3A : i32
        %convert_element_type3A_199 = arith.extui %ge3A_198 : i1 to i32
        %cond3A_200 = arith.constant 0 : i32
        %cond3A_201 = arith.cmpi ne, %convert_element_type3A_199, %cond3A_200 : i32
        scf.if %cond3A_201 {
          %mul3A_216 = arith.constant 128 : i32
          %mul3A_217 = arith.muli %add3A_171, %mul3A_216 : i32
          %dma_wait3A_218 = tpu.memref_slice %arg6[%mul3A_217] : memref<20000xi32, #tpu.memory_space<vmem>> -> memref<128xi32, #tpu.memory_space<vmem>>
          %dma_wait3A_219 = arith.constant 0 : i32
          %dma_wait3A_220 = arith.constant 0 : i32
          %dma_wait3A_221 = tpu.memref_slice %arg11[%dma_wait3A_219, %dma_wait3A_220] : memref<10000x64xf32, #tpu.memory_space<vmem_shared>> -> memref<10000x64xf32, #tpu.memory_space<vmem_shared>>
          tpu.wait_indirect_dma semaphore(%arg16 : memref<!tpu.dma_semaphore, #tpu.memory_space<semaphore_mem>>) src(%arg8 : memref<128x64xf32, #tpu.memory_space<vmem>>) dst(%dma_wait3A_221 : memref<10000x64xf32, #tpu.memory_space<vmem_shared>>)
        } else {
        }
        %add3A_202 = arith.constant 3 : i32
        %add3A_203 = arith.addi %add3A_171, %add3A_202 : i32
        %sub3A_204 = arith.constant 1 : i32
        %sub3A_205 = arith.subi %add3A_203, %sub3A_204 : i32
        %mul3A_206 = arith.constant 128 : i32
        %mul3A_207 = arith.muli %sub3A_205, %mul3A_206 : i32
        %dma_start3A_208 = tpu.memref_slice %arg5[%mul3A_207] : memref<20000xi32, #tpu.memory_space<vmem>> -> memref<128xi32, #tpu.memory_space<vmem>>
        %dma_start3A_209 = arith.constant 0 : i32
        %dma_start3A_210 = arith.constant 0 : i32
        %dma_start3A_211 = tpu.memref_slice %arg2[%arg0, %dma_start3A_209, %dma_start3A_210] : memref<2x10000x64xf32, #tpu.memory_space<hbm>> -> memref<1x10000x64xf32, #tpu.memory_space<hbm>>
        %dma_start3A_212 = tpu.memref_squeeze %dma_start3A_211 : memref<1x10000x64xf32, #tpu.memory_space<hbm>> -> memref<10000x64xf32, #tpu.memory_space<hbm>>
        %dma_start3A_213 = arith.constant 0 : i32
        %dma_start3A_214 = arith.constant 0 : i32
        %dma_start3A_215 = tpu.memref_slice %dma_start3A_212[%dma_start3A_213, %dma_start3A_214] : memref<10000x64xf32, #tpu.memory_space<hbm>> -> memref<10000x64xf32, #tpu.memory_space<hbm>>
        tpu.enqueue_indirect_dma source(%dma_start3A_215 : memref<10000x64xf32, #tpu.memory_space<hbm>>) target(%arg8 : memref<128x64xf32, #tpu.memory_space<vmem>>) offsets(%dma_start3A_208 : memref<128xi32, #tpu.memory_space<vmem>>) semaphore(%arg13 : memref<!tpu.dma_semaphore, #tpu.memory_space<semaphore_mem>>)
      } else {
      }
      %mul3A_191 = arith.constant 128 : i32
      %mul3A_192 = arith.muli %add3A_171, %mul3A_191 : i32
      %dma_start3A_193 = tpu.memref_slice %arg6[%mul3A_192] : memref<20000xi32, #tpu.memory_space<vmem>> -> memref<128xi32, #tpu.memory_space<vmem>>
      %dma_start3A_194 = arith.constant 0 : i32
      %dma_start3A_195 = arith.constant 0 : i32
      %dma_start3A_196 = tpu.memref_slice %arg11[%dma_start3A_194, %dma_start3A_195] : memref<10000x64xf32, #tpu.memory_space<vmem_shared>> -> memref<10000x64xf32, #tpu.memory_space<vmem_shared>>
      tpu.enqueue_indirect_dma source(%arg9 : memref<128x64xf32, #tpu.memory_space<vmem>>) target(%dma_start3A_196 : memref<10000x64xf32, #tpu.memory_space<vmem_shared>>) offsets(%dma_start3A_193 : memref<128xi32, #tpu.memory_space<vmem>>) semaphore(%arg17 : memref<!tpu.dma_semaphore, #tpu.memory_space<semaphore_mem>>) {add = true}
      %scan3A_197 = arith.constant 0 : i32
      scf.yield %scan3A_197 : i32
    }
    %scan3A_44 = arith.constant 52 : i32
    %dma_wait3A = arith.constant 0 : i32
    %dma_wait3A_45 = tpu.memref_slice %arg6[%dma_wait3A] : memref<20000xi32, #tpu.memory_space<vmem>> -> memref<128xi32, #tpu.memory_space<vmem>>
    %dma_wait3A_46 = arith.constant 0 : i32
    %dma_wait3A_47 = arith.constant 0 : i32
    %dma_wait3A_48 = tpu.memref_slice %arg11[%dma_wait3A_46, %dma_wait3A_47] : memref<10000x64xf32, #tpu.memory_space<vmem_shared>> -> memref<10000x64xf32, #tpu.memory_space<vmem_shared>>
    tpu.wait_indirect_dma semaphore(%arg15 : memref<!tpu.dma_semaphore, #tpu.memory_space<semaphore_mem>>) src(%arg7 : memref<128x64xf32, #tpu.memory_space<vmem>>) dst(%dma_wait3A_48 : memref<10000x64xf32, #tpu.memory_space<vmem_shared>>)
    %dma_start3A_49 = arith.constant 0 : i32
    %dma_start3A_50 = arith.constant 0 : i32
    %dma_start3A_51 = tpu.memref_slice %arg7[%dma_start3A_49, %dma_start3A_50] : memref<128x64xf32, #tpu.memory_space<vmem>> -> memref<32x64xf32, #tpu.memory_space<vmem>>
    %dma_start3A_52 = arith.constant 19968 : i32
    %dma_start3A_53 = tpu.memref_slice %arg5[%dma_start3A_52] : memref<20000xi32, #tpu.memory_space<vmem>> -> memref<32xi32, #tpu.memory_space<vmem>>
    %dma_start3A_54 = arith.constant 0 : i32
    %dma_start3A_55 = arith.constant 0 : i32
    %dma_start3A_56 = tpu.memref_slice %arg2[%arg0, %dma_start3A_54, %dma_start3A_55] : memref<2x10000x64xf32, #tpu.memory_space<hbm>> -> memref<1x10000x64xf32, #tpu.memory_space<hbm>>
    %dma_start3A_57 = tpu.memref_squeeze %dma_start3A_56 : memref<1x10000x64xf32, #tpu.memory_space<hbm>> -> memref<10000x64xf32, #tpu.memory_space<hbm>>
    %dma_start3A_58 = arith.constant 0 : i32
    %dma_start3A_59 = arith.constant 0 : i32
    %dma_start3A_60 = tpu.memref_slice %dma_start3A_57[%dma_start3A_58, %dma_start3A_59] : memref<10000x64xf32, #tpu.memory_space<hbm>> -> memref<10000x64xf32, #tpu.memory_space<hbm>>
    tpu.enqueue_indirect_dma source(%dma_start3A_60 : memref<10000x64xf32, #tpu.memory_space<hbm>>) target(%dma_start3A_51 : memref<32x64xf32, #tpu.memory_space<vmem>>) offsets(%dma_start3A_53 : memref<32xi32, #tpu.memory_space<vmem>>) semaphore(%arg12 : memref<!tpu.dma_semaphore, #tpu.memory_space<semaphore_mem>>)
    %dma_wait3A_61 = arith.constant 0 : i32
    %dma_wait3A_62 = arith.constant 0 : i32
    %dma_wait3A_63 = tpu.memref_slice %arg7[%dma_wait3A_61, %dma_wait3A_62] : memref<128x64xf32, #tpu.memory_space<vmem>> -> memref<32x64xf32, #tpu.memory_space<vmem>>
    %dma_wait3A_64 = arith.constant 19968 : i32
    %dma_wait3A_65 = tpu.memref_slice %arg5[%dma_wait3A_64] : memref<20000xi32, #tpu.memory_space<vmem>> -> memref<32xi32, #tpu.memory_space<vmem>>
    %dma_wait3A_66 = arith.constant 0 : i32
    %dma_wait3A_67 = arith.constant 0 : i32
    %dma_wait3A_68 = tpu.memref_slice %arg2[%arg0, %dma_wait3A_66, %dma_wait3A_67] : memref<2x10000x64xf32, #tpu.memory_space<hbm>> -> memref<1x10000x64xf32, #tpu.memory_space<hbm>>
    %dma_wait3A_69 = tpu.memref_squeeze %dma_wait3A_68 : memref<1x10000x64xf32, #tpu.memory_space<hbm>> -> memref<10000x64xf32, #tpu.memory_space<hbm>>
    %dma_wait3A_70 = arith.constant 0 : i32
    %dma_wait3A_71 = arith.constant 0 : i32
    %dma_wait3A_72 = tpu.memref_slice %dma_wait3A_69[%dma_wait3A_70, %dma_wait3A_71] : memref<10000x64xf32, #tpu.memory_space<hbm>> -> memref<10000x64xf32, #tpu.memory_space<hbm>>
    tpu.wait_indirect_dma semaphore(%arg12 : memref<!tpu.dma_semaphore, #tpu.memory_space<semaphore_mem>>) src(%dma_wait3A_72 : memref<10000x64xf32, #tpu.memory_space<hbm>>) dst(%dma_wait3A_63 : memref<32x64xf32, #tpu.memory_space<vmem>>)
    %dma_start3A_73 = arith.constant 0 : i32
    %dma_start3A_74 = arith.constant 0 : i32
    %dma_start3A_75 = tpu.memref_slice %arg7[%dma_start3A_73, %dma_start3A_74] : memref<128x64xf32, #tpu.memory_space<vmem>> -> memref<32x64xf32, #tpu.memory_space<vmem>>
    %dma_start3A_76 = arith.constant 19968 : i32
    %dma_start3A_77 = tpu.memref_slice %arg6[%dma_start3A_76] : memref<20000xi32, #tpu.memory_space<vmem>> -> memref<32xi32, #tpu.memory_space<vmem>>
    %dma_start3A_78 = arith.constant 0 : i32
    %dma_start3A_79 = arith.constant 0 : i32
    %dma_start3A_80 = tpu.memref_slice %arg11[%dma_start3A_78, %dma_start3A_79] : memref<10000x64xf32, #tpu.memory_space<vmem_shared>> -> memref<10000x64xf32, #tpu.memory_space<vmem_shared>>
    tpu.enqueue_indirect_dma source(%dma_start3A_75 : memref<32x64xf32, #tpu.memory_space<vmem>>) target(%dma_start3A_80 : memref<10000x64xf32, #tpu.memory_space<vmem_shared>>) offsets(%dma_start3A_77 : memref<32xi32, #tpu.memory_space<vmem>>) semaphore(%arg15 : memref<!tpu.dma_semaphore, #tpu.memory_space<semaphore_mem>>) {add = true}
    %dma_wait3A_81 = arith.constant 0 : i32
    %dma_wait3A_82 = arith.constant 0 : i32
    %dma_wait3A_83 = tpu.memref_slice %arg7[%dma_wait3A_81, %dma_wait3A_82] : memref<128x64xf32, #tpu.memory_space<vmem>> -> memref<32x64xf32, #tpu.memory_space<vmem>>
    %dma_wait3A_84 = arith.constant 0 : i32
    %dma_wait3A_85 = tpu.memref_slice %arg6[%dma_wait3A_84] : memref<20000xi32, #tpu.memory_space<vmem>> -> memref<128xi32, #tpu.memory_space<vmem>>
    %dma_wait3A_86 = arith.constant 0 : i32
    %dma_wait3A_87 = arith.constant 0 : i32
    %dma_wait3A_88 = tpu.memref_slice %arg11[%dma_wait3A_86, %dma_wait3A_87] : memref<10000x64xf32, #tpu.memory_space<vmem_shared>> -> memref<10000x64xf32, #tpu.memory_space<vmem_shared>>
    tpu.wait_indirect_dma semaphore(%arg15 : memref<!tpu.dma_semaphore, #tpu.memory_space<semaphore_mem>>) src(%dma_wait3A_83 : memref<32x64xf32, #tpu.memory_space<vmem>>) dst(%dma_wait3A_88 : memref<10000x64xf32, #tpu.memory_space<vmem_shared>>)
    %dma_wait3A_89 = arith.constant 0 : i32
    %dma_wait3A_90 = tpu.memref_slice %arg6[%dma_wait3A_89] : memref<20000xi32, #tpu.memory_space<vmem>> -> memref<128xi32, #tpu.memory_space<vmem>>
    %dma_wait3A_91 = arith.constant 0 : i32
    %dma_wait3A_92 = arith.constant 0 : i32
    %dma_wait3A_93 = tpu.memref_slice %arg11[%dma_wait3A_91, %dma_wait3A_92] : memref<10000x64xf32, #tpu.memory_space<vmem_shared>> -> memref<10000x64xf32, #tpu.memory_space<vmem_shared>>
    tpu.wait_indirect_dma semaphore(%arg16 : memref<!tpu.dma_semaphore, #tpu.memory_space<semaphore_mem>>) src(%arg8 : memref<128x64xf32, #tpu.memory_space<vmem>>) dst(%dma_wait3A_93 : memref<10000x64xf32, #tpu.memory_space<vmem_shared>>)
    %dma_wait3A_94 = arith.constant 0 : i32
    %dma_wait3A_95 = tpu.memref_slice %arg6[%dma_wait3A_94] : memref<20000xi32, #tpu.memory_space<vmem>> -> memref<128xi32, #tpu.memory_space<vmem>>
    %dma_wait3A_96 = arith.constant 0 : i32
    %dma_wait3A_97 = arith.constant 0 : i32
    %dma_wait3A_98 = tpu.memref_slice %arg11[%dma_wait3A_96, %dma_wait3A_97] : memref<10000x64xf32, #tpu.memory_space<vmem_shared>> -> memref<10000x64xf32, #tpu.memory_space<vmem_shared>>
    tpu.wait_indirect_dma semaphore(%arg17 : memref<!tpu.dma_semaphore, #tpu.memory_space<semaphore_mem>>) src(%arg9 : memref<128x64xf32, #tpu.memory_space<vmem>>) dst(%dma_wait3A_98 : memref<10000x64xf32, #tpu.memory_space<vmem_shared>>)
    %barrier3A_99 = arith.constant 0 : index
    tpu.barrier barrier_id(%barrier3A_99)
    %lt3A = arith.constant 15 : i32
    %lt3A_100 = arith.cmpi slt, %arg1, %lt3A : i32
    %convert_element_type3A_101 = arith.extui %lt3A_100 : i1 to i32
    %cond3A_102 = arith.constant 0 : i32
    %cond3A_103 = arith.cmpi ne, %convert_element_type3A_101, %cond3A_102 : i32
    scf.if %cond3A_103 {
      %mul3A_109 = arith.constant 624 : i32
      %mul3A_110 = arith.muli %arg1, %mul3A_109 : i32
      %mul3A_111 = arith.constant 624 : i32
      %mul3A_112 = arith.muli %arg1, %mul3A_111 : i32
      "tpu.region"() ({
        %run_scoped3A_113 = tpu.sem_alloc : memref<!tpu.dma_semaphore, #tpu.memory_space<semaphore_mem>>
        %dma_start3A_114 = arith.constant 0 : i32
        %dma_start3A_115 = tpu.memref_slice %arg4[%arg0, %mul3A_112, %dma_start3A_114] : memref<2x10000x64xf32, #tpu.memory_space<hbm>> -> memref<1x624x64xf32, #tpu.memory_space<hbm>>
        %dma_start3A_116 = tpu.memref_squeeze %dma_start3A_115 : memref<1x624x64xf32, #tpu.memory_space<hbm>> -> memref<624x64xf32, #tpu.memory_space<hbm>>
        %dma_start3A_117 = arith.constant 0 : i32
        %dma_start3A_118 = tpu.memref_slice %arg11[%mul3A_110, %dma_start3A_117] : memref<10000x64xf32, #tpu.memory_space<vmem_shared>> -> memref<624x64xf32, #tpu.memory_space<vmem_shared>>
        tpu.enqueue_dma source(%dma_start3A_118 : memref<624x64xf32, #tpu.memory_space<vmem_shared>>) target(%dma_start3A_116 : memref<624x64xf32, #tpu.memory_space<hbm>>) target_semaphore(%run_scoped3A_113 : memref<!tpu.dma_semaphore, #tpu.memory_space<semaphore_mem>>)
        %dma_wait3A_119 = arith.constant 0 : i32
        %dma_wait3A_120 = tpu.memref_slice %arg4[%arg0, %mul3A_112, %dma_wait3A_119] : memref<2x10000x64xf32, #tpu.memory_space<hbm>> -> memref<1x624x64xf32, #tpu.memory_space<hbm>>
        %dma_wait3A_121 = tpu.memref_squeeze %dma_wait3A_120 : memref<1x624x64xf32, #tpu.memory_space<hbm>> -> memref<624x64xf32, #tpu.memory_space<hbm>>
        %dma_wait3A_122 = arith.constant 0 : i32
        %dma_wait3A_123 = tpu.memref_slice %arg11[%mul3A_110, %dma_wait3A_122] : memref<10000x64xf32, #tpu.memory_space<vmem_shared>> -> memref<624x64xf32, #tpu.memory_space<vmem_shared>>
        tpu.wait_dma2 semaphore(%run_scoped3A_113 : memref<!tpu.dma_semaphore, #tpu.memory_space<semaphore_mem>>) src(%dma_wait3A_123 : memref<624x64xf32, #tpu.memory_space<vmem_shared>>) dst(%dma_wait3A_121 : memref<624x64xf32, #tpu.memory_space<hbm>>)
        tpu.yield
      }) : () -> ()
    } else {
    }
    %eq3A_104 = arith.constant 15 : i32
    %eq3A_105 = arith.cmpi eq, %arg1, %eq3A_104 : i32
    %convert_element_type3A_106 = arith.extui %eq3A_105 : i1 to i32
    %cond3A_107 = arith.constant 0 : i32
    %cond3A_108 = arith.cmpi ne, %convert_element_type3A_106, %cond3A_107 : i32
    scf.if %cond3A_108 {
      "tpu.region"() ({
        %run_scoped3A_109 = tpu.sem_alloc : memref<!tpu.dma_semaphore, #tpu.memory_space<semaphore_mem>>
        %dma_start3A_110 = arith.constant 9360 : i32
        %dma_start3A_111 = arith.constant 0 : i32
        %dma_start3A_112 = tpu.memref_slice %arg4[%arg0, %dma_start3A_110, %dma_start3A_111] : memref<2x10000x64xf32, #tpu.memory_space<hbm>> -> memref<1x640x64xf32, #tpu.memory_space<hbm>>
        %dma_start3A_113 = tpu.memref_squeeze %dma_start3A_112 : memref<1x640x64xf32, #tpu.memory_space<hbm>> -> memref<640x64xf32, #tpu.memory_space<hbm>>
        %dma_start3A_114 = arith.constant 9360 : i32
        %dma_start3A_115 = arith.constant 0 : i32
        %dma_start3A_116 = tpu.memref_slice %arg11[%dma_start3A_114, %dma_start3A_115] : memref<10000x64xf32, #tpu.memory_space<vmem_shared>> -> memref<640x64xf32, #tpu.memory_space<vmem_shared>>
        tpu.enqueue_dma source(%dma_start3A_116 : memref<640x64xf32, #tpu.memory_space<vmem_shared>>) target(%dma_start3A_113 : memref<640x64xf32, #tpu.memory_space<hbm>>) target_semaphore(%run_scoped3A_109 : memref<!tpu.dma_semaphore, #tpu.memory_space<semaphore_mem>>)
        %dma_wait3A_117 = arith.constant 9360 : i32
        %dma_wait3A_118 = arith.constant 0 : i32
        %dma_wait3A_119 = tpu.memref_slice %arg4[%arg0, %dma_wait3A_117, %dma_wait3A_118] : memref<2x10000x64xf32, #tpu.memory_space<hbm>> -> memref<1x640x64xf32, #tpu.memory_space<hbm>>
        %dma_wait3A_120 = tpu.memref_squeeze %dma_wait3A_119 : memref<1x640x64xf32, #tpu.memory_space<hbm>> -> memref<640x64xf32, #tpu.memory_space<hbm>>
        %dma_wait3A_121 = arith.constant 9360 : i32
        %dma_wait3A_122 = arith.constant 0 : i32
        %dma_wait3A_123 = tpu.memref_slice %arg11[%dma_wait3A_121, %dma_wait3A_122] : memref<10000x64xf32, #tpu.memory_space<vmem_shared>> -> memref<640x64xf32, #tpu.memory_space<vmem_shared>>
        tpu.wait_dma2 semaphore(%run_scoped3A_109 : memref<!tpu.dma_semaphore, #tpu.memory_space<semaphore_mem>>) src(%dma_wait3A_123 : memref<640x64xf32, #tpu.memory_space<vmem_shared>>) dst(%dma_wait3A_120 : memref<640x64xf32, #tpu.memory_space<hbm>>)
        tpu.yield
      }) : () -> ()
    } else {
    }
    return
  }
}

#map = affine_map<(d0, d1) -> (0, 0)>
#map1 = affine_map<(d0, d1) -> (0, 0, 0)>
module attributes {stable_mosaic.version = 14 : i64} {
  func.func @body(%arg0: i32, %arg1: i32, %arg2: memref<20000x64xf32, #tpu.memory_space<hbm>>, %arg3: memref<2x16x20000xi32, #tpu.memory_space<hbm>>, %arg4: memref<2x10000x64xf32, #tpu.memory_space<hbm>>, %arg5: memref<2x10000x16xf32, #tpu.memory_space<hbm>>, %arg6: memref<20000xi32, #tpu.memory_space<vmem>>, %arg7: memref<20000xi32, #tpu.memory_space<vmem>>, %arg8: memref<128x64xf32, #tpu.memory_space<vmem>>, %arg9: memref<128x64xf32, #tpu.memory_space<vmem>>, %arg10: memref<128x64xf32, #tpu.memory_space<vmem>>, %arg11: memref<104x64xf32, #tpu.memory_space<vmem>>, %arg12: memref<10000x64xf32, #tpu.memory_space<vmem_shared>>, %arg13: memref<!tpu.dma_semaphore, #tpu.memory_space<semaphore_mem>>, %arg14: memref<!tpu.dma_semaphore, #tpu.memory_space<semaphore_mem>>, %arg15: memref<!tpu.dma_semaphore, #tpu.memory_space<semaphore_mem>>, %arg16: memref<!tpu.dma_semaphore, #tpu.memory_space<semaphore_mem>>, %arg17: memref<!tpu.dma_semaphore, #tpu.memory_space<semaphore_mem>>, %arg18: memref<!tpu.dma_semaphore, #tpu.memory_space<semaphore_mem>>, %arg19: memref<128x16xf32, #tpu.memory_space<vmem>>, %arg20: memref<104x16xf32, #tpu.memory_space<vmem>>, %arg21: memref<10000x16xf32, #tpu.memory_space<vmem_shared>>) attributes {dimension_semantics = [#tpu.dimension_semantics<core_parallel>, #tpu.dimension_semantics<subcore_parallel>], iteration_bounds = array<i64: 2, 16>, scalar_prefetch = 0 : i64, scratch_operands = 16 : i64, tpu.core_type = #tpu.core_type<sc_vector_subcore>, window_params = [{transform_indices = #map}, {transform_indices = #map1}, {transform_indices = #map1}, {transform_indices = #map1}]} {
    %scan3A = arith.constant 0 : i32
    %scan3A_0 = arith.constant 0 : i32
    %scan3A_1 = arith.constant 104 : i32
    %scan3A_2 = arith.addi %scan3A_0, %scan3A_1 : i32
    %scan3A_3 = arith.constant 1 : i32
    %scan3A_4 = scf.for %scan3A_143 = %scan3A_0 to %scan3A_2 step %scan3A_3 iter_args(%scan3A_144 = %scan3A) -> (i32)  : i32 {
      %broadcast_in_dim3A = arith.constant 0.000000e+00 : f32
      %broadcast_in_dim3A_145 = vector.broadcast %broadcast_in_dim3A : f32 to vector<16xf32>
      %swap3A = arith.index_cast %scan3A_143 : i32 to index
      %swap3A_146 = arith.constant 0 : index
      %swap3A_147 = tpu.vector_load %arg11[%swap3A, %swap3A_146] {strides = array<i32>} : memref<104x64xf32, #tpu.memory_space<vmem>>, vector<1x16xf32>,
      %swap3A_148 = vector.shape_cast %swap3A_147 : vector<1x16xf32> to vector<16xf32>
      %swap3A_149 = vector.shape_cast %broadcast_in_dim3A_145 : vector<16xf32> to vector<1x16xf32>
      tpu.vector_store %arg11[%swap3A, %swap3A_146], %swap3A_149 {strides = array<i32>} : memref<104x64xf32, #tpu.memory_space<vmem>>, vector<1x16xf32>,
      %broadcast_in_dim3A_150 = arith.constant 0.000000e+00 : f32
      %broadcast_in_dim3A_151 = vector.broadcast %broadcast_in_dim3A_150 : f32 to vector<16xf32>
      %swap3A_152 = arith.index_cast %scan3A_143 : i32 to index
      %swap3A_153 = arith.constant 16 : index
      %swap3A_154 = tpu.vector_load %arg11[%swap3A_152, %swap3A_153] {strides = array<i32>} : memref<104x64xf32, #tpu.memory_space<vmem>>, vector<1x16xf32>,
      %swap3A_155 = vector.shape_cast %swap3A_154 : vector<1x16xf32> to vector<16xf32>
      %swap3A_156 = vector.shape_cast %broadcast_in_dim3A_151 : vector<16xf32> to vector<1x16xf32>
      tpu.vector_store %arg11[%swap3A_152, %swap3A_153], %swap3A_156 {strides = array<i32>} : memref<104x64xf32, #tpu.memory_space<vmem>>, vector<1x16xf32>,
      %broadcast_in_dim3A_157 = arith.constant 0.000000e+00 : f32
      %broadcast_in_dim3A_158 = vector.broadcast %broadcast_in_dim3A_157 : f32 to vector<16xf32>
      %swap3A_159 = arith.index_cast %scan3A_143 : i32 to index
      %swap3A_160 = arith.constant 32 : index
      %swap3A_161 = tpu.vector_load %arg11[%swap3A_159, %swap3A_160] {strides = array<i32>} : memref<104x64xf32, #tpu.memory_space<vmem>>, vector<1x16xf32>,
      %swap3A_162 = vector.shape_cast %swap3A_161 : vector<1x16xf32> to vector<16xf32>
      %swap3A_163 = vector.shape_cast %broadcast_in_dim3A_158 : vector<16xf32> to vector<1x16xf32>
      tpu.vector_store %arg11[%swap3A_159, %swap3A_160], %swap3A_163 {strides = array<i32>} : memref<104x64xf32, #tpu.memory_space<vmem>>, vector<1x16xf32>,
      %broadcast_in_dim3A_164 = arith.constant 0.000000e+00 : f32
      %broadcast_in_dim3A_165 = vector.broadcast %broadcast_in_dim3A_164 : f32 to vector<16xf32>
      %swap3A_166 = arith.index_cast %scan3A_143 : i32 to index
      %swap3A_167 = arith.constant 48 : index
      %swap3A_168 = tpu.vector_load %arg11[%swap3A_166, %swap3A_167] {strides = array<i32>} : memref<104x64xf32, #tpu.memory_space<vmem>>, vector<1x16xf32>,
      %swap3A_169 = vector.shape_cast %swap3A_168 : vector<1x16xf32> to vector<16xf32>
      %swap3A_170 = vector.shape_cast %broadcast_in_dim3A_165 : vector<16xf32> to vector<1x16xf32>
      tpu.vector_store %arg11[%swap3A_166, %swap3A_167], %swap3A_170 {strides = array<i32>} : memref<104x64xf32, #tpu.memory_space<vmem>>, vector<1x16xf32>,
      %scan3A_171 = arith.constant 0 : i32
      scf.yield %scan3A_171 : i32
    }
    %scan3A_5 = arith.constant 104 : i32
    %mul3A = arith.constant 624 : i32
    %mul3A_6 = arith.muli %arg1, %mul3A : i32
    %add3A = arith.constant 0 : i32
    %add3A_7 = arith.addi %mul3A_6, %add3A : i32
    "tpu.region"() ({
      %run_scoped3A_143 = tpu.sem_alloc : memref<!tpu.dma_semaphore, #tpu.memory_space<semaphore_mem>>
      %dma_start3A_144 = arith.constant 0 : i32
      %dma_start3A_145 = tpu.memref_slice %arg12[%add3A_7, %dma_start3A_144] : memref<10000x64xf32, #tpu.memory_space<vmem_shared>> -> memref<104x64xf32, #tpu.memory_space<vmem_shared>>
      %dma_start3A_146 = arith.constant 0 : i32
      %dma_start3A_147 = tpu.memref_slice %arg12[%add3A_7, %dma_start3A_146] : memref<10000x64xf32, #tpu.memory_space<vmem_shared>> -> memref<104x64xf32, #tpu.memory_space<vmem_shared>>
      tpu.enqueue_dma source(%arg11 : memref<104x64xf32, #tpu.memory_space<vmem>>) target(%dma_start3A_147 : memref<104x64xf32, #tpu.memory_space<vmem_shared>>) target_semaphore(%run_scoped3A_143 : memref<!tpu.dma_semaphore, #tpu.memory_space<semaphore_mem>>)
      %dma_wait3A_148 = arith.constant 0 : i32
      %dma_wait3A_149 = tpu.memref_slice %arg12[%add3A_7, %dma_wait3A_148] : memref<10000x64xf32, #tpu.memory_space<vmem_shared>> -> memref<104x64xf32, #tpu.memory_space<vmem_shared>>
      %dma_wait3A_150 = arith.constant 0 : i32
      %dma_wait3A_151 = tpu.memref_slice %arg12[%add3A_7, %dma_wait3A_150] : memref<10000x64xf32, #tpu.memory_space<vmem_shared>> -> memref<104x64xf32, #tpu.memory_space<vmem_shared>>
      tpu.wait_dma2 semaphore(%run_scoped3A_143 : memref<!tpu.dma_semaphore, #tpu.memory_space<semaphore_mem>>) src(%arg11 : memref<104x64xf32, #tpu.memory_space<vmem>>) dst(%dma_wait3A_151 : memref<104x64xf32, #tpu.memory_space<vmem_shared>>)
      tpu.yield
    }) : () -> ()
    %add3A_8 = arith.constant 104 : i32
    %add3A_9 = arith.addi %mul3A_6, %add3A_8 : i32
    "tpu.region"() ({
      %run_scoped3A_143 = tpu.sem_alloc : memref<!tpu.dma_semaphore, #tpu.memory_space<semaphore_mem>>
      %dma_start3A_144 = arith.constant 0 : i32
      %dma_start3A_145 = tpu.memref_slice %arg12[%add3A_9, %dma_start3A_144] : memref<10000x64xf32, #tpu.memory_space<vmem_shared>> -> memref<104x64xf32, #tpu.memory_space<vmem_shared>>
      %dma_start3A_146 = arith.constant 0 : i32
      %dma_start3A_147 = tpu.memref_slice %arg12[%add3A_9, %dma_start3A_146] : memref<10000x64xf32, #tpu.memory_space<vmem_shared>> -> memref<104x64xf32, #tpu.memory_space<vmem_shared>>
      tpu.enqueue_dma source(%arg11 : memref<104x64xf32, #tpu.memory_space<vmem>>) target(%dma_start3A_147 : memref<104x64xf32, #tpu.memory_space<vmem_shared>>) target_semaphore(%run_scoped3A_143 : memref<!tpu.dma_semaphore, #tpu.memory_space<semaphore_mem>>)
      %dma_wait3A_148 = arith.constant 0 : i32
      %dma_wait3A_149 = tpu.memref_slice %arg12[%add3A_9, %dma_wait3A_148] : memref<10000x64xf32, #tpu.memory_space<vmem_shared>> -> memref<104x64xf32, #tpu.memory_space<vmem_shared>>
      %dma_wait3A_150 = arith.constant 0 : i32
      %dma_wait3A_151 = tpu.memref_slice %arg12[%add3A_9, %dma_wait3A_150] : memref<10000x64xf32, #tpu.memory_space<vmem_shared>> -> memref<104x64xf32, #tpu.memory_space<vmem_shared>>
      tpu.wait_dma2 semaphore(%run_scoped3A_143 : memref<!tpu.dma_semaphore, #tpu.memory_space<semaphore_mem>>) src(%arg11 : memref<104x64xf32, #tpu.memory_space<vmem>>) dst(%dma_wait3A_151 : memref<104x64xf32, #tpu.memory_space<vmem_shared>>)
      tpu.yield
    }) : () -> ()
    %add3A_10 = arith.constant 208 : i32
    %add3A_11 = arith.addi %mul3A_6, %add3A_10 : i32
    "tpu.region"() ({
      %run_scoped3A_143 = tpu.sem_alloc : memref<!tpu.dma_semaphore, #tpu.memory_space<semaphore_mem>>
      %dma_start3A_144 = arith.constant 0 : i32
      %dma_start3A_145 = tpu.memref_slice %arg12[%add3A_11, %dma_start3A_144] : memref<10000x64xf32, #tpu.memory_space<vmem_shared>> -> memref<104x64xf32, #tpu.memory_space<vmem_shared>>
      %dma_start3A_146 = arith.constant 0 : i32
      %dma_start3A_147 = tpu.memref_slice %arg12[%add3A_11, %dma_start3A_146] : memref<10000x64xf32, #tpu.memory_space<vmem_shared>> -> memref<104x64xf32, #tpu.memory_space<vmem_shared>>
      tpu.enqueue_dma source(%arg11 : memref<104x64xf32, #tpu.memory_space<vmem>>) target(%dma_start3A_147 : memref<104x64xf32, #tpu.memory_space<vmem_shared>>) target_semaphore(%run_scoped3A_143 : memref<!tpu.dma_semaphore, #tpu.memory_space<semaphore_mem>>)
      %dma_wait3A_148 = arith.constant 0 : i32
      %dma_wait3A_149 = tpu.memref_slice %arg12[%add3A_11, %dma_wait3A_148] : memref<10000x64xf32, #tpu.memory_space<vmem_shared>> -> memref<104x64xf32, #tpu.memory_space<vmem_shared>>
      %dma_wait3A_150 = arith.constant 0 : i32
      %dma_wait3A_151 = tpu.memref_slice %arg12[%add3A_11, %dma_wait3A_150] : memref<10000x64xf32, #tpu.memory_space<vmem_shared>> -> memref<104x64xf32, #tpu.memory_space<vmem_shared>>
      tpu.wait_dma2 semaphore(%run_scoped3A_143 : memref<!tpu.dma_semaphore, #tpu.memory_space<semaphore_mem>>) src(%arg11 : memref<104x64xf32, #tpu.memory_space<vmem>>) dst(%dma_wait3A_151 : memref<104x64xf32, #tpu.memory_space<vmem_shared>>)
      tpu.yield
    }) : () -> ()
    %add3A_12 = arith.constant 312 : i32
    %add3A_13 = arith.addi %mul3A_6, %add3A_12 : i32
    "tpu.region"() ({
      %run_scoped3A_143 = tpu.sem_alloc : memref<!tpu.dma_semaphore, #tpu.memory_space<semaphore_mem>>
      %dma_start3A_144 = arith.constant 0 : i32
      %dma_start3A_145 = tpu.memref_slice %arg12[%add3A_13, %dma_start3A_144] : memref<10000x64xf32, #tpu.memory_space<vmem_shared>> -> memref<104x64xf32, #tpu.memory_space<vmem_shared>>
      %dma_start3A_146 = arith.constant 0 : i32
      %dma_start3A_147 = tpu.memref_slice %arg12[%add3A_13, %dma_start3A_146] : memref<10000x64xf32, #tpu.memory_space<vmem_shared>> -> memref<104x64xf32, #tpu.memory_space<vmem_shared>>
      tpu.enqueue_dma source(%arg11 : memref<104x64xf32, #tpu.memory_space<vmem>>) target(%dma_start3A_147 : memref<104x64xf32, #tpu.memory_space<vmem_shared>>) target_semaphore(%run_scoped3A_143 : memref<!tpu.dma_semaphore, #tpu.memory_space<semaphore_mem>>)
      %dma_wait3A_148 = arith.constant 0 : i32
      %dma_wait3A_149 = tpu.memref_slice %arg12[%add3A_13, %dma_wait3A_148] : memref<10000x64xf32, #tpu.memory_space<vmem_shared>> -> memref<104x64xf32, #tpu.memory_space<vmem_shared>>
      %dma_wait3A_150 = arith.constant 0 : i32
      %dma_wait3A_151 = tpu.memref_slice %arg12[%add3A_13, %dma_wait3A_150] : memref<10000x64xf32, #tpu.memory_space<vmem_shared>> -> memref<104x64xf32, #tpu.memory_space<vmem_shared>>
      tpu.wait_dma2 semaphore(%run_scoped3A_143 : memref<!tpu.dma_semaphore, #tpu.memory_space<semaphore_mem>>) src(%arg11 : memref<104x64xf32, #tpu.memory_space<vmem>>) dst(%dma_wait3A_151 : memref<104x64xf32, #tpu.memory_space<vmem_shared>>)
      tpu.yield
    }) : () -> ()
    %add3A_14 = arith.constant 416 : i32
    %add3A_15 = arith.addi %mul3A_6, %add3A_14 : i32
    "tpu.region"() ({
      %run_scoped3A_143 = tpu.sem_alloc : memref<!tpu.dma_semaphore, #tpu.memory_space<semaphore_mem>>
      %dma_start3A_144 = arith.constant 0 : i32
      %dma_start3A_145 = tpu.memref_slice %arg12[%add3A_15, %dma_start3A_144] : memref<10000x64xf32, #tpu.memory_space<vmem_shared>> -> memref<104x64xf32, #tpu.memory_space<vmem_shared>>
      %dma_start3A_146 = arith.constant 0 : i32
      %dma_start3A_147 = tpu.memref_slice %arg12[%add3A_15, %dma_start3A_146] : memref<10000x64xf32, #tpu.memory_space<vmem_shared>> -> memref<104x64xf32, #tpu.memory_space<vmem_shared>>
      tpu.enqueue_dma source(%arg11 : memref<104x64xf32, #tpu.memory_space<vmem>>) target(%dma_start3A_147 : memref<104x64xf32, #tpu.memory_space<vmem_shared>>) target_semaphore(%run_scoped3A_143 : memref<!tpu.dma_semaphore, #tpu.memory_space<semaphore_mem>>)
      %dma_wait3A_148 = arith.constant 0 : i32
      %dma_wait3A_149 = tpu.memref_slice %arg12[%add3A_15, %dma_wait3A_148] : memref<10000x64xf32, #tpu.memory_space<vmem_shared>> -> memref<104x64xf32, #tpu.memory_space<vmem_shared>>
      %dma_wait3A_150 = arith.constant 0 : i32
      %dma_wait3A_151 = tpu.memref_slice %arg12[%add3A_15, %dma_wait3A_150] : memref<10000x64xf32, #tpu.memory_space<vmem_shared>> -> memref<104x64xf32, #tpu.memory_space<vmem_shared>>
      tpu.wait_dma2 semaphore(%run_scoped3A_143 : memref<!tpu.dma_semaphore, #tpu.memory_space<semaphore_mem>>) src(%arg11 : memref<104x64xf32, #tpu.memory_space<vmem>>) dst(%dma_wait3A_151 : memref<104x64xf32, #tpu.memory_space<vmem_shared>>)
      tpu.yield
    }) : () -> ()
    %add3A_16 = arith.constant 520 : i32
    %add3A_17 = arith.addi %mul3A_6, %add3A_16 : i32
    "tpu.region"() ({
      %run_scoped3A_143 = tpu.sem_alloc : memref<!tpu.dma_semaphore, #tpu.memory_space<semaphore_mem>>
      %dma_start3A_144 = arith.constant 0 : i32
      %dma_start3A_145 = tpu.memref_slice %arg12[%add3A_17, %dma_start3A_144] : memref<10000x64xf32, #tpu.memory_space<vmem_shared>> -> memref<104x64xf32, #tpu.memory_space<vmem_shared>>
      %dma_start3A_146 = arith.constant 0 : i32
      %dma_start3A_147 = tpu.memref_slice %arg12[%add3A_17, %dma_start3A_146] : memref<10000x64xf32, #tpu.memory_space<vmem_shared>> -> memref<104x64xf32, #tpu.memory_space<vmem_shared>>
      tpu.enqueue_dma source(%arg11 : memref<104x64xf32, #tpu.memory_space<vmem>>) target(%dma_start3A_147 : memref<104x64xf32, #tpu.memory_space<vmem_shared>>) target_semaphore(%run_scoped3A_143 : memref<!tpu.dma_semaphore, #tpu.memory_space<semaphore_mem>>)
      %dma_wait3A_148 = arith.constant 0 : i32
      %dma_wait3A_149 = tpu.memref_slice %arg12[%add3A_17, %dma_wait3A_148] : memref<10000x64xf32, #tpu.memory_space<vmem_shared>> -> memref<104x64xf32, #tpu.memory_space<vmem_shared>>
      %dma_wait3A_150 = arith.constant 0 : i32
      %dma_wait3A_151 = tpu.memref_slice %arg12[%add3A_17, %dma_wait3A_150] : memref<10000x64xf32, #tpu.memory_space<vmem_shared>> -> memref<104x64xf32, #tpu.memory_space<vmem_shared>>
      tpu.wait_dma2 semaphore(%run_scoped3A_143 : memref<!tpu.dma_semaphore, #tpu.memory_space<semaphore_mem>>) src(%arg11 : memref<104x64xf32, #tpu.memory_space<vmem>>) dst(%dma_wait3A_151 : memref<104x64xf32, #tpu.memory_space<vmem_shared>>)
      tpu.yield
    }) : () -> ()
    %eq3A = arith.constant 15 : i32
    %eq3A_18 = arith.cmpi eq, %arg1, %eq3A : i32
    %convert_element_type3A = arith.extui %eq3A_18 : i1 to i32
    %cond3A = arith.constant 0 : i32
    %cond3A_19 = arith.cmpi ne, %convert_element_type3A, %cond3A : i32
    scf.if %cond3A_19 {
      "tpu.region"() ({
        %run_scoped3A_143 = tpu.sem_alloc : memref<!tpu.dma_semaphore, #tpu.memory_space<semaphore_mem>>
        %dma_start3A_144 = arith.constant 0 : i32
        %dma_start3A_145 = arith.constant 0 : i32
        %dma_start3A_146 = tpu.memref_slice %arg11[%dma_start3A_144, %dma_start3A_145] : memref<104x64xf32, #tpu.memory_space<vmem>> -> memref<16x64xf32, #tpu.memory_space<vmem>>
        %dma_start3A_147 = arith.constant 9984 : i32
        %dma_start3A_148 = arith.constant 0 : i32
        %dma_start3A_149 = tpu.memref_slice %arg12[%dma_start3A_147, %dma_start3A_148] : memref<10000x64xf32, #tpu.memory_space<vmem_shared>> -> memref<16x64xf32, #tpu.memory_space<vmem_shared>>
        %dma_start3A_150 = arith.constant 9984 : i32
        %dma_start3A_151 = arith.constant 0 : i32
        %dma_start3A_152 = tpu.memref_slice %arg12[%dma_start3A_150, %dma_start3A_151] : memref<10000x64xf32, #tpu.memory_space<vmem_shared>> -> memref<16x64xf32, #tpu.memory_space<vmem_shared>>
        %dma_start3A_153 = arith.constant 0 : i32
        %dma_start3A_154 = arith.constant 0 : i32
        %dma_start3A_155 = tpu.memref_slice %arg11[%dma_start3A_153, %dma_start3A_154] : memref<104x64xf32, #tpu.memory_space<vmem>> -> memref<16x64xf32, #tpu.memory_space<vmem>>
        tpu.enqueue_dma source(%dma_start3A_155 : memref<16x64xf32, #tpu.memory_space<vmem>>) target(%dma_start3A_152 : memref<16x64xf32, #tpu.memory_space<vmem_shared>>) target_semaphore(%run_scoped3A_143 : memref<!tpu.dma_semaphore, #tpu.memory_space<semaphore_mem>>)
        %dma_wait3A_156 = arith.constant 0 : i32
        %dma_wait3A_157 = arith.constant 0 : i32
        %dma_wait3A_158 = tpu.memref_slice %arg11[%dma_wait3A_156, %dma_wait3A_157] : memref<104x64xf32, #tpu.memory_space<vmem>> -> memref<16x64xf32, #tpu.memory_space<vmem>>
        %dma_wait3A_159 = arith.constant 9984 : i32
        %dma_wait3A_160 = arith.constant 0 : i32
        %dma_wait3A_161 = tpu.memref_slice %arg12[%dma_wait3A_159, %dma_wait3A_160] : memref<10000x64xf32, #tpu.memory_space<vmem_shared>> -> memref<16x64xf32, #tpu.memory_space<vmem_shared>>
        %dma_wait3A_162 = arith.constant 9984 : i32
        %dma_wait3A_163 = arith.constant 0 : i32
        %dma_wait3A_164 = tpu.memref_slice %arg12[%dma_wait3A_162, %dma_wait3A_163] : memref<10000x64xf32, #tpu.memory_space<vmem_shared>> -> memref<16x64xf32, #tpu.memory_space<vmem_shared>>
        %dma_wait3A_165 = arith.constant 0 : i32
        %dma_wait3A_166 = arith.constant 0 : i32
        %dma_wait3A_167 = tpu.memref_slice %arg11[%dma_wait3A_165, %dma_wait3A_166] : memref<104x64xf32, #tpu.memory_space<vmem>> -> memref<16x64xf32, #tpu.memory_space<vmem>>
        tpu.wait_dma2 semaphore(%run_scoped3A_143 : memref<!tpu.dma_semaphore, #tpu.memory_space<semaphore_mem>>) src(%dma_wait3A_167 : memref<16x64xf32, #tpu.memory_space<vmem>>) dst(%dma_wait3A_164 : memref<16x64xf32, #tpu.memory_space<vmem_shared>>)
        tpu.yield
      }) : () -> ()
    } else {
    }
    %scan3A_20 = arith.constant 0 : i32
    %scan3A_21 = arith.constant 0 : i32
    %scan3A_22 = arith.constant 104 : i32
    %scan3A_23 = arith.addi %scan3A_21, %scan3A_22 : i32
    %scan3A_24 = arith.constant 1 : i32
    %scan3A_25 = scf.for %scan3A_143 = %scan3A_21 to %scan3A_23 step %scan3A_24 iter_args(%scan3A_144 = %scan3A_20) -> (i32)  : i32 {
      %broadcast_in_dim3A = arith.constant 0.000000e+00 : f32
      %broadcast_in_dim3A_145 = vector.broadcast %broadcast_in_dim3A : f32 to vector<16xf32>
      %swap3A = arith.index_cast %scan3A_143 : i32 to index
      %swap3A_146 = arith.constant 0 : index
      %swap3A_147 = tpu.vector_load %arg20[%swap3A, %swap3A_146] {strides = array<i32>} : memref<104x16xf32, #tpu.memory_space<vmem>>, vector<1x16xf32>,
      %swap3A_148 = vector.shape_cast %swap3A_147 : vector<1x16xf32> to vector<16xf32>
      %swap3A_149 = vector.shape_cast %broadcast_in_dim3A_145 : vector<16xf32> to vector<1x16xf32>
      tpu.vector_store %arg20[%swap3A, %swap3A_146], %swap3A_149 {strides = array<i32>} : memref<104x16xf32, #tpu.memory_space<vmem>>, vector<1x16xf32>,
      %scan3A_150 = arith.constant 0 : i32
      scf.yield %scan3A_150 : i32
    }
    %scan3A_26 = arith.constant 104 : i32
    %scan3A_27 = arith.constant 0 : i32
    %scan3A_28 = arith.constant 0 : i32
    %scan3A_29 = arith.constant 128 : i32
    %scan3A_30 = arith.addi %scan3A_28, %scan3A_29 : i32
    %scan3A_31 = arith.constant 1 : i32
    %scan3A_32 = scf.for %scan3A_143 = %scan3A_28 to %scan3A_30 step %scan3A_31 iter_args(%scan3A_144 = %scan3A_27) -> (i32)  : i32 {
      %broadcast_in_dim3A = arith.constant 5.000000e-01 : f32
      %broadcast_in_dim3A_145 = vector.broadcast %broadcast_in_dim3A : f32 to vector<16xf32>
      %swap3A = arith.index_cast %scan3A_143 : i32 to index
      %swap3A_146 = arith.constant 0 : index
      %swap3A_147 = tpu.vector_load %arg19[%swap3A, %swap3A_146] {strides = array<i32>} : memref<128x16xf32, #tpu.memory_space<vmem>>, vector<1x16xf32>,
      %swap3A_148 = vector.shape_cast %swap3A_147 : vector<1x16xf32> to vector<16xf32>
      %swap3A_149 = vector.shape_cast %broadcast_in_dim3A_145 : vector<16xf32> to vector<1x16xf32>
      tpu.vector_store %arg19[%swap3A, %swap3A_146], %swap3A_149 {strides = array<i32>} : memref<128x16xf32, #tpu.memory_space<vmem>>, vector<1x16xf32>,
      %scan3A_150 = arith.constant 0 : i32
      scf.yield %scan3A_150 : i32
    }
    %scan3A_33 = arith.constant 128 : i32
    %mul3A_34 = arith.constant 624 : i32
    %mul3A_35 = arith.muli %arg1, %mul3A_34 : i32
    %add3A_36 = arith.constant 0 : i32
    %add3A_37 = arith.addi %mul3A_35, %add3A_36 : i32
    "tpu.region"() ({
      %run_scoped3A_143 = tpu.sem_alloc : memref<!tpu.dma_semaphore, #tpu.memory_space<semaphore_mem>>
      %dma_start3A_144 = arith.constant 0 : i32
      %dma_start3A_145 = tpu.memref_slice %arg21[%add3A_37, %dma_start3A_144] : memref<10000x16xf32, #tpu.memory_space<vmem_shared>> -> memref<104x16xf32, #tpu.memory_space<vmem_shared>>
      %dma_start3A_146 = arith.constant 0 : i32
      %dma_start3A_147 = tpu.memref_slice %arg21[%add3A_37, %dma_start3A_146] : memref<10000x16xf32, #tpu.memory_space<vmem_shared>> -> memref<104x16xf32, #tpu.memory_space<vmem_shared>>
      tpu.enqueue_dma source(%arg20 : memref<104x16xf32, #tpu.memory_space<vmem>>) target(%dma_start3A_147 : memref<104x16xf32, #tpu.memory_space<vmem_shared>>) target_semaphore(%run_scoped3A_143 : memref<!tpu.dma_semaphore, #tpu.memory_space<semaphore_mem>>)
      %dma_wait3A_148 = arith.constant 0 : i32
      %dma_wait3A_149 = tpu.memref_slice %arg21[%add3A_37, %dma_wait3A_148] : memref<10000x16xf32, #tpu.memory_space<vmem_shared>> -> memref<104x16xf32, #tpu.memory_space<vmem_shared>>
      %dma_wait3A_150 = arith.constant 0 : i32
      %dma_wait3A_151 = tpu.memref_slice %arg21[%add3A_37, %dma_wait3A_150] : memref<10000x16xf32, #tpu.memory_space<vmem_shared>> -> memref<104x16xf32, #tpu.memory_space<vmem_shared>>
      tpu.wait_dma2 semaphore(%run_scoped3A_143 : memref<!tpu.dma_semaphore, #tpu.memory_space<semaphore_mem>>) src(%arg20 : memref<104x16xf32, #tpu.memory_space<vmem>>) dst(%dma_wait3A_151 : memref<104x16xf32, #tpu.memory_space<vmem_shared>>)
      tpu.yield
    }) : () -> ()
    %add3A_38 = arith.constant 104 : i32
    %add3A_39 = arith.addi %mul3A_35, %add3A_38 : i32
    "tpu.region"() ({
      %run_scoped3A_143 = tpu.sem_alloc : memref<!tpu.dma_semaphore, #tpu.memory_space<semaphore_mem>>
      %dma_start3A_144 = arith.constant 0 : i32
      %dma_start3A_145 = tpu.memref_slice %arg21[%add3A_39, %dma_start3A_144] : memref<10000x16xf32, #tpu.memory_space<vmem_shared>> -> memref<104x16xf32, #tpu.memory_space<vmem_shared>>
      %dma_start3A_146 = arith.constant 0 : i32
      %dma_start3A_147 = tpu.memref_slice %arg21[%add3A_39, %dma_start3A_146] : memref<10000x16xf32, #tpu.memory_space<vmem_shared>> -> memref<104x16xf32, #tpu.memory_space<vmem_shared>>
      tpu.enqueue_dma source(%arg20 : memref<104x16xf32, #tpu.memory_space<vmem>>) target(%dma_start3A_147 : memref<104x16xf32, #tpu.memory_space<vmem_shared>>) target_semaphore(%run_scoped3A_143 : memref<!tpu.dma_semaphore, #tpu.memory_space<semaphore_mem>>)
      %dma_wait3A_148 = arith.constant 0 : i32
      %dma_wait3A_149 = tpu.memref_slice %arg21[%add3A_39, %dma_wait3A_148] : memref<10000x16xf32, #tpu.memory_space<vmem_shared>> -> memref<104x16xf32, #tpu.memory_space<vmem_shared>>
      %dma_wait3A_150 = arith.constant 0 : i32
      %dma_wait3A_151 = tpu.memref_slice %arg21[%add3A_39, %dma_wait3A_150] : memref<10000x16xf32, #tpu.memory_space<vmem_shared>> -> memref<104x16xf32, #tpu.memory_space<vmem_shared>>
      tpu.wait_dma2 semaphore(%run_scoped3A_143 : memref<!tpu.dma_semaphore, #tpu.memory_space<semaphore_mem>>) src(%arg20 : memref<104x16xf32, #tpu.memory_space<vmem>>) dst(%dma_wait3A_151 : memref<104x16xf32, #tpu.memory_space<vmem_shared>>)
      tpu.yield
    }) : () -> ()
    %add3A_40 = arith.constant 208 : i32
    %add3A_41 = arith.addi %mul3A_35, %add3A_40 : i32
    "tpu.region"() ({
      %run_scoped3A_143 = tpu.sem_alloc : memref<!tpu.dma_semaphore, #tpu.memory_space<semaphore_mem>>
      %dma_start3A_144 = arith.constant 0 : i32
      %dma_start3A_145 = tpu.memref_slice %arg21[%add3A_41, %dma_start3A_144] : memref<10000x16xf32, #tpu.memory_space<vmem_shared>> -> memref<104x16xf32, #tpu.memory_space<vmem_shared>>
      %dma_start3A_146 = arith.constant 0 : i32
      %dma_start3A_147 = tpu.memref_slice %arg21[%add3A_41, %dma_start3A_146] : memref<10000x16xf32, #tpu.memory_space<vmem_shared>> -> memref<104x16xf32, #tpu.memory_space<vmem_shared>>
      tpu.enqueue_dma source(%arg20 : memref<104x16xf32, #tpu.memory_space<vmem>>) target(%dma_start3A_147 : memref<104x16xf32, #tpu.memory_space<vmem_shared>>) target_semaphore(%run_scoped3A_143 : memref<!tpu.dma_semaphore, #tpu.memory_space<semaphore_mem>>)
      %dma_wait3A_148 = arith.constant 0 : i32
      %dma_wait3A_149 = tpu.memref_slice %arg21[%add3A_41, %dma_wait3A_148] : memref<10000x16xf32, #tpu.memory_space<vmem_shared>> -> memref<104x16xf32, #tpu.memory_space<vmem_shared>>
      %dma_wait3A_150 = arith.constant 0 : i32
      %dma_wait3A_151 = tpu.memref_slice %arg21[%add3A_41, %dma_wait3A_150] : memref<10000x16xf32, #tpu.memory_space<vmem_shared>> -> memref<104x16xf32, #tpu.memory_space<vmem_shared>>
      tpu.wait_dma2 semaphore(%run_scoped3A_143 : memref<!tpu.dma_semaphore, #tpu.memory_space<semaphore_mem>>) src(%arg20 : memref<104x16xf32, #tpu.memory_space<vmem>>) dst(%dma_wait3A_151 : memref<104x16xf32, #tpu.memory_space<vmem_shared>>)
      tpu.yield
    }) : () -> ()
    %add3A_42 = arith.constant 312 : i32
    %add3A_43 = arith.addi %mul3A_35, %add3A_42 : i32
    "tpu.region"() ({
      %run_scoped3A_143 = tpu.sem_alloc : memref<!tpu.dma_semaphore, #tpu.memory_space<semaphore_mem>>
      %dma_start3A_144 = arith.constant 0 : i32
      %dma_start3A_145 = tpu.memref_slice %arg21[%add3A_43, %dma_start3A_144] : memref<10000x16xf32, #tpu.memory_space<vmem_shared>> -> memref<104x16xf32, #tpu.memory_space<vmem_shared>>
      %dma_start3A_146 = arith.constant 0 : i32
      %dma_start3A_147 = tpu.memref_slice %arg21[%add3A_43, %dma_start3A_146] : memref<10000x16xf32, #tpu.memory_space<vmem_shared>> -> memref<104x16xf32, #tpu.memory_space<vmem_shared>>
      tpu.enqueue_dma source(%arg20 : memref<104x16xf32, #tpu.memory_space<vmem>>) target(%dma_start3A_147 : memref<104x16xf32, #tpu.memory_space<vmem_shared>>) target_semaphore(%run_scoped3A_143 : memref<!tpu.dma_semaphore, #tpu.memory_space<semaphore_mem>>)
      %dma_wait3A_148 = arith.constant 0 : i32
      %dma_wait3A_149 = tpu.memref_slice %arg21[%add3A_43, %dma_wait3A_148] : memref<10000x16xf32, #tpu.memory_space<vmem_shared>> -> memref<104x16xf32, #tpu.memory_space<vmem_shared>>
      %dma_wait3A_150 = arith.constant 0 : i32
      %dma_wait3A_151 = tpu.memref_slice %arg21[%add3A_43, %dma_wait3A_150] : memref<10000x16xf32, #tpu.memory_space<vmem_shared>> -> memref<104x16xf32, #tpu.memory_space<vmem_shared>>
      tpu.wait_dma2 semaphore(%run_scoped3A_143 : memref<!tpu.dma_semaphore, #tpu.memory_space<semaphore_mem>>) src(%arg20 : memref<104x16xf32, #tpu.memory_space<vmem>>) dst(%dma_wait3A_151 : memref<104x16xf32, #tpu.memory_space<vmem_shared>>)
      tpu.yield
    }) : () -> ()
    %add3A_44 = arith.constant 416 : i32
    %add3A_45 = arith.addi %mul3A_35, %add3A_44 : i32
    "tpu.region"() ({
      %run_scoped3A_143 = tpu.sem_alloc : memref<!tpu.dma_semaphore, #tpu.memory_space<semaphore_mem>>
      %dma_start3A_144 = arith.constant 0 : i32
      %dma_start3A_145 = tpu.memref_slice %arg21[%add3A_45, %dma_start3A_144] : memref<10000x16xf32, #tpu.memory_space<vmem_shared>> -> memref<104x16xf32, #tpu.memory_space<vmem_shared>>
      %dma_start3A_146 = arith.constant 0 : i32
      %dma_start3A_147 = tpu.memref_slice %arg21[%add3A_45, %dma_start3A_146] : memref<10000x16xf32, #tpu.memory_space<vmem_shared>> -> memref<104x16xf32, #tpu.memory_space<vmem_shared>>
      tpu.enqueue_dma source(%arg20 : memref<104x16xf32, #tpu.memory_space<vmem>>) target(%dma_start3A_147 : memref<104x16xf32, #tpu.memory_space<vmem_shared>>) target_semaphore(%run_scoped3A_143 : memref<!tpu.dma_semaphore, #tpu.memory_space<semaphore_mem>>)
      %dma_wait3A_148 = arith.constant 0 : i32
      %dma_wait3A_149 = tpu.memref_slice %arg21[%add3A_45, %dma_wait3A_148] : memref<10000x16xf32, #tpu.memory_space<vmem_shared>> -> memref<104x16xf32, #tpu.memory_space<vmem_shared>>
      %dma_wait3A_150 = arith.constant 0 : i32
      %dma_wait3A_151 = tpu.memref_slice %arg21[%add3A_45, %dma_wait3A_150] : memref<10000x16xf32, #tpu.memory_space<vmem_shared>> -> memref<104x16xf32, #tpu.memory_space<vmem_shared>>
      tpu.wait_dma2 semaphore(%run_scoped3A_143 : memref<!tpu.dma_semaphore, #tpu.memory_space<semaphore_mem>>) src(%arg20 : memref<104x16xf32, #tpu.memory_space<vmem>>) dst(%dma_wait3A_151 : memref<104x16xf32, #tpu.memory_space<vmem_shared>>)
      tpu.yield
    }) : () -> ()
    %add3A_46 = arith.constant 520 : i32
    %add3A_47 = arith.addi %mul3A_35, %add3A_46 : i32
    "tpu.region"() ({
      %run_scoped3A_143 = tpu.sem_alloc : memref<!tpu.dma_semaphore, #tpu.memory_space<semaphore_mem>>
      %dma_start3A_144 = arith.constant 0 : i32
      %dma_start3A_145 = tpu.memref_slice %arg21[%add3A_47, %dma_start3A_144] : memref<10000x16xf32, #tpu.memory_space<vmem_shared>> -> memref<104x16xf32, #tpu.memory_space<vmem_shared>>
      %dma_start3A_146 = arith.constant 0 : i32
      %dma_start3A_147 = tpu.memref_slice %arg21[%add3A_47, %dma_start3A_146] : memref<10000x16xf32, #tpu.memory_space<vmem_shared>> -> memref<104x16xf32, #tpu.memory_space<vmem_shared>>
      tpu.enqueue_dma source(%arg20 : memref<104x16xf32, #tpu.memory_space<vmem>>) target(%dma_start3A_147 : memref<104x16xf32, #tpu.memory_space<vmem_shared>>) target_semaphore(%run_scoped3A_143 : memref<!tpu.dma_semaphore, #tpu.memory_space<semaphore_mem>>)
      %dma_wait3A_148 = arith.constant 0 : i32
      %dma_wait3A_149 = tpu.memref_slice %arg21[%add3A_47, %dma_wait3A_148] : memref<10000x16xf32, #tpu.memory_space<vmem_shared>> -> memref<104x16xf32, #tpu.memory_space<vmem_shared>>
      %dma_wait3A_150 = arith.constant 0 : i32
      %dma_wait3A_151 = tpu.memref_slice %arg21[%add3A_47, %dma_wait3A_150] : memref<10000x16xf32, #tpu.memory_space<vmem_shared>> -> memref<104x16xf32, #tpu.memory_space<vmem_shared>>
      tpu.wait_dma2 semaphore(%run_scoped3A_143 : memref<!tpu.dma_semaphore, #tpu.memory_space<semaphore_mem>>) src(%arg20 : memref<104x16xf32, #tpu.memory_space<vmem>>) dst(%dma_wait3A_151 : memref<104x16xf32, #tpu.memory_space<vmem_shared>>)
      tpu.yield
    }) : () -> ()
    %eq3A_48 = arith.constant 15 : i32
    %eq3A_49 = arith.cmpi eq, %arg1, %eq3A_48 : i32
    %convert_element_type3A_50 = arith.extui %eq3A_49 : i1 to i32
    %cond3A_51 = arith.constant 0 : i32
    %cond3A_52 = arith.cmpi ne, %convert_element_type3A_50, %cond3A_51 : i32
    scf.if %cond3A_52 {
      "tpu.region"() ({
        %run_scoped3A_143 = tpu.sem_alloc : memref<!tpu.dma_semaphore, #tpu.memory_space<semaphore_mem>>
        %dma_start3A_144 = arith.constant 0 : i32
        %dma_start3A_145 = arith.constant 0 : i32
        %dma_start3A_146 = tpu.memref_slice %arg20[%dma_start3A_144, %dma_start3A_145] : memref<104x16xf32, #tpu.memory_space<vmem>> -> memref<16x16xf32, #tpu.memory_space<vmem>>
        %dma_start3A_147 = arith.constant 9984 : i32
        %dma_start3A_148 = arith.constant 0 : i32
        %dma_start3A_149 = tpu.memref_slice %arg21[%dma_start3A_147, %dma_start3A_148] : memref<10000x16xf32, #tpu.memory_space<vmem_shared>> -> memref<16x16xf32, #tpu.memory_space<vmem_shared>>
        %dma_start3A_150 = arith.constant 9984 : i32
        %dma_start3A_151 = arith.constant 0 : i32
        %dma_start3A_152 = tpu.memref_slice %arg21[%dma_start3A_150, %dma_start3A_151] : memref<10000x16xf32, #tpu.memory_space<vmem_shared>> -> memref<16x16xf32, #tpu.memory_space<vmem_shared>>
        %dma_start3A_153 = arith.constant 0 : i32
        %dma_start3A_154 = arith.constant 0 : i32
        %dma_start3A_155 = tpu.memref_slice %arg20[%dma_start3A_153, %dma_start3A_154] : memref<104x16xf32, #tpu.memory_space<vmem>> -> memref<16x16xf32, #tpu.memory_space<vmem>>
        tpu.enqueue_dma source(%dma_start3A_155 : memref<16x16xf32, #tpu.memory_space<vmem>>) target(%dma_start3A_152 : memref<16x16xf32, #tpu.memory_space<vmem_shared>>) target_semaphore(%run_scoped3A_143 : memref<!tpu.dma_semaphore, #tpu.memory_space<semaphore_mem>>)
        %dma_wait3A_156 = arith.constant 0 : i32
        %dma_wait3A_157 = arith.constant 0 : i32
        %dma_wait3A_158 = tpu.memref_slice %arg20[%dma_wait3A_156, %dma_wait3A_157] : memref<104x16xf32, #tpu.memory_space<vmem>> -> memref<16x16xf32, #tpu.memory_space<vmem>>
        %dma_wait3A_159 = arith.constant 9984 : i32
        %dma_wait3A_160 = arith.constant 0 : i32
        %dma_wait3A_161 = tpu.memref_slice %arg21[%dma_wait3A_159, %dma_wait3A_160] : memref<10000x16xf32, #tpu.memory_space<vmem_shared>> -> memref<16x16xf32, #tpu.memory_space<vmem_shared>>
        %dma_wait3A_162 = arith.constant 9984 : i32
        %dma_wait3A_163 = arith.constant 0 : i32
        %dma_wait3A_164 = tpu.memref_slice %arg21[%dma_wait3A_162, %dma_wait3A_163] : memref<10000x16xf32, #tpu.memory_space<vmem_shared>> -> memref<16x16xf32, #tpu.memory_space<vmem_shared>>
        %dma_wait3A_165 = arith.constant 0 : i32
        %dma_wait3A_166 = arith.constant 0 : i32
        %dma_wait3A_167 = tpu.memref_slice %arg20[%dma_wait3A_165, %dma_wait3A_166] : memref<104x16xf32, #tpu.memory_space<vmem>> -> memref<16x16xf32, #tpu.memory_space<vmem>>
        tpu.wait_dma2 semaphore(%run_scoped3A_143 : memref<!tpu.dma_semaphore, #tpu.memory_space<semaphore_mem>>) src(%dma_wait3A_167 : memref<16x16xf32, #tpu.memory_space<vmem>>) dst(%dma_wait3A_164 : memref<16x16xf32, #tpu.memory_space<vmem_shared>>)
        tpu.yield
      }) : () -> ()
    } else {
    }
    %run_scoped3A = arith.constant 0 : i32
    "tpu.region"() ({
      %run_scoped3A_143 = tpu.sem_alloc : memref<!tpu.dma_semaphore, #tpu.memory_space<semaphore_mem>>
      %dma_start3A_144 = arith.constant 0 : i32
      %dma_start3A_145 = tpu.memref_slice %arg3[%run_scoped3A, %arg1, %dma_start3A_144] : memref<2x16x20000xi32, #tpu.memory_space<hbm>> -> memref<1x1x20000xi32, #tpu.memory_space<hbm>>
      %dma_start3A_146 = tpu.memref_squeeze %dma_start3A_145 : memref<1x1x20000xi32, #tpu.memory_space<hbm>> -> memref<20000xi32, #tpu.memory_space<hbm>>
      %dma_start3A_147 = arith.constant 0 : i32
      %dma_start3A_148 = tpu.memref_slice %arg3[%run_scoped3A, %arg1, %dma_start3A_147] : memref<2x16x20000xi32, #tpu.memory_space<hbm>> -> memref<1x1x20000xi32, #tpu.memory_space<hbm>>
      %dma_start3A_149 = tpu.memref_squeeze %dma_start3A_148 : memref<1x1x20000xi32, #tpu.memory_space<hbm>> -> memref<20000xi32, #tpu.memory_space<hbm>>
      tpu.enqueue_dma source(%dma_start3A_149 : memref<20000xi32, #tpu.memory_space<hbm>>) target(%arg6 : memref<20000xi32, #tpu.memory_space<vmem>>) target_semaphore(%run_scoped3A_143 : memref<!tpu.dma_semaphore, #tpu.memory_space<semaphore_mem>>)
      %dma_wait3A_150 = arith.constant 0 : i32
      %dma_wait3A_151 = tpu.memref_slice %arg3[%run_scoped3A, %arg1, %dma_wait3A_150] : memref<2x16x20000xi32, #tpu.memory_space<hbm>> -> memref<1x1x20000xi32, #tpu.memory_space<hbm>>
      %dma_wait3A_152 = tpu.memref_squeeze %dma_wait3A_151 : memref<1x1x20000xi32, #tpu.memory_space<hbm>> -> memref<20000xi32, #tpu.memory_space<hbm>>
      %dma_wait3A_153 = arith.constant 0 : i32
      %dma_wait3A_154 = tpu.memref_slice %arg3[%run_scoped3A, %arg1, %dma_wait3A_153] : memref<2x16x20000xi32, #tpu.memory_space<hbm>> -> memref<1x1x20000xi32, #tpu.memory_space<hbm>>
      %dma_wait3A_155 = tpu.memref_squeeze %dma_wait3A_154 : memref<1x1x20000xi32, #tpu.memory_space<hbm>> -> memref<20000xi32, #tpu.memory_space<hbm>>
      tpu.wait_dma2 semaphore(%run_scoped3A_143 : memref<!tpu.dma_semaphore, #tpu.memory_space<semaphore_mem>>) src(%dma_wait3A_155 : memref<20000xi32, #tpu.memory_space<hbm>>) dst(%arg6 : memref<20000xi32, #tpu.memory_space<vmem>>)
      tpu.yield
    }) : () -> ()
    %run_scoped3A_53 = arith.constant 1 : i32
    "tpu.region"() ({
      %run_scoped3A_143 = tpu.sem_alloc : memref<!tpu.dma_semaphore, #tpu.memory_space<semaphore_mem>>
      %dma_start3A_144 = arith.constant 0 : i32
      %dma_start3A_145 = tpu.memref_slice %arg3[%run_scoped3A_53, %arg1, %dma_start3A_144] : memref<2x16x20000xi32, #tpu.memory_space<hbm>> -> memref<1x1x20000xi32, #tpu.memory_space<hbm>>
      %dma_start3A_146 = tpu.memref_squeeze %dma_start3A_145 : memref<1x1x20000xi32, #tpu.memory_space<hbm>> -> memref<20000xi32, #tpu.memory_space<hbm>>
      %dma_start3A_147 = arith.constant 0 : i32
      %dma_start3A_148 = tpu.memref_slice %arg3[%run_scoped3A_53, %arg1, %dma_start3A_147] : memref<2x16x20000xi32, #tpu.memory_space<hbm>> -> memref<1x1x20000xi32, #tpu.memory_space<hbm>>
      %dma_start3A_149 = tpu.memref_squeeze %dma_start3A_148 : memref<1x1x20000xi32, #tpu.memory_space<hbm>> -> memref<20000xi32, #tpu.memory_space<hbm>>
      tpu.enqueue_dma source(%dma_start3A_149 : memref<20000xi32, #tpu.memory_space<hbm>>) target(%arg7 : memref<20000xi32, #tpu.memory_space<vmem>>) target_semaphore(%run_scoped3A_143 : memref<!tpu.dma_semaphore, #tpu.memory_space<semaphore_mem>>)
      %dma_wait3A_150 = arith.constant 0 : i32
      %dma_wait3A_151 = tpu.memref_slice %arg3[%run_scoped3A_53, %arg1, %dma_wait3A_150] : memref<2x16x20000xi32, #tpu.memory_space<hbm>> -> memref<1x1x20000xi32, #tpu.memory_space<hbm>>
      %dma_wait3A_152 = tpu.memref_squeeze %dma_wait3A_151 : memref<1x1x20000xi32, #tpu.memory_space<hbm>> -> memref<20000xi32, #tpu.memory_space<hbm>>
      %dma_wait3A_153 = arith.constant 0 : i32
      %dma_wait3A_154 = tpu.memref_slice %arg3[%run_scoped3A_53, %arg1, %dma_wait3A_153] : memref<2x16x20000xi32, #tpu.memory_space<hbm>> -> memref<1x1x20000xi32, #tpu.memory_space<hbm>>
      %dma_wait3A_155 = tpu.memref_squeeze %dma_wait3A_154 : memref<1x1x20000xi32, #tpu.memory_space<hbm>> -> memref<20000xi32, #tpu.memory_space<hbm>>
      tpu.wait_dma2 semaphore(%run_scoped3A_143 : memref<!tpu.dma_semaphore, #tpu.memory_space<semaphore_mem>>) src(%dma_wait3A_155 : memref<20000xi32, #tpu.memory_space<hbm>>) dst(%arg7 : memref<20000xi32, #tpu.memory_space<vmem>>)
      tpu.yield
    }) : () -> ()
    %scan3A_54 = arith.constant 0 : i32
    %scan3A_55 = arith.constant 0 : i32
    %scan3A_56 = arith.constant 1250 : i32
    %scan3A_57 = arith.addi %scan3A_55, %scan3A_56 : i32
    %scan3A_58 = arith.constant 1 : i32
    %scan3A_59 = scf.for %scan3A_143 = %scan3A_55 to %scan3A_57 step %scan3A_58 iter_args(%scan3A_144 = %scan3A_54) -> (i32)  : i32 {
      %mul3A_145 = arith.constant 16 : i32
      %mul3A_146 = arith.muli %scan3A_143, %mul3A_145 : i32
      %get3A = arith.index_cast %mul3A_146 : i32 to index
      %get3A_147 = tpu.vector_load %arg6[%get3A] {strides = array<i32>} : memref<20000xi32, #tpu.memory_space<vmem>>, vector<16xi32>,
      %get3A_148 = vector.shape_cast %get3A_147 : vector<16xi32> to vector<16xi32>
      %mul3A_149 = arith.constant 2 : i32
      %mul3A_150 = vector.broadcast %mul3A_149 : i32 to vector<16xi32>
      %mul3A_151 = arith.muli %get3A_148, %mul3A_150 : vector<16xi32>
      %add3A_152 = vector.broadcast %arg0 : i32 to vector<16xi32>
      %add3A_153 = arith.addi %mul3A_151, %add3A_152 : vector<16xi32>
      %swap3A = arith.index_cast %mul3A_146 : i32 to index
      %swap3A_154 = tpu.vector_load %arg6[%swap3A] {strides = array<i32>} : memref<20000xi32, #tpu.memory_space<vmem>>, vector<16xi32>,
      %swap3A_155 = vector.shape_cast %swap3A_154 : vector<16xi32> to vector<16xi32>
      %swap3A_156 = vector.shape_cast %add3A_153 : vector<16xi32> to vector<16xi32>
      tpu.vector_store %arg6[%swap3A], %swap3A_156 {strides = array<i32>} : memref<20000xi32, #tpu.memory_space<vmem>>, vector<16xi32>,
      %scan3A_157 = arith.constant 0 : i32
      scf.yield %scan3A_157 : i32
    }
    %scan3A_60 = arith.constant 1250 : i32
    %barrier3A = arith.constant 0 : index
    tpu.barrier barrier_id(%barrier3A)
    %dma_start3A = arith.constant 0 : i32
    %dma_start3A_61 = tpu.memref_slice %arg6[%dma_start3A] : memref<20000xi32, #tpu.memory_space<vmem>> -> memref<128xi32, #tpu.memory_space<vmem>>
    %dma_start3A_62 = arith.constant 0 : i32
    %dma_start3A_63 = arith.constant 0 : i32
    %dma_start3A_64 = tpu.memref_slice %arg2[%dma_start3A_62, %dma_start3A_63] : memref<20000x64xf32, #tpu.memory_space<hbm>> -> memref<20000x64xf32, #tpu.memory_space<hbm>>
    tpu.enqueue_indirect_dma source(%dma_start3A_64 : memref<20000x64xf32, #tpu.memory_space<hbm>>) target(%arg8 : memref<128x64xf32, #tpu.memory_space<vmem>>) offsets(%dma_start3A_61 : memref<128xi32, #tpu.memory_space<vmem>>) semaphore(%arg13 : memref<!tpu.dma_semaphore, #tpu.memory_space<semaphore_mem>>)
    %dma_start3A_65 = arith.constant 128 : i32
    %dma_start3A_66 = tpu.memref_slice %arg6[%dma_start3A_65] : memref<20000xi32, #tpu.memory_space<vmem>> -> memref<128xi32, #tpu.memory_space<vmem>>
    %dma_start3A_67 = arith.constant 0 : i32
    %dma_start3A_68 = arith.constant 0 : i32
    %dma_start3A_69 = tpu.memref_slice %arg2[%dma_start3A_67, %dma_start3A_68] : memref<20000x64xf32, #tpu.memory_space<hbm>> -> memref<20000x64xf32, #tpu.memory_space<hbm>>
    tpu.enqueue_indirect_dma source(%dma_start3A_69 : memref<20000x64xf32, #tpu.memory_space<hbm>>) target(%arg9 : memref<128x64xf32, #tpu.memory_space<vmem>>) offsets(%dma_start3A_66 : memref<128xi32, #tpu.memory_space<vmem>>) semaphore(%arg14 : memref<!tpu.dma_semaphore, #tpu.memory_space<semaphore_mem>>)
    %scan3A_70 = arith.constant 0 : i32
    %scan3A_71 = arith.constant 0 : i32
    %scan3A_72 = arith.constant 52 : i32
    %scan3A_73 = arith.addi %scan3A_71, %scan3A_72 : i32
    %scan3A_74 = arith.constant 1 : i32
    %scan3A_75 = scf.for %scan3A_143 = %scan3A_71 to %scan3A_73 step %scan3A_74 iter_args(%scan3A_144 = %scan3A_70) -> (i32)  : i32 {
      %mul3A_145 = arith.constant 3 : i32
      %mul3A_146 = arith.muli %scan3A_143, %mul3A_145 : i32
      %add3A_147 = arith.constant 0 : i32
      %add3A_148 = arith.addi %mul3A_146, %add3A_147 : i32
      %mul3A_149 = arith.constant 128 : i32
      %mul3A_150 = arith.muli %add3A_148, %mul3A_149 : i32
      %dma_wait3A_151 = tpu.memref_slice %arg6[%mul3A_150] : memref<20000xi32, #tpu.memory_space<vmem>> -> memref<128xi32, #tpu.memory_space<vmem>>
      %dma_wait3A_152 = arith.constant 0 : i32
      %dma_wait3A_153 = arith.constant 0 : i32
      %dma_wait3A_154 = tpu.memref_slice %arg2[%dma_wait3A_152, %dma_wait3A_153] : memref<20000x64xf32, #tpu.memory_space<hbm>> -> memref<20000x64xf32, #tpu.memory_space<hbm>>
      tpu.wait_indirect_dma semaphore(%arg13 : memref<!tpu.dma_semaphore, #tpu.memory_space<semaphore_mem>>) src(%dma_wait3A_154 : memref<20000x64xf32, #tpu.memory_space<hbm>>) dst(%arg8 : memref<128x64xf32, #tpu.memory_space<vmem>>)
      %add3A_155 = arith.constant 3 : i32
      %add3A_156 = arith.addi %add3A_148, %add3A_155 : i32
      %sub3A = arith.constant 1 : i32
      %sub3A_157 = arith.subi %add3A_156, %sub3A : i32
      %lt3A_158 = arith.constant 156 : i32
      %lt3A_159 = arith.cmpi slt, %sub3A_157, %lt3A_158 : i32
      %convert_element_type3A_160 = arith.extui %lt3A_159 : i1 to i32
      %cond3A_161 = arith.constant 0 : i32
      %cond3A_162 = arith.cmpi ne, %convert_element_type3A_160, %cond3A_161 : i32
      scf.if %cond3A_162 {
        %ge3A = arith.constant 1 : i32
        %ge3A_226 = arith.cmpi sge, %add3A_148, %ge3A : i32
        %convert_element_type3A_227 = arith.extui %ge3A_226 : i1 to i32
        %cond3A_228 = arith.constant 0 : i32
        %cond3A_229 = arith.cmpi ne, %convert_element_type3A_227, %cond3A_228 : i32
        scf.if %cond3A_229 {
          %mul3A_240 = arith.constant 128 : i32
          %mul3A_241 = arith.muli %add3A_148, %mul3A_240 : i32
          %dma_wait3A_242 = tpu.memref_slice %arg7[%mul3A_241] : memref<20000xi32, #tpu.memory_space<vmem>> -> memref<128xi32, #tpu.memory_space<vmem>>
          %dma_wait3A_243 = arith.constant 0 : i32
          %dma_wait3A_244 = arith.constant 0 : i32
          %dma_wait3A_245 = tpu.memref_slice %arg12[%dma_wait3A_243, %dma_wait3A_244] : memref<10000x64xf32, #tpu.memory_space<vmem_shared>> -> memref<10000x64xf32, #tpu.memory_space<vmem_shared>>
          tpu.wait_indirect_dma semaphore(%arg18 : memref<!tpu.dma_semaphore, #tpu.memory_space<semaphore_mem>>) src(%arg10 : memref<128x64xf32, #tpu.memory_space<vmem>>) dst(%dma_wait3A_245 : memref<10000x64xf32, #tpu.memory_space<vmem_shared>>)
        } else {
        }
        %add3A_230 = arith.constant 3 : i32
        %add3A_231 = arith.addi %add3A_148, %add3A_230 : i32
        %sub3A_232 = arith.constant 1 : i32
        %sub3A_233 = arith.subi %add3A_231, %sub3A_232 : i32
        %mul3A_234 = arith.constant 128 : i32
        %mul3A_235 = arith.muli %sub3A_233, %mul3A_234 : i32
        %dma_start3A_236 = tpu.memref_slice %arg6[%mul3A_235] : memref<20000xi32, #tpu.memory_space<vmem>> -> memref<128xi32, #tpu.memory_space<vmem>>
        %dma_start3A_237 = arith.constant 0 : i32
        %dma_start3A_238 = arith.constant 0 : i32
        %dma_start3A_239 = tpu.memref_slice %arg2[%dma_start3A_237, %dma_start3A_238] : memref<20000x64xf32, #tpu.memory_space<hbm>> -> memref<20000x64xf32, #tpu.memory_space<hbm>>
        tpu.enqueue_indirect_dma source(%dma_start3A_239 : memref<20000x64xf32, #tpu.memory_space<hbm>>) target(%arg10 : memref<128x64xf32, #tpu.memory_space<vmem>>) offsets(%dma_start3A_236 : memref<128xi32, #tpu.memory_space<vmem>>) semaphore(%arg15 : memref<!tpu.dma_semaphore, #tpu.memory_space<semaphore_mem>>)
      } else {
      }
      %mul3A_163 = arith.constant 128 : i32
      %mul3A_164 = arith.muli %add3A_148, %mul3A_163 : i32
      %dma_start3A_165 = tpu.memref_slice %arg7[%mul3A_164] : memref<20000xi32, #tpu.memory_space<vmem>> -> memref<128xi32, #tpu.memory_space<vmem>>
      %dma_start3A_166 = arith.constant 0 : i32
      %dma_start3A_167 = arith.constant 0 : i32
      %dma_start3A_168 = tpu.memref_slice %arg12[%dma_start3A_166, %dma_start3A_167] : memref<10000x64xf32, #tpu.memory_space<vmem_shared>> -> memref<10000x64xf32, #tpu.memory_space<vmem_shared>>
      tpu.enqueue_indirect_dma source(%arg8 : memref<128x64xf32, #tpu.memory_space<vmem>>) target(%dma_start3A_168 : memref<10000x64xf32, #tpu.memory_space<vmem_shared>>) offsets(%dma_start3A_165 : memref<128xi32, #tpu.memory_space<vmem>>) semaphore(%arg16 : memref<!tpu.dma_semaphore, #tpu.memory_space<semaphore_mem>>) {add = true}
      %mul3A_169 = arith.constant 128 : i32
      %mul3A_170 = arith.muli %add3A_148, %mul3A_169 : i32
      "tpu.region"() ({
        %run_scoped3A_226 = tpu.sem_alloc : memref<!tpu.dma_semaphore, #tpu.memory_space<semaphore_mem>>
        %dma_start3A_227 = tpu.memref_slice %arg7[%mul3A_170] : memref<20000xi32, #tpu.memory_space<vmem>> -> memref<128xi32, #tpu.memory_space<vmem>>
        %dma_start3A_228 = arith.constant 0 : i32
        %dma_start3A_229 = arith.constant 0 : i32
        %dma_start3A_230 = tpu.memref_slice %arg21[%dma_start3A_228, %dma_start3A_229] : memref<10000x16xf32, #tpu.memory_space<vmem_shared>> -> memref<10000x16xf32, #tpu.memory_space<vmem_shared>>
        tpu.enqueue_indirect_dma source(%arg19 : memref<128x16xf32, #tpu.memory_space<vmem>>) target(%dma_start3A_230 : memref<10000x16xf32, #tpu.memory_space<vmem_shared>>) offsets(%dma_start3A_227 : memref<128xi32, #tpu.memory_space<vmem>>) semaphore(%run_scoped3A_226 : memref<!tpu.dma_semaphore, #tpu.memory_space<semaphore_mem>>) {add = true}
        %dma_wait3A_231 = tpu.memref_slice %arg7[%mul3A_170] : memref<20000xi32, #tpu.memory_space<vmem>> -> memref<128xi32, #tpu.memory_space<vmem>>
        %dma_wait3A_232 = arith.constant 0 : i32
        %dma_wait3A_233 = arith.constant 0 : i32
        %dma_wait3A_234 = tpu.memref_slice %arg21[%dma_wait3A_232, %dma_wait3A_233] : memref<10000x16xf32, #tpu.memory_space<vmem_shared>> -> memref<10000x16xf32, #tpu.memory_space<vmem_shared>>
        tpu.wait_indirect_dma semaphore(%run_scoped3A_226 : memref<!tpu.dma_semaphore, #tpu.memory_space<semaphore_mem>>) src(%arg19 : memref<128x16xf32, #tpu.memory_space<vmem>>) dst(%dma_wait3A_234 : memref<10000x16xf32, #tpu.memory_space<vmem_shared>>)
        tpu.yield
      }) : () -> ()
      %mul3A_171 = arith.constant 3 : i32
      %mul3A_172 = arith.muli %scan3A_143, %mul3A_171 : i32
      %add3A_173 = arith.constant 1 : i32
      %add3A_174 = arith.addi %mul3A_172, %add3A_173 : i32
      %mul3A_175 = arith.constant 128 : i32
      %mul3A_176 = arith.muli %add3A_174, %mul3A_175 : i32
      %dma_wait3A_177 = tpu.memref_slice %arg6[%mul3A_176] : memref<20000xi32, #tpu.memory_space<vmem>> -> memref<128xi32, #tpu.memory_space<vmem>>
      %dma_wait3A_178 = arith.constant 0 : i32
      %dma_wait3A_179 = arith.constant 0 : i32
      %dma_wait3A_180 = tpu.memref_slice %arg2[%dma_wait3A_178, %dma_wait3A_179] : memref<20000x64xf32, #tpu.memory_space<hbm>> -> memref<20000x64xf32, #tpu.memory_space<hbm>>
      tpu.wait_indirect_dma semaphore(%arg14 : memref<!tpu.dma_semaphore, #tpu.memory_space<semaphore_mem>>) src(%dma_wait3A_180 : memref<20000x64xf32, #tpu.memory_space<hbm>>) dst(%arg9 : memref<128x64xf32, #tpu.memory_space<vmem>>)
      %add3A_181 = arith.constant 3 : i32
      %add3A_182 = arith.addi %add3A_174, %add3A_181 : i32
      %sub3A_183 = arith.constant 1 : i32
      %sub3A_184 = arith.subi %add3A_182, %sub3A_183 : i32
      %lt3A_185 = arith.constant 156 : i32
      %lt3A_186 = arith.cmpi slt, %sub3A_184, %lt3A_185 : i32
      %convert_element_type3A_187 = arith.extui %lt3A_186 : i1 to i32
      %cond3A_188 = arith.constant 0 : i32
      %cond3A_189 = arith.cmpi ne, %convert_element_type3A_187, %cond3A_188 : i32
      scf.if %cond3A_189 {
        %ge3A = arith.constant 1 : i32
        %ge3A_226 = arith.cmpi sge, %add3A_174, %ge3A : i32
        %convert_element_type3A_227 = arith.extui %ge3A_226 : i1 to i32
        %cond3A_228 = arith.constant 0 : i32
        %cond3A_229 = arith.cmpi ne, %convert_element_type3A_227, %cond3A_228 : i32
        scf.if %cond3A_229 {
          %mul3A_240 = arith.constant 128 : i32
          %mul3A_241 = arith.muli %add3A_174, %mul3A_240 : i32
          %dma_wait3A_242 = tpu.memref_slice %arg7[%mul3A_241] : memref<20000xi32, #tpu.memory_space<vmem>> -> memref<128xi32, #tpu.memory_space<vmem>>
          %dma_wait3A_243 = arith.constant 0 : i32
          %dma_wait3A_244 = arith.constant 0 : i32
          %dma_wait3A_245 = tpu.memref_slice %arg12[%dma_wait3A_243, %dma_wait3A_244] : memref<10000x64xf32, #tpu.memory_space<vmem_shared>> -> memref<10000x64xf32, #tpu.memory_space<vmem_shared>>
          tpu.wait_indirect_dma semaphore(%arg16 : memref<!tpu.dma_semaphore, #tpu.memory_space<semaphore_mem>>) src(%arg8 : memref<128x64xf32, #tpu.memory_space<vmem>>) dst(%dma_wait3A_245 : memref<10000x64xf32, #tpu.memory_space<vmem_shared>>)
        } else {
        }
        %add3A_230 = arith.constant 3 : i32
        %add3A_231 = arith.addi %add3A_174, %add3A_230 : i32
        %sub3A_232 = arith.constant 1 : i32
        %sub3A_233 = arith.subi %add3A_231, %sub3A_232 : i32
        %mul3A_234 = arith.constant 128 : i32
        %mul3A_235 = arith.muli %sub3A_233, %mul3A_234 : i32
        %dma_start3A_236 = tpu.memref_slice %arg6[%mul3A_235] : memref<20000xi32, #tpu.memory_space<vmem>> -> memref<128xi32, #tpu.memory_space<vmem>>
        %dma_start3A_237 = arith.constant 0 : i32
        %dma_start3A_238 = arith.constant 0 : i32
        %dma_start3A_239 = tpu.memref_slice %arg2[%dma_start3A_237, %dma_start3A_238] : memref<20000x64xf32, #tpu.memory_space<hbm>> -> memref<20000x64xf32, #tpu.memory_space<hbm>>
        tpu.enqueue_indirect_dma source(%dma_start3A_239 : memref<20000x64xf32, #tpu.memory_space<hbm>>) target(%arg8 : memref<128x64xf32, #tpu.memory_space<vmem>>) offsets(%dma_start3A_236 : memref<128xi32, #tpu.memory_space<vmem>>) semaphore(%arg13 : memref<!tpu.dma_semaphore, #tpu.memory_space<semaphore_mem>>)
      } else {
      }
      %mul3A_190 = arith.constant 128 : i32
      %mul3A_191 = arith.muli %add3A_174, %mul3A_190 : i32
      %dma_start3A_192 = tpu.memref_slice %arg7[%mul3A_191] : memref<20000xi32, #tpu.memory_space<vmem>> -> memref<128xi32, #tpu.memory_space<vmem>>
      %dma_start3A_193 = arith.constant 0 : i32
      %dma_start3A_194 = arith.constant 0 : i32
      %dma_start3A_195 = tpu.memref_slice %arg12[%dma_start3A_193, %dma_start3A_194] : memref<10000x64xf32, #tpu.memory_space<vmem_shared>> -> memref<10000x64xf32, #tpu.memory_space<vmem_shared>>
      tpu.enqueue_indirect_dma source(%arg9 : memref<128x64xf32, #tpu.memory_space<vmem>>) target(%dma_start3A_195 : memref<10000x64xf32, #tpu.memory_space<vmem_shared>>) offsets(%dma_start3A_192 : memref<128xi32, #tpu.memory_space<vmem>>) semaphore(%arg17 : memref<!tpu.dma_semaphore, #tpu.memory_space<semaphore_mem>>) {add = true}
      %mul3A_196 = arith.constant 128 : i32
      %mul3A_197 = arith.muli %add3A_174, %mul3A_196 : i32
      "tpu.region"() ({
        %run_scoped3A_226 = tpu.sem_alloc : memref<!tpu.dma_semaphore, #tpu.memory_space<semaphore_mem>>
        %dma_start3A_227 = tpu.memref_slice %arg7[%mul3A_197] : memref<20000xi32, #tpu.memory_space<vmem>> -> memref<128xi32, #tpu.memory_space<vmem>>
        %dma_start3A_228 = arith.constant 0 : i32
        %dma_start3A_229 = arith.constant 0 : i32
        %dma_start3A_230 = tpu.memref_slice %arg21[%dma_start3A_228, %dma_start3A_229] : memref<10000x16xf32, #tpu.memory_space<vmem_shared>> -> memref<10000x16xf32, #tpu.memory_space<vmem_shared>>
        tpu.enqueue_indirect_dma source(%arg19 : memref<128x16xf32, #tpu.memory_space<vmem>>) target(%dma_start3A_230 : memref<10000x16xf32, #tpu.memory_space<vmem_shared>>) offsets(%dma_start3A_227 : memref<128xi32, #tpu.memory_space<vmem>>) semaphore(%run_scoped3A_226 : memref<!tpu.dma_semaphore, #tpu.memory_space<semaphore_mem>>) {add = true}
        %dma_wait3A_231 = tpu.memref_slice %arg7[%mul3A_197] : memref<20000xi32, #tpu.memory_space<vmem>> -> memref<128xi32, #tpu.memory_space<vmem>>
        %dma_wait3A_232 = arith.constant 0 : i32
        %dma_wait3A_233 = arith.constant 0 : i32
        %dma_wait3A_234 = tpu.memref_slice %arg21[%dma_wait3A_232, %dma_wait3A_233] : memref<10000x16xf32, #tpu.memory_space<vmem_shared>> -> memref<10000x16xf32, #tpu.memory_space<vmem_shared>>
        tpu.wait_indirect_dma semaphore(%run_scoped3A_226 : memref<!tpu.dma_semaphore, #tpu.memory_space<semaphore_mem>>) src(%arg19 : memref<128x16xf32, #tpu.memory_space<vmem>>) dst(%dma_wait3A_234 : memref<10000x16xf32, #tpu.memory_space<vmem_shared>>)
        tpu.yield
      }) : () -> ()
      %mul3A_198 = arith.constant 3 : i32
      %mul3A_199 = arith.muli %scan3A_143, %mul3A_198 : i32
      %add3A_200 = arith.constant 2 : i32
      %add3A_201 = arith.addi %mul3A_199, %add3A_200 : i32
      %mul3A_202 = arith.constant 128 : i32
      %mul3A_203 = arith.muli %add3A_201, %mul3A_202 : i32
      %dma_wait3A_204 = tpu.memref_slice %arg6[%mul3A_203] : memref<20000xi32, #tpu.memory_space<vmem>> -> memref<128xi32, #tpu.memory_space<vmem>>
      %dma_wait3A_205 = arith.constant 0 : i32
      %dma_wait3A_206 = arith.constant 0 : i32
      %dma_wait3A_207 = tpu.memref_slice %arg2[%dma_wait3A_205, %dma_wait3A_206] : memref<20000x64xf32, #tpu.memory_space<hbm>> -> memref<20000x64xf32, #tpu.memory_space<hbm>>
      tpu.wait_indirect_dma semaphore(%arg15 : memref<!tpu.dma_semaphore, #tpu.memory_space<semaphore_mem>>) src(%dma_wait3A_207 : memref<20000x64xf32, #tpu.memory_space<hbm>>) dst(%arg10 : memref<128x64xf32, #tpu.memory_space<vmem>>)
      %add3A_208 = arith.constant 3 : i32
      %add3A_209 = arith.addi %add3A_201, %add3A_208 : i32
      %sub3A_210 = arith.constant 1 : i32
      %sub3A_211 = arith.subi %add3A_209, %sub3A_210 : i32
      %lt3A_212 = arith.constant 156 : i32
      %lt3A_213 = arith.cmpi slt, %sub3A_211, %lt3A_212 : i32
      %convert_element_type3A_214 = arith.extui %lt3A_213 : i1 to i32
      %cond3A_215 = arith.constant 0 : i32
      %cond3A_216 = arith.cmpi ne, %convert_element_type3A_214, %cond3A_215 : i32
      scf.if %cond3A_216 {
        %ge3A = arith.constant 1 : i32
        %ge3A_226 = arith.cmpi sge, %add3A_201, %ge3A : i32
        %convert_element_type3A_227 = arith.extui %ge3A_226 : i1 to i32
        %cond3A_228 = arith.constant 0 : i32
        %cond3A_229 = arith.cmpi ne, %convert_element_type3A_227, %cond3A_228 : i32
        scf.if %cond3A_229 {
          %mul3A_240 = arith.constant 128 : i32
          %mul3A_241 = arith.muli %add3A_201, %mul3A_240 : i32
          %dma_wait3A_242 = tpu.memref_slice %arg7[%mul3A_241] : memref<20000xi32, #tpu.memory_space<vmem>> -> memref<128xi32, #tpu.memory_space<vmem>>
          %dma_wait3A_243 = arith.constant 0 : i32
          %dma_wait3A_244 = arith.constant 0 : i32
          %dma_wait3A_245 = tpu.memref_slice %arg12[%dma_wait3A_243, %dma_wait3A_244] : memref<10000x64xf32, #tpu.memory_space<vmem_shared>> -> memref<10000x64xf32, #tpu.memory_space<vmem_shared>>
          tpu.wait_indirect_dma semaphore(%arg17 : memref<!tpu.dma_semaphore, #tpu.memory_space<semaphore_mem>>) src(%arg9 : memref<128x64xf32, #tpu.memory_space<vmem>>) dst(%dma_wait3A_245 : memref<10000x64xf32, #tpu.memory_space<vmem_shared>>)
        } else {
        }
        %add3A_230 = arith.constant 3 : i32
        %add3A_231 = arith.addi %add3A_201, %add3A_230 : i32
        %sub3A_232 = arith.constant 1 : i32
        %sub3A_233 = arith.subi %add3A_231, %sub3A_232 : i32
        %mul3A_234 = arith.constant 128 : i32
        %mul3A_235 = arith.muli %sub3A_233, %mul3A_234 : i32
        %dma_start3A_236 = tpu.memref_slice %arg6[%mul3A_235] : memref<20000xi32, #tpu.memory_space<vmem>> -> memref<128xi32, #tpu.memory_space<vmem>>
        %dma_start3A_237 = arith.constant 0 : i32
        %dma_start3A_238 = arith.constant 0 : i32
        %dma_start3A_239 = tpu.memref_slice %arg2[%dma_start3A_237, %dma_start3A_238] : memref<20000x64xf32, #tpu.memory_space<hbm>> -> memref<20000x64xf32, #tpu.memory_space<hbm>>
        tpu.enqueue_indirect_dma source(%dma_start3A_239 : memref<20000x64xf32, #tpu.memory_space<hbm>>) target(%arg9 : memref<128x64xf32, #tpu.memory_space<vmem>>) offsets(%dma_start3A_236 : memref<128xi32, #tpu.memory_space<vmem>>) semaphore(%arg14 : memref<!tpu.dma_semaphore, #tpu.memory_space<semaphore_mem>>)
      } else {
      }
      %mul3A_217 = arith.constant 128 : i32
      %mul3A_218 = arith.muli %add3A_201, %mul3A_217 : i32
      %dma_start3A_219 = tpu.memref_slice %arg7[%mul3A_218] : memref<20000xi32, #tpu.memory_space<vmem>> -> memref<128xi32, #tpu.memory_space<vmem>>
      %dma_start3A_220 = arith.constant 0 : i32
      %dma_start3A_221 = arith.constant 0 : i32
      %dma_start3A_222 = tpu.memref_slice %arg12[%dma_start3A_220, %dma_start3A_221] : memref<10000x64xf32, #tpu.memory_space<vmem_shared>> -> memref<10000x64xf32, #tpu.memory_space<vmem_shared>>
      tpu.enqueue_indirect_dma source(%arg10 : memref<128x64xf32, #tpu.memory_space<vmem>>) target(%dma_start3A_222 : memref<10000x64xf32, #tpu.memory_space<vmem_shared>>) offsets(%dma_start3A_219 : memref<128xi32, #tpu.memory_space<vmem>>) semaphore(%arg18 : memref<!tpu.dma_semaphore, #tpu.memory_space<semaphore_mem>>) {add = true}
      %mul3A_223 = arith.constant 128 : i32
      %mul3A_224 = arith.muli %add3A_201, %mul3A_223 : i32
      "tpu.region"() ({
        %run_scoped3A_226 = tpu.sem_alloc : memref<!tpu.dma_semaphore, #tpu.memory_space<semaphore_mem>>
        %dma_start3A_227 = tpu.memref_slice %arg7[%mul3A_224] : memref<20000xi32, #tpu.memory_space<vmem>> -> memref<128xi32, #tpu.memory_space<vmem>>
        %dma_start3A_228 = arith.constant 0 : i32
        %dma_start3A_229 = arith.constant 0 : i32
        %dma_start3A_230 = tpu.memref_slice %arg21[%dma_start3A_228, %dma_start3A_229] : memref<10000x16xf32, #tpu.memory_space<vmem_shared>> -> memref<10000x16xf32, #tpu.memory_space<vmem_shared>>
        tpu.enqueue_indirect_dma source(%arg19 : memref<128x16xf32, #tpu.memory_space<vmem>>) target(%dma_start3A_230 : memref<10000x16xf32, #tpu.memory_space<vmem_shared>>) offsets(%dma_start3A_227 : memref<128xi32, #tpu.memory_space<vmem>>) semaphore(%run_scoped3A_226 : memref<!tpu.dma_semaphore, #tpu.memory_space<semaphore_mem>>) {add = true}
        %dma_wait3A_231 = tpu.memref_slice %arg7[%mul3A_224] : memref<20000xi32, #tpu.memory_space<vmem>> -> memref<128xi32, #tpu.memory_space<vmem>>
        %dma_wait3A_232 = arith.constant 0 : i32
        %dma_wait3A_233 = arith.constant 0 : i32
        %dma_wait3A_234 = tpu.memref_slice %arg21[%dma_wait3A_232, %dma_wait3A_233] : memref<10000x16xf32, #tpu.memory_space<vmem_shared>> -> memref<10000x16xf32, #tpu.memory_space<vmem_shared>>
        tpu.wait_indirect_dma semaphore(%run_scoped3A_226 : memref<!tpu.dma_semaphore, #tpu.memory_space<semaphore_mem>>) src(%arg19 : memref<128x16xf32, #tpu.memory_space<vmem>>) dst(%dma_wait3A_234 : memref<10000x16xf32, #tpu.memory_space<vmem_shared>>)
        tpu.yield
      }) : () -> ()
      %scan3A_225 = arith.constant 0 : i32
      scf.yield %scan3A_225 : i32
    }
    %scan3A_76 = arith.constant 52 : i32
    %dma_wait3A = arith.constant 0 : i32
    %dma_wait3A_77 = tpu.memref_slice %arg7[%dma_wait3A] : memref<20000xi32, #tpu.memory_space<vmem>> -> memref<128xi32, #tpu.memory_space<vmem>>
    %dma_wait3A_78 = arith.constant 0 : i32
    %dma_wait3A_79 = arith.constant 0 : i32
    %dma_wait3A_80 = tpu.memref_slice %arg12[%dma_wait3A_78, %dma_wait3A_79] : memref<10000x64xf32, #tpu.memory_space<vmem_shared>> -> memref<10000x64xf32, #tpu.memory_space<vmem_shared>>
    tpu.wait_indirect_dma semaphore(%arg16 : memref<!tpu.dma_semaphore, #tpu.memory_space<semaphore_mem>>) src(%arg8 : memref<128x64xf32, #tpu.memory_space<vmem>>) dst(%dma_wait3A_80 : memref<10000x64xf32, #tpu.memory_space<vmem_shared>>)
    %dma_start3A_81 = arith.constant 0 : i32
    %dma_start3A_82 = arith.constant 0 : i32
    %dma_start3A_83 = tpu.memref_slice %arg8[%dma_start3A_81, %dma_start3A_82] : memref<128x64xf32, #tpu.memory_space<vmem>> -> memref<32x64xf32, #tpu.memory_space<vmem>>
    %dma_start3A_84 = arith.constant 19968 : i32
    %dma_start3A_85 = tpu.memref_slice %arg6[%dma_start3A_84] : memref<20000xi32, #tpu.memory_space<vmem>> -> memref<32xi32, #tpu.memory_space<vmem>>
    %dma_start3A_86 = arith.constant 0 : i32
    %dma_start3A_87 = arith.constant 0 : i32
    %dma_start3A_88 = tpu.memref_slice %arg2[%dma_start3A_86, %dma_start3A_87] : memref<20000x64xf32, #tpu.memory_space<hbm>> -> memref<20000x64xf32, #tpu.memory_space<hbm>>
    tpu.enqueue_indirect_dma source(%dma_start3A_88 : memref<20000x64xf32, #tpu.memory_space<hbm>>) target(%dma_start3A_83 : memref<32x64xf32, #tpu.memory_space<vmem>>) offsets(%dma_start3A_85 : memref<32xi32, #tpu.memory_space<vmem>>) semaphore(%arg13 : memref<!tpu.dma_semaphore, #tpu.memory_space<semaphore_mem>>)
    %dma_wait3A_89 = arith.constant 0 : i32
    %dma_wait3A_90 = arith.constant 0 : i32
    %dma_wait3A_91 = tpu.memref_slice %arg8[%dma_wait3A_89, %dma_wait3A_90] : memref<128x64xf32, #tpu.memory_space<vmem>> -> memref<32x64xf32, #tpu.memory_space<vmem>>
    %dma_wait3A_92 = arith.constant 19968 : i32
    %dma_wait3A_93 = tpu.memref_slice %arg6[%dma_wait3A_92] : memref<20000xi32, #tpu.memory_space<vmem>> -> memref<32xi32, #tpu.memory_space<vmem>>
    %dma_wait3A_94 = arith.constant 0 : i32
    %dma_wait3A_95 = arith.constant 0 : i32
    %dma_wait3A_96 = tpu.memref_slice %arg2[%dma_wait3A_94, %dma_wait3A_95] : memref<20000x64xf32, #tpu.memory_space<hbm>> -> memref<20000x64xf32, #tpu.memory_space<hbm>>
    tpu.wait_indirect_dma semaphore(%arg13 : memref<!tpu.dma_semaphore, #tpu.memory_space<semaphore_mem>>) src(%dma_wait3A_96 : memref<20000x64xf32, #tpu.memory_space<hbm>>) dst(%dma_wait3A_91 : memref<32x64xf32, #tpu.memory_space<vmem>>)
    %dma_start3A_97 = arith.constant 0 : i32
    %dma_start3A_98 = arith.constant 0 : i32
    %dma_start3A_99 = tpu.memref_slice %arg8[%dma_start3A_97, %dma_start3A_98] : memref<128x64xf32, #tpu.memory_space<vmem>> -> memref<32x64xf32, #tpu.memory_space<vmem>>
    %dma_start3A_100 = arith.constant 19968 : i32
    %dma_start3A_101 = tpu.memref_slice %arg7[%dma_start3A_100] : memref<20000xi32, #tpu.memory_space<vmem>> -> memref<32xi32, #tpu.memory_space<vmem>>
    %dma_start3A_102 = arith.constant 0 : i32
    %dma_start3A_103 = arith.constant 0 : i32
    %dma_start3A_104 = tpu.memref_slice %arg12[%dma_start3A_102, %dma_start3A_103] : memref<10000x64xf32, #tpu.memory_space<vmem_shared>> -> memref<10000x64xf32, #tpu.memory_space<vmem_shared>>
    tpu.enqueue_indirect_dma source(%dma_start3A_99 : memref<32x64xf32, #tpu.memory_space<vmem>>) target(%dma_start3A_104 : memref<10000x64xf32, #tpu.memory_space<vmem_shared>>) offsets(%dma_start3A_101 : memref<32xi32, #tpu.memory_space<vmem>>) semaphore(%arg16 : memref<!tpu.dma_semaphore, #tpu.memory_space<semaphore_mem>>) {add = true}
    "tpu.region"() ({
      %run_scoped3A_143 = tpu.sem_alloc : memref<!tpu.dma_semaphore, #tpu.memory_space<semaphore_mem>>
      %dma_start3A_144 = arith.constant 0 : i32
      %dma_start3A_145 = arith.constant 0 : i32
      %dma_start3A_146 = tpu.memref_slice %arg19[%dma_start3A_144, %dma_start3A_145] : memref<128x16xf32, #tpu.memory_space<vmem>> -> memref<32x16xf32, #tpu.memory_space<vmem>>
      %dma_start3A_147 = arith.constant 19968 : i32
      %dma_start3A_148 = tpu.memref_slice %arg7[%dma_start3A_147] : memref<20000xi32, #tpu.memory_space<vmem>> -> memref<32xi32, #tpu.memory_space<vmem>>
      %dma_start3A_149 = arith.constant 0 : i32
      %dma_start3A_150 = arith.constant 0 : i32
      %dma_start3A_151 = tpu.memref_slice %arg21[%dma_start3A_149, %dma_start3A_150] : memref<10000x16xf32, #tpu.memory_space<vmem_shared>> -> memref<10000x16xf32, #tpu.memory_space<vmem_shared>>
      tpu.enqueue_indirect_dma source(%dma_start3A_146 : memref<32x16xf32, #tpu.memory_space<vmem>>) target(%dma_start3A_151 : memref<10000x16xf32, #tpu.memory_space<vmem_shared>>) offsets(%dma_start3A_148 : memref<32xi32, #tpu.memory_space<vmem>>) semaphore(%run_scoped3A_143 : memref<!tpu.dma_semaphore, #tpu.memory_space<semaphore_mem>>) {add = true}
      %dma_wait3A_152 = arith.constant 0 : i32
      %dma_wait3A_153 = arith.constant 0 : i32
      %dma_wait3A_154 = tpu.memref_slice %arg19[%dma_wait3A_152, %dma_wait3A_153] : memref<128x16xf32, #tpu.memory_space<vmem>> -> memref<32x16xf32, #tpu.memory_space<vmem>>
      %dma_wait3A_155 = arith.constant 19968 : i32
      %dma_wait3A_156 = tpu.memref_slice %arg7[%dma_wait3A_155] : memref<20000xi32, #tpu.memory_space<vmem>> -> memref<32xi32, #tpu.memory_space<vmem>>
      %dma_wait3A_157 = arith.constant 0 : i32
      %dma_wait3A_158 = arith.constant 0 : i32
      %dma_wait3A_159 = tpu.memref_slice %arg21[%dma_wait3A_157, %dma_wait3A_158] : memref<10000x16xf32, #tpu.memory_space<vmem_shared>> -> memref<10000x16xf32, #tpu.memory_space<vmem_shared>>
      tpu.wait_indirect_dma semaphore(%run_scoped3A_143 : memref<!tpu.dma_semaphore, #tpu.memory_space<semaphore_mem>>) src(%dma_wait3A_154 : memref<32x16xf32, #tpu.memory_space<vmem>>) dst(%dma_wait3A_159 : memref<10000x16xf32, #tpu.memory_space<vmem_shared>>)
      tpu.yield
    }) : () -> ()
    %dma_wait3A_105 = arith.constant 0 : i32
    %dma_wait3A_106 = arith.constant 0 : i32
    %dma_wait3A_107 = tpu.memref_slice %arg8[%dma_wait3A_105, %dma_wait3A_106] : memref<128x64xf32, #tpu.memory_space<vmem>> -> memref<32x64xf32, #tpu.memory_space<vmem>>
    %dma_wait3A_108 = arith.constant 0 : i32
    %dma_wait3A_109 = tpu.memref_slice %arg7[%dma_wait3A_108] : memref<20000xi32, #tpu.memory_space<vmem>> -> memref<128xi32, #tpu.memory_space<vmem>>
    %dma_wait3A_110 = arith.constant 0 : i32
    %dma_wait3A_111 = arith.constant 0 : i32
    %dma_wait3A_112 = tpu.memref_slice %arg12[%dma_wait3A_110, %dma_wait3A_111] : memref<10000x64xf32, #tpu.memory_space<vmem_shared>> -> memref<10000x64xf32, #tpu.memory_space<vmem_shared>>
    tpu.wait_indirect_dma semaphore(%arg16 : memref<!tpu.dma_semaphore, #tpu.memory_space<semaphore_mem>>) src(%dma_wait3A_107 : memref<32x64xf32, #tpu.memory_space<vmem>>) dst(%dma_wait3A_112 : memref<10000x64xf32, #tpu.memory_space<vmem_shared>>)
    %dma_wait3A_113 = arith.constant 0 : i32
    %dma_wait3A_114 = tpu.memref_slice %arg7[%dma_wait3A_113] : memref<20000xi32, #tpu.memory_space<vmem>> -> memref<128xi32, #tpu.memory_space<vmem>>
    %dma_wait3A_115 = arith.constant 0 : i32
    %dma_wait3A_116 = arith.constant 0 : i32
    %dma_wait3A_117 = tpu.memref_slice %arg12[%dma_wait3A_115, %dma_wait3A_116] : memref<10000x64xf32, #tpu.memory_space<vmem_shared>> -> memref<10000x64xf32, #tpu.memory_space<vmem_shared>>
    tpu.wait_indirect_dma semaphore(%arg17 : memref<!tpu.dma_semaphore, #tpu.memory_space<semaphore_mem>>) src(%arg9 : memref<128x64xf32, #tpu.memory_space<vmem>>) dst(%dma_wait3A_117 : memref<10000x64xf32, #tpu.memory_space<vmem_shared>>)
    %dma_wait3A_118 = arith.constant 0 : i32
    %dma_wait3A_119 = tpu.memref_slice %arg7[%dma_wait3A_118] : memref<20000xi32, #tpu.memory_space<vmem>> -> memref<128xi32, #tpu.memory_space<vmem>>
    %dma_wait3A_120 = arith.constant 0 : i32
    %dma_wait3A_121 = arith.constant 0 : i32
    %dma_wait3A_122 = tpu.memref_slice %arg12[%dma_wait3A_120, %dma_wait3A_121] : memref<10000x64xf32, #tpu.memory_space<vmem_shared>> -> memref<10000x64xf32, #tpu.memory_space<vmem_shared>>
    tpu.wait_indirect_dma semaphore(%arg18 : memref<!tpu.dma_semaphore, #tpu.memory_space<semaphore_mem>>) src(%arg10 : memref<128x64xf32, #tpu.memory_space<vmem>>) dst(%dma_wait3A_122 : memref<10000x64xf32, #tpu.memory_space<vmem_shared>>)
    %barrier3A_123 = arith.constant 0 : index
    tpu.barrier barrier_id(%barrier3A_123)
    %lt3A = arith.constant 15 : i32
    %lt3A_124 = arith.cmpi slt, %arg1, %lt3A : i32
    %convert_element_type3A_125 = arith.extui %lt3A_124 : i1 to i32
    %cond3A_126 = arith.constant 0 : i32
    %cond3A_127 = arith.cmpi ne, %convert_element_type3A_125, %cond3A_126 : i32
    scf.if %cond3A_127 {
      %mul3A_143 = arith.constant 624 : i32
      %mul3A_144 = arith.muli %arg1, %mul3A_143 : i32
      %mul3A_145 = arith.constant 624 : i32
      %mul3A_146 = arith.muli %arg1, %mul3A_145 : i32
      "tpu.region"() ({
        %run_scoped3A_147 = tpu.sem_alloc : memref<!tpu.dma_semaphore, #tpu.memory_space<semaphore_mem>>
        %dma_start3A_148 = arith.constant 0 : i32
        %dma_start3A_149 = tpu.memref_slice %arg4[%arg0, %mul3A_146, %dma_start3A_148] : memref<2x10000x64xf32, #tpu.memory_space<hbm>> -> memref<1x624x64xf32, #tpu.memory_space<hbm>>
        %dma_start3A_150 = tpu.memref_squeeze %dma_start3A_149 : memref<1x624x64xf32, #tpu.memory_space<hbm>> -> memref<624x64xf32, #tpu.memory_space<hbm>>
        %dma_start3A_151 = arith.constant 0 : i32
        %dma_start3A_152 = tpu.memref_slice %arg12[%mul3A_144, %dma_start3A_151] : memref<10000x64xf32, #tpu.memory_space<vmem_shared>> -> memref<624x64xf32, #tpu.memory_space<vmem_shared>>
        tpu.enqueue_dma source(%dma_start3A_152 : memref<624x64xf32, #tpu.memory_space<vmem_shared>>) target(%dma_start3A_150 : memref<624x64xf32, #tpu.memory_space<hbm>>) target_semaphore(%run_scoped3A_147 : memref<!tpu.dma_semaphore, #tpu.memory_space<semaphore_mem>>)
        %dma_wait3A_153 = arith.constant 0 : i32
        %dma_wait3A_154 = tpu.memref_slice %arg4[%arg0, %mul3A_146, %dma_wait3A_153] : memref<2x10000x64xf32, #tpu.memory_space<hbm>> -> memref<1x624x64xf32, #tpu.memory_space<hbm>>
        %dma_wait3A_155 = tpu.memref_squeeze %dma_wait3A_154 : memref<1x624x64xf32, #tpu.memory_space<hbm>> -> memref<624x64xf32, #tpu.memory_space<hbm>>
        %dma_wait3A_156 = arith.constant 0 : i32
        %dma_wait3A_157 = tpu.memref_slice %arg12[%mul3A_144, %dma_wait3A_156] : memref<10000x64xf32, #tpu.memory_space<vmem_shared>> -> memref<624x64xf32, #tpu.memory_space<vmem_shared>>
        tpu.wait_dma2 semaphore(%run_scoped3A_147 : memref<!tpu.dma_semaphore, #tpu.memory_space<semaphore_mem>>) src(%dma_wait3A_157 : memref<624x64xf32, #tpu.memory_space<vmem_shared>>) dst(%dma_wait3A_155 : memref<624x64xf32, #tpu.memory_space<hbm>>)
        tpu.yield
      }) : () -> ()
    } else {
    }
    %eq3A_128 = arith.constant 15 : i32
    %eq3A_129 = arith.cmpi eq, %arg1, %eq3A_128 : i32
    %convert_element_type3A_130 = arith.extui %eq3A_129 : i1 to i32
    %cond3A_131 = arith.constant 0 : i32
    %cond3A_132 = arith.cmpi ne, %convert_element_type3A_130, %cond3A_131 : i32
    scf.if %cond3A_132 {
      "tpu.region"() ({
        %run_scoped3A_143 = tpu.sem_alloc : memref<!tpu.dma_semaphore, #tpu.memory_space<semaphore_mem>>
        %dma_start3A_144 = arith.constant 9360 : i32
        %dma_start3A_145 = arith.constant 0 : i32
        %dma_start3A_146 = tpu.memref_slice %arg4[%arg0, %dma_start3A_144, %dma_start3A_145] : memref<2x10000x64xf32, #tpu.memory_space<hbm>> -> memref<1x640x64xf32, #tpu.memory_space<hbm>>
        %dma_start3A_147 = tpu.memref_squeeze %dma_start3A_146 : memref<1x640x64xf32, #tpu.memory_space<hbm>> -> memref<640x64xf32, #tpu.memory_space<hbm>>
        %dma_start3A_148 = arith.constant 9360 : i32
        %dma_start3A_149 = arith.constant 0 : i32
        %dma_start3A_150 = tpu.memref_slice %arg12[%dma_start3A_148, %dma_start3A_149] : memref<10000x64xf32, #tpu.memory_space<vmem_shared>> -> memref<640x64xf32, #tpu.memory_space<vmem_shared>>
        tpu.enqueue_dma source(%dma_start3A_150 : memref<640x64xf32, #tpu.memory_space<vmem_shared>>) target(%dma_start3A_147 : memref<640x64xf32, #tpu.memory_space<hbm>>) target_semaphore(%run_scoped3A_143 : memref<!tpu.dma_semaphore, #tpu.memory_space<semaphore_mem>>)
        %dma_wait3A_151 = arith.constant 9360 : i32
        %dma_wait3A_152 = arith.constant 0 : i32
        %dma_wait3A_153 = tpu.memref_slice %arg4[%arg0, %dma_wait3A_151, %dma_wait3A_152] : memref<2x10000x64xf32, #tpu.memory_space<hbm>> -> memref<1x640x64xf32, #tpu.memory_space<hbm>>
        %dma_wait3A_154 = tpu.memref_squeeze %dma_wait3A_153 : memref<1x640x64xf32, #tpu.memory_space<hbm>> -> memref<640x64xf32, #tpu.memory_space<hbm>>
        %dma_wait3A_155 = arith.constant 9360 : i32
        %dma_wait3A_156 = arith.constant 0 : i32
        %dma_wait3A_157 = tpu.memref_slice %arg12[%dma_wait3A_155, %dma_wait3A_156] : memref<10000x64xf32, #tpu.memory_space<vmem_shared>> -> memref<640x64xf32, #tpu.memory_space<vmem_shared>>
        tpu.wait_dma2 semaphore(%run_scoped3A_143 : memref<!tpu.dma_semaphore, #tpu.memory_space<semaphore_mem>>) src(%dma_wait3A_157 : memref<640x64xf32, #tpu.memory_space<vmem_shared>>) dst(%dma_wait3A_154 : memref<640x64xf32, #tpu.memory_space<hbm>>)
        tpu.yield
      }) : () -> ()
    } else {
    }
    %lt3A_133 = arith.constant 15 : i32
    %lt3A_134 = arith.cmpi slt, %arg1, %lt3A_133 : i32
    %convert_element_type3A_135 = arith.extui %lt3A_134 : i1 to i32
    %cond3A_136 = arith.constant 0 : i32
    %cond3A_137 = arith.cmpi ne, %convert_element_type3A_135, %cond3A_136 : i32
    scf.if %cond3A_137 {
      %mul3A_143 = arith.constant 624 : i32
      %mul3A_144 = arith.muli %arg1, %mul3A_143 : i32
      %mul3A_145 = arith.constant 624 : i32
      %mul3A_146 = arith.muli %arg1, %mul3A_145 : i32
      "tpu.region"() ({
        %run_scoped3A_147 = tpu.sem_alloc : memref<!tpu.dma_semaphore, #tpu.memory_space<semaphore_mem>>
        %dma_start3A_148 = arith.constant 0 : i32
        %dma_start3A_149 = tpu.memref_slice %arg5[%arg0, %mul3A_146, %dma_start3A_148] : memref<2x10000x16xf32, #tpu.memory_space<hbm>> -> memref<1x624x16xf32, #tpu.memory_space<hbm>>
        %dma_start3A_150 = tpu.memref_squeeze %dma_start3A_149 : memref<1x624x16xf32, #tpu.memory_space<hbm>> -> memref<624x16xf32, #tpu.memory_space<hbm>>
        %dma_start3A_151 = arith.constant 0 : i32
        %dma_start3A_152 = tpu.memref_slice %arg21[%mul3A_144, %dma_start3A_151] : memref<10000x16xf32, #tpu.memory_space<vmem_shared>> -> memref<624x16xf32, #tpu.memory_space<vmem_shared>>
        tpu.enqueue_dma source(%dma_start3A_152 : memref<624x16xf32, #tpu.memory_space<vmem_shared>>) target(%dma_start3A_150 : memref<624x16xf32, #tpu.memory_space<hbm>>) target_semaphore(%run_scoped3A_147 : memref<!tpu.dma_semaphore, #tpu.memory_space<semaphore_mem>>)
        %dma_wait3A_153 = arith.constant 0 : i32
        %dma_wait3A_154 = tpu.memref_slice %arg5[%arg0, %mul3A_146, %dma_wait3A_153] : memref<2x10000x16xf32, #tpu.memory_space<hbm>> -> memref<1x624x16xf32, #tpu.memory_space<hbm>>
        %dma_wait3A_155 = tpu.memref_squeeze %dma_wait3A_154 : memref<1x624x16xf32, #tpu.memory_space<hbm>> -> memref<624x16xf32, #tpu.memory_space<hbm>>
        %dma_wait3A_156 = arith.constant 0 : i32
        %dma_wait3A_157 = tpu.memref_slice %arg21[%mul3A_144, %dma_wait3A_156] : memref<10000x16xf32, #tpu.memory_space<vmem_shared>> -> memref<624x16xf32, #tpu.memory_space<vmem_shared>>
        tpu.wait_dma2 semaphore(%run_scoped3A_147 : memref<!tpu.dma_semaphore, #tpu.memory_space<semaphore_mem>>) src(%dma_wait3A_157 : memref<624x16xf32, #tpu.memory_space<vmem_shared>>) dst(%dma_wait3A_155 : memref<624x16xf32, #tpu.memory_space<hbm>>)
        tpu.yield
      }) : () -> ()
    } else {
    }
    %eq3A_138 = arith.constant 15 : i32
    %eq3A_139 = arith.cmpi eq, %arg1, %eq3A_138 : i32
    %convert_element_type3A_140 = arith.extui %eq3A_139 : i1 to i32
    %cond3A_141 = arith.constant 0 : i32
    %cond3A_142 = arith.cmpi ne, %convert_element_type3A_140, %cond3A_141 : i32
    scf.if %cond3A_142 {
      "tpu.region"() ({
        %run_scoped3A_143 = tpu.sem_alloc : memref<!tpu.dma_semaphore, #tpu.memory_space<semaphore_mem>>
        %dma_start3A_144 = arith.constant 9360 : i32
        %dma_start3A_145 = arith.constant 0 : i32
        %dma_start3A_146 = tpu.memref_slice %arg5[%arg0, %dma_start3A_144, %dma_start3A_145] : memref<2x10000x16xf32, #tpu.memory_space<hbm>> -> memref<1x640x16xf32, #tpu.memory_space<hbm>>
        %dma_start3A_147 = tpu.memref_squeeze %dma_start3A_146 : memref<1x640x16xf32, #tpu.memory_space<hbm>> -> memref<640x16xf32, #tpu.memory_space<hbm>>
        %dma_start3A_148 = arith.constant 9360 : i32
        %dma_start3A_149 = arith.constant 0 : i32
        %dma_start3A_150 = tpu.memref_slice %arg21[%dma_start3A_148, %dma_start3A_149] : memref<10000x16xf32, #tpu.memory_space<vmem_shared>> -> memref<640x16xf32, #tpu.memory_space<vmem_shared>>
        tpu.enqueue_dma source(%dma_start3A_150 : memref<640x16xf32, #tpu.memory_space<vmem_shared>>) target(%dma_start3A_147 : memref<640x16xf32, #tpu.memory_space<hbm>>) target_semaphore(%run_scoped3A_143 : memref<!tpu.dma_semaphore, #tpu.memory_space<semaphore_mem>>)
        %dma_wait3A_151 = arith.constant 9360 : i32
        %dma_wait3A_152 = arith.constant 0 : i32
        %dma_wait3A_153 = tpu.memref_slice %arg5[%arg0, %dma_wait3A_151, %dma_wait3A_152] : memref<2x10000x16xf32, #tpu.memory_space<hbm>> -> memref<1x640x16xf32, #tpu.memory_space<hbm>>
        %dma_wait3A_154 = tpu.memref_squeeze %dma_wait3A_153 : memref<1x640x16xf32, #tpu.memory_space<hbm>> -> memref<640x16xf32, #tpu.memory_space<hbm>>
        %dma_wait3A_155 = arith.constant 9360 : i32
        %dma_wait3A_156 = arith.constant 0 : i32
        %dma_wait3A_157 = tpu.memref_slice %arg21[%dma_wait3A_155, %dma_wait3A_156] : memref<10000x16xf32, #tpu.memory_space<vmem_shared>> -> memref<640x16xf32, #tpu.memory_space<vmem_shared>>
        tpu.wait_dma2 semaphore(%run_scoped3A_143 : memref<!tpu.dma_semaphore, #tpu.memory_space<semaphore_mem>>) src(%dma_wait3A_157 : memref<640x16xf32, #tpu.memory_space<vmem_shared>>) dst(%dma_wait3A_154 : memref<640x16xf32, #tpu.memory_space<hbm>>)
        tpu.yield
      }) : () -> ()
    } else {
    }
    return
  }
}

module attributes {stable_mosaic.version = 14 : i64} {
  func.func @body(%arg0: i32, %arg1: memref<2x2000x64xf32, #tpu.memory_space<vmem>>, %arg2: memref<2x2000x16xf32, #tpu.memory_space<vmem>>, %arg3: memref<2000x128xf32, #tpu.memory_space<vmem>>, %arg4: memref<128x128xf32, #tpu.memory_space<vmem>>, %arg5: memref<128x128xf32, #tpu.memory_space<vmem>>, %arg6: memref<1x128xf32, #tpu.memory_space<vmem>>, %arg7: memref<2x2000x64xf32, #tpu.memory_space<vmem>>) attributes {dimension_semantics = [#tpu.dimension_semantics<arbitrary>], iteration_bounds = array<i64: 5>, scalar_prefetch = 0 : i64, scratch_operands = 0 : i64, tpu.core_type = #tpu.core_type<tc>, window_params = [{transform_indices = @transform_0, window_bounds = array<i64: 2, 2000, 64>}, {transform_indices = @transform_1, window_bounds = array<i64: 2, 2000, 16>}, {transform_indices = @transform_2, window_bounds = array<i64: 2000, 128>}, {pipeline_mode = #tpu.pipeline_mode<synchronous>, transform_indices = @transform_3, window_bounds = array<i64: 128, 128>}, {pipeline_mode = #tpu.pipeline_mode<synchronous>, transform_indices = @transform_4, window_bounds = array<i64: 128, 128>}, {pipeline_mode = #tpu.pipeline_mode<synchronous>, transform_indices = @transform_5, window_bounds = array<i64: 1, 128>}, {transform_indices = @transform_6, window_bounds = array<i64: 2, 2000, 64>}]} {
    %get3A = arith.constant 0 : index
    %get3A_0 = arith.constant 0 : index
    %get3A_1 = arith.constant 0 : index
    %get3A_2 = vector.load %arg1[%get3A, %get3A_0, %get3A_1] : memref<2x2000x64xf32, #tpu.memory_space<vmem>>, vector<1x2000x64xf32>
    %get3A_3 = vector.shape_cast %get3A_2 : vector<1x2000x64xf32> to vector<2000x64xf32>
    %get3A_4 = arith.constant 1 : index
    %get3A_5 = arith.constant 0 : index
    %get3A_6 = arith.constant 0 : index
    %get3A_7 = vector.load %arg1[%get3A_4, %get3A_5, %get3A_6] : memref<2x2000x64xf32, #tpu.memory_space<vmem>>, vector<1x2000x64xf32>
    %get3A_8 = vector.shape_cast %get3A_7 : vector<1x2000x64xf32> to vector<2000x64xf32>
    %concatenate3A = tpu.concatenate %get3A_3, %get3A_8 in 1 : vector<2000x64xf32>, vector<2000x64xf32> -> vector<2000x128xf32>
    %get3A_9 = arith.constant 0 : index
    %get3A_10 = arith.constant 0 : index
    %get3A_11 = arith.constant 0 : index
    %get3A_12 = vector.load %arg2[%get3A_9, %get3A_10, %get3A_11] : memref<2x2000x16xf32, #tpu.memory_space<vmem>>, vector<1x2000x16xf32>
    %get3A_13 = vector.shape_cast %get3A_12 : vector<1x2000x16xf32> to vector<2000x16xf32>
    %slice3A = vector.extract_strided_slice %get3A_13 {offsets = [0, 0], sizes = [2000, 1], strides = [1, 1]} : vector<2000x16xf32> to vector<2000x1xf32>
    %get3A_14 = arith.constant 1 : index
    %get3A_15 = arith.constant 0 : index
    %get3A_16 = arith.constant 0 : index
    %get3A_17 = vector.load %arg2[%get3A_14, %get3A_15, %get3A_16] : memref<2x2000x16xf32, #tpu.memory_space<vmem>>, vector<1x2000x16xf32>
    %get3A_18 = vector.shape_cast %get3A_17 : vector<1x2000x16xf32> to vector<2000x16xf32>
    %slice3A_19 = vector.extract_strided_slice %get3A_18 {offsets = [0, 0], sizes = [2000, 1], strides = [1, 1]} : vector<2000x16xf32> to vector<2000x1xf32>
    %add3A = arith.addf %slice3A, %slice3A_19 : vector<2000x1xf32>
    %max3A = arith.constant 1.000000e+00 : f32
    %max3A_20 = vector.broadcast %max3A : f32 to vector<2000x1xf32>
    %max3A_21 = arith.maximumf %add3A, %max3A_20 : vector<2000x1xf32>
    %div3A = vector.broadcast %max3A_21 : vector<2000x1xf32> to vector<2000x128xf32>
    %div3A_22 = arith.divf %concatenate3A, %div3A : vector<2000x128xf32>
    %get3A_23 = arith.constant 0 : index
    %get3A_24 = arith.constant 0 : index
    %get3A_25 = vector.load %arg3[%get3A_23, %get3A_24] : memref<2000x128xf32, #tpu.memory_space<vmem>>, vector<2000x128xf32>
    %get3A_26 = arith.constant 0 : index
    %get3A_27 = arith.constant 0 : index
    %get3A_28 = vector.load %arg4[%get3A_26, %get3A_27] : memref<128x128xf32, #tpu.memory_space<vmem>>, vector<128x128xf32>
    %dot_general3A = arith.constant dense<0.000000e+00> : vector<2000x128xf32>
    %dot_general3A_29 = tpu.matmul %div3A_22, %get3A_28, %dot_general3A {dimension_numbers = #tpu.dot_dimension_numbers<[1], [0], [0], [1], [0, 0, 1, 1], [], []>, precision = #tpu.contract_precision<fp32>, transpose_lhs_hint = false} : vector<2000x128xf32>, vector<128x128xf32>, vector<2000x128xf32> -> vector<2000x128xf32>
    %get3A_30 = arith.constant 0 : index
    %get3A_31 = arith.constant 0 : index
    %get3A_32 = vector.load %arg5[%get3A_30, %get3A_31] : memref<128x128xf32, #tpu.memory_space<vmem>>, vector<128x128xf32>
    %dot_general3A_33 = arith.constant dense<0.000000e+00> : vector<2000x128xf32>
    %dot_general3A_34 = tpu.matmul %get3A_25, %get3A_32, %dot_general3A_33 {dimension_numbers = #tpu.dot_dimension_numbers<[1], [0], [0], [1], [0, 0, 1, 1], [], []>, precision = #tpu.contract_precision<fp32>, transpose_lhs_hint = false} : vector<2000x128xf32>, vector<128x128xf32>, vector<2000x128xf32> -> vector<2000x128xf32>
    %add3A_35 = arith.addf %dot_general3A_29, %dot_general3A_34 : vector<2000x128xf32>
    %get3A_36 = arith.constant 0 : index
    %get3A_37 = arith.constant 0 : index
    %get3A_38 = vector.load %arg6[%get3A_36, %get3A_37] : memref<1x128xf32, #tpu.memory_space<vmem>>, vector<1x128xf32>
    %add3A_39 = vector.broadcast %get3A_38 : vector<1x128xf32> to vector<2000x128xf32>
    %add3A_40 = arith.addf %add3A_35, %add3A_39 : vector<2000x128xf32>
    %max3A_41 = arith.constant 0.000000e+00 : f32
    %max3A_42 = vector.broadcast %max3A_41 : f32 to vector<2000x128xf32>
    %max3A_43 = arith.maximumf %add3A_40, %max3A_42 : vector<2000x128xf32>
    %slice3A_44 = vector.extract_strided_slice %max3A_43 {offsets = [0, 0], sizes = [2000, 64], strides = [1, 1]} : vector<2000x128xf32> to vector<2000x64xf32>
    %swap3A = arith.constant 0 : index
    %swap3A_45 = arith.constant 0 : index
    %swap3A_46 = arith.constant 0 : index
    %swap3A_47 = vector.load %arg7[%swap3A, %swap3A_45, %swap3A_46] : memref<2x2000x64xf32, #tpu.memory_space<vmem>>, vector<1x2000x64xf32>
    %swap3A_48 = vector.shape_cast %swap3A_47 : vector<1x2000x64xf32> to vector<2000x64xf32>
    %swap3A_49 = vector.shape_cast %slice3A_44 : vector<2000x64xf32> to vector<1x2000x64xf32>
    tpu.vector_store %arg7[%swap3A, %swap3A_45, %swap3A_46], %swap3A_49 {strides = array<i32>} : memref<2x2000x64xf32, #tpu.memory_space<vmem>>, vector<1x2000x64xf32>,
    %slice3A_50 = vector.extract_strided_slice %max3A_43 {offsets = [0, 64], sizes = [2000, 64], strides = [1, 1]} : vector<2000x128xf32> to vector<2000x64xf32>
    %swap3A_51 = arith.constant 1 : index
    %swap3A_52 = arith.constant 0 : index
    %swap3A_53 = arith.constant 0 : index
    %swap3A_54 = vector.load %arg7[%swap3A_51, %swap3A_52, %swap3A_53] : memref<2x2000x64xf32, #tpu.memory_space<vmem>>, vector<1x2000x64xf32>
    %swap3A_55 = vector.shape_cast %swap3A_54 : vector<1x2000x64xf32> to vector<2000x64xf32>
    %swap3A_56 = vector.shape_cast %slice3A_50 : vector<2000x64xf32> to vector<1x2000x64xf32>
    tpu.vector_store %arg7[%swap3A_51, %swap3A_52, %swap3A_53], %swap3A_56 {strides = array<i32>} : memref<2x2000x64xf32, #tpu.memory_space<vmem>>, vector<1x2000x64xf32>,
    return
  }
  func.func @transform_0(%arg0: i32) -> (i32, i32, i32) {
    %c0_i32 = arith.constant 0 : i32
    %c0_i32_0 = arith.constant 0 : i32
    %c0_i32_1 = arith.constant 0 : i32
    return %c0_i32, %arg0, %c0_i32_0 : i32, i32, i32
  }
  func.func @transform_1(%arg0: i32) -> (i32, i32, i32) {
    %c0_i32 = arith.constant 0 : i32
    %c0_i32_0 = arith.constant 0 : i32
    %c0_i32_1 = arith.constant 0 : i32
    return %c0_i32, %arg0, %c0_i32_0 : i32, i32, i32
  }
  func.func @transform_2(%arg0: i32) -> (i32, i32) {
    %c0_i32 = arith.constant 0 : i32
    %c0_i32_0 = arith.constant 0 : i32
    return %arg0, %c0_i32 : i32, i32
  }
  func.func @transform_3(%arg0: i32) -> (i32, i32) {
    %c0_i32 = arith.constant 0 : i32
    %c0_i32_0 = arith.constant 0 : i32
    %c0_i32_1 = arith.constant 0 : i32
    return %c0_i32, %c0_i32_0 : i32, i32
  }
  func.func @transform_4(%arg0: i32) -> (i32, i32) {
    %c0_i32 = arith.constant 0 : i32
    %c0_i32_0 = arith.constant 0 : i32
    %c0_i32_1 = arith.constant 0 : i32
    return %c0_i32, %c0_i32_0 : i32, i32
  }
  func.func @transform_5(%arg0: i32) -> (i32, i32) {
    %c0_i32 = arith.constant 0 : i32
    %c0_i32_0 = arith.constant 0 : i32
    %c0_i32_1 = arith.constant 0 : i32
    return %c0_i32, %c0_i32_0 : i32, i32
  }
  func.func @transform_6(%arg0: i32) -> (i32, i32, i32) {
    %c0_i32 = arith.constant 0 : i32
    %c0_i32_0 = arith.constant 0 : i32
    %c0_i32_1 = arith.constant 0 : i32
    return %c0_i32, %arg0, %c0_i32_0 : i32, i32, i32
  }
}

module attributes {stable_mosaic.version = 14 : i64} {
  func.func @body(%arg0: i32, %arg1: memref<2x2000x64xf32, #tpu.memory_space<vmem>>, %arg2: memref<2x2000x16xf32, #tpu.memory_space<vmem>>, %arg3: memref<2x2000x64xf32, #tpu.memory_space<vmem>>, %arg4: memref<128x128xf32, #tpu.memory_space<vmem>>, %arg5: memref<128x128xf32, #tpu.memory_space<vmem>>, %arg6: memref<1x128xf32, #tpu.memory_space<vmem>>, %arg7: memref<2000x128xf32, #tpu.memory_space<vmem>>) attributes {dimension_semantics = [#tpu.dimension_semantics<arbitrary>], iteration_bounds = array<i64: 5>, scalar_prefetch = 0 : i64, scratch_operands = 0 : i64, tpu.core_type = #tpu.core_type<tc>, window_params = [{transform_indices = @transform_0, window_bounds = array<i64: 2, 2000, 64>}, {transform_indices = @transform_1, window_bounds = array<i64: 2, 2000, 16>}, {transform_indices = @transform_2, window_bounds = array<i64: 2, 2000, 64>}, {pipeline_mode = #tpu.pipeline_mode<synchronous>, transform_indices = @transform_3, window_bounds = array<i64: 128, 128>}, {pipeline_mode = #tpu.pipeline_mode<synchronous>, transform_indices = @transform_4, window_bounds = array<i64: 128, 128>}, {pipeline_mode = #tpu.pipeline_mode<synchronous>, transform_indices = @transform_5, window_bounds = array<i64: 1, 128>}, {transform_indices = @transform_6, window_bounds = array<i64: 2000, 128>}]} {
    %get3A = arith.constant 0 : index
    %get3A_0 = arith.constant 0 : index
    %get3A_1 = arith.constant 0 : index
    %get3A_2 = vector.load %arg1[%get3A, %get3A_0, %get3A_1] : memref<2x2000x64xf32, #tpu.memory_space<vmem>>, vector<1x2000x64xf32>
    %get3A_3 = vector.shape_cast %get3A_2 : vector<1x2000x64xf32> to vector<2000x64xf32>
    %get3A_4 = arith.constant 1 : index
    %get3A_5 = arith.constant 0 : index
    %get3A_6 = arith.constant 0 : index
    %get3A_7 = vector.load %arg1[%get3A_4, %get3A_5, %get3A_6] : memref<2x2000x64xf32, #tpu.memory_space<vmem>>, vector<1x2000x64xf32>
    %get3A_8 = vector.shape_cast %get3A_7 : vector<1x2000x64xf32> to vector<2000x64xf32>
    %concatenate3A = tpu.concatenate %get3A_3, %get3A_8 in 1 : vector<2000x64xf32>, vector<2000x64xf32> -> vector<2000x128xf32>
    %get3A_9 = arith.constant 0 : index
    %get3A_10 = arith.constant 0 : index
    %get3A_11 = arith.constant 0 : index
    %get3A_12 = vector.load %arg2[%get3A_9, %get3A_10, %get3A_11] : memref<2x2000x16xf32, #tpu.memory_space<vmem>>, vector<1x2000x16xf32>
    %get3A_13 = vector.shape_cast %get3A_12 : vector<1x2000x16xf32> to vector<2000x16xf32>
    %slice3A = vector.extract_strided_slice %get3A_13 {offsets = [0, 0], sizes = [2000, 1], strides = [1, 1]} : vector<2000x16xf32> to vector<2000x1xf32>
    %get3A_14 = arith.constant 1 : index
    %get3A_15 = arith.constant 0 : index
    %get3A_16 = arith.constant 0 : index
    %get3A_17 = vector.load %arg2[%get3A_14, %get3A_15, %get3A_16] : memref<2x2000x16xf32, #tpu.memory_space<vmem>>, vector<1x2000x16xf32>
    %get3A_18 = vector.shape_cast %get3A_17 : vector<1x2000x16xf32> to vector<2000x16xf32>
    %slice3A_19 = vector.extract_strided_slice %get3A_18 {offsets = [0, 0], sizes = [2000, 1], strides = [1, 1]} : vector<2000x16xf32> to vector<2000x1xf32>
    %add3A = arith.addf %slice3A, %slice3A_19 : vector<2000x1xf32>
    %max3A = arith.constant 1.000000e+00 : f32
    %max3A_20 = vector.broadcast %max3A : f32 to vector<2000x1xf32>
    %max3A_21 = arith.maximumf %add3A, %max3A_20 : vector<2000x1xf32>
    %div3A = vector.broadcast %max3A_21 : vector<2000x1xf32> to vector<2000x128xf32>
    %div3A_22 = arith.divf %concatenate3A, %div3A : vector<2000x128xf32>
    %get3A_23 = arith.constant 0 : index
    %get3A_24 = arith.constant 0 : index
    %get3A_25 = arith.constant 0 : index
    %get3A_26 = vector.load %arg3[%get3A_23, %get3A_24, %get3A_25] : memref<2x2000x64xf32, #tpu.memory_space<vmem>>, vector<1x2000x64xf32>
    %get3A_27 = vector.shape_cast %get3A_26 : vector<1x2000x64xf32> to vector<2000x64xf32>
    %get3A_28 = arith.constant 1 : index
    %get3A_29 = arith.constant 0 : index
    %get3A_30 = arith.constant 0 : index
    %get3A_31 = vector.load %arg3[%get3A_28, %get3A_29, %get3A_30] : memref<2x2000x64xf32, #tpu.memory_space<vmem>>, vector<1x2000x64xf32>
    %get3A_32 = vector.shape_cast %get3A_31 : vector<1x2000x64xf32> to vector<2000x64xf32>
    %concatenate3A_33 = tpu.concatenate %get3A_27, %get3A_32 in 1 : vector<2000x64xf32>, vector<2000x64xf32> -> vector<2000x128xf32>
    %get3A_34 = arith.constant 0 : index
    %get3A_35 = arith.constant 0 : index
    %get3A_36 = vector.load %arg4[%get3A_34, %get3A_35] : memref<128x128xf32, #tpu.memory_space<vmem>>, vector<128x128xf32>
    %dot_general3A = arith.constant dense<0.000000e+00> : vector<2000x128xf32>
    %dot_general3A_37 = tpu.matmul %div3A_22, %get3A_36, %dot_general3A {dimension_numbers = #tpu.dot_dimension_numbers<[1], [0], [0], [1], [0, 0, 1, 1], [], []>, precision = #tpu.contract_precision<fp32>, transpose_lhs_hint = false} : vector<2000x128xf32>, vector<128x128xf32>, vector<2000x128xf32> -> vector<2000x128xf32>
    %get3A_38 = arith.constant 0 : index
    %get3A_39 = arith.constant 0 : index
    %get3A_40 = vector.load %arg5[%get3A_38, %get3A_39] : memref<128x128xf32, #tpu.memory_space<vmem>>, vector<128x128xf32>
    %dot_general3A_41 = arith.constant dense<0.000000e+00> : vector<2000x128xf32>
    %dot_general3A_42 = tpu.matmul %concatenate3A_33, %get3A_40, %dot_general3A_41 {dimension_numbers = #tpu.dot_dimension_numbers<[1], [0], [0], [1], [0, 0, 1, 1], [], []>, precision = #tpu.contract_precision<fp32>, transpose_lhs_hint = false} : vector<2000x128xf32>, vector<128x128xf32>, vector<2000x128xf32> -> vector<2000x128xf32>
    %add3A_43 = arith.addf %dot_general3A_37, %dot_general3A_42 : vector<2000x128xf32>
    %get3A_44 = arith.constant 0 : index
    %get3A_45 = arith.constant 0 : index
    %get3A_46 = vector.load %arg6[%get3A_44, %get3A_45] : memref<1x128xf32, #tpu.memory_space<vmem>>, vector<1x128xf32>
    %add3A_47 = vector.broadcast %get3A_46 : vector<1x128xf32> to vector<2000x128xf32>
    %add3A_48 = arith.addf %add3A_43, %add3A_47 : vector<2000x128xf32>
    %reduce_max3A = arith.constant dense<0xFF800000> : vector<2000xf32>
    %reduce_max3A_49 = vector.multi_reduction <maximumf>, %add3A_48, %reduce_max3A [1] : vector<2000x128xf32> to vector<2000xf32>
    %broadcast_in_dim3A = vector.shape_cast %reduce_max3A_49 : vector<2000xf32> to vector<2000x1xf32>
    %sub3A = vector.broadcast %broadcast_in_dim3A : vector<2000x1xf32> to vector<2000x128xf32>
    %sub3A_50 = arith.subf %add3A_48, %sub3A : vector<2000x128xf32>
    %exp3A = math.exp %sub3A_50 : vector<2000x128xf32>
    %reduce_sum3A = arith.constant dense<0.000000e+00> : vector<2000xf32>
    %reduce_sum3A_51 = vector.multi_reduction <add>, %exp3A, %reduce_sum3A [1] : vector<2000x128xf32> to vector<2000xf32>
    %broadcast_in_dim3A_52 = vector.shape_cast %reduce_sum3A_51 : vector<2000xf32> to vector<2000x1xf32>
    %log3A = math.log %broadcast_in_dim3A_52 : vector<2000x1xf32>
    %add3A_53 = arith.addf %log3A, %broadcast_in_dim3A : vector<2000x1xf32>
    %sub3A_54 = vector.broadcast %add3A_53 : vector<2000x1xf32> to vector<2000x128xf32>
    %sub3A_55 = arith.subf %add3A_48, %sub3A_54 : vector<2000x128xf32>
    %swap3A = arith.constant 0 : index
    %swap3A_56 = arith.constant 0 : index
    %swap3A_57 = vector.load %arg7[%swap3A, %swap3A_56] : memref<2000x128xf32, #tpu.memory_space<vmem>>, vector<2000x128xf32>
    tpu.vector_store %arg7[%swap3A, %swap3A_56], %sub3A_55 {strides = array<i32>} : memref<2000x128xf32, #tpu.memory_space<vmem>>, vector<2000x128xf32>,
    return
  }
  func.func @transform_0(%arg0: i32) -> (i32, i32, i32) {
    %c0_i32 = arith.constant 0 : i32
    %c0_i32_0 = arith.constant 0 : i32
    %c0_i32_1 = arith.constant 0 : i32
    return %c0_i32, %arg0, %c0_i32_0 : i32, i32, i32
  }
  func.func @transform_1(%arg0: i32) -> (i32, i32, i32) {
    %c0_i32 = arith.constant 0 : i32
    %c0_i32_0 = arith.constant 0 : i32
    %c0_i32_1 = arith.constant 0 : i32
    return %c0_i32, %arg0, %c0_i32_0 : i32, i32, i32
  }
  func.func @transform_2(%arg0: i32) -> (i32, i32, i32) {
    %c0_i32 = arith.constant 0 : i32
    %c0_i32_0 = arith.constant 0 : i32
    %c0_i32_1 = arith.constant 0 : i32
    return %c0_i32, %arg0, %c0_i32_0 : i32, i32, i32
  }
  func.func @transform_3(%arg0: i32) -> (i32, i32) {
    %c0_i32 = arith.constant 0 : i32
    %c0_i32_0 = arith.constant 0 : i32
    %c0_i32_1 = arith.constant 0 : i32
    return %c0_i32, %c0_i32_0 : i32, i32
  }
  func.func @transform_4(%arg0: i32) -> (i32, i32) {
    %c0_i32 = arith.constant 0 : i32
    %c0_i32_0 = arith.constant 0 : i32
    %c0_i32_1 = arith.constant 0 : i32
    return %c0_i32, %c0_i32_0 : i32, i32
  }
  func.func @transform_5(%arg0: i32) -> (i32, i32) {
    %c0_i32 = arith.constant 0 : i32
    %c0_i32_0 = arith.constant 0 : i32
    %c0_i32_1 = arith.constant 0 : i32
    return %c0_i32, %c0_i32_0 : i32, i32
  }
  func.func @transform_6(%arg0: i32) -> (i32, i32) {
    %c0_i32 = arith.constant 0 : i32
    %c0_i32_0 = arith.constant 0 : i32
    return %arg0, %c0_i32 : i32, i32
  }
}

</mosaic_0001>

<sc_bundles>
// kernel: kernel.6.cloned.1.call-start
scs
__scs_entry_jumppad:
0x0: {  	(pc) =	sbr.rel $0x88, $3  }
0x1: {  	(tag) =	ssettag $0x0;
	lr =	simm.s32 $0x1  }
0x2: {  	[smem:$0x3F99] =	sst lr;
	_ =	strace $0xD0000000  }
0x3: {  	_ = 	snop  }
0x4: {  	_ = 	snop  }
0x5: {  	_ = 	snop  }
0x6: {  	_ = 	snop  }
0x7: {  	_ = 	snop  }
__scs_overlays_trampoline_lowered:
0x8: {  	[smem:$0x3FA8] =	sst s0  }
0x9: {  	[smem:$0x3FA9] =	sst s1  }
0xa: {  	[smem:$0x3FAA] =	sst s2  }
0xb: {  	[smem:$0x3FAB] =	sst s3  }
0xc: {  	[smem:$0x3FAC] =	sst s4  }
0xd: {  	[smem:$0x3FAD] =	sst s5  }
0xe: {  	[smem:$0x3FAE] =	sst s6  }
0xf: {  	[smem:$0x3FAF] =	sst s7  }
0x10: {  	[smem:$0x3FB0] =	sst s8  }
0x11: {  	[smem:$0x3FB1] =	sst s9;
	s0 =	simm.s32 @!p0 $0x0  }
0x12: {  	s1 =	sld [smem:$0x3F97];
	s0 =	simm.s32 @p0 $0x1  }
0x13: {  	[smem:$0x3FB2] =	sst s0;
	s0 =	simm.s32 @!p1 $0x0  }
0x14: {  	s2 =	sld [smem:$0x3F96];
	s0 =	simm.s32 @p1 $0x1  }
0x15: {  	[smem:$0x3FB3] =	sst s0;
	s0 =	simm.s32 @!p2 $0x0  }
0x16: {  	s3 =	sld [smem:$0x3FDB];
	s0 =	simm.s32 @p2 $0x1  }
0x17: {  	s4 =	simm.s32 $0x1BF5;
	[smem:$0x3FB5] =	sst s0  }
0x18: {  	s0 =	sld [smem:$0x3F98];
	_ =	swait.ge [sflag:s4], $0x0  }
0x19: {  	s7 =	sld [smem:$0x3F99]  }
0x1a: {  	s8 =	sadd.s32 $0xFFFFE003, lr  }
0x1b: {  	s9 =	sadd.s32 $0xFFFFFEF7, lr;
	s5 =	simm.s32 $0xFFFFFFFF;
	p2 =	slt.u32 s8, $0xFFFFF086  }
0x1c: {  	p1 =	slt.u32 s9, $0xF7A;
	s5 =	simm.s32 @!p2 $0x0  }
0x1d: {  	s5 =	simm.s32 @p1 $0x1;
	p0 =	seq.s32 s7, s2  }
0x1e: {  	s7 =	smul.u32 @!p0 $0xF7A, s2;
	p2 =	seq.s32 @!p0 s5, $0x0  }
0x1f: {  	s9 =	smul.u32 $0xF7A, s1;
	s8 =	simm.s32 @!p0 $0x1BF5;
	p2 =	por !p2, p0  }
0x20: {  	[sflag:s8] =	ssyncset.s32 @!p0 $0xFFFFF086;
	s6 =	sadd.s32 @!p0 s3, s7;
	s7 =	simm.s32 @!p0 $0x108  }
0x21: {  	s3 =	sadd.s32 s3, s9;
	s6 =	sadd.s32 @!p0 $0x88, s6;
	s7 =	simm.s32 @p2 $0x1082  }
0x22: {  	[simem:s7], [sflag:s8] =	dma.local @!p0 [hbm:s6], $0xF7A  }
0x23: {  	s9 =	sor.u32 $0xD0000000, s2;
	s6 =	simm.s32 $0x108;
	_ =	swait.ge @!p0 [sflag:s8], $0x0  }
0x24: {  	s3 =	sadd.s32 $0x88, s3;
	s6 =	simm.s32 @!p1 $0x1082;
	[sflag:s4] =	ssyncset.s32 $0xFFFFF086  }
0x25: {  	[simem:s6], [sflag:s4] =	dma.local [hbm:s3], $0xF7A  }
0x26: {  	[smem:$0x3F99] =	sst s1;
	(tag) =	ssettag s2;
	_ =	strace s9  }
0x27: {  	s1 =	sld [smem:$0x3FA9]  }
0x28: {  	s2 =	sld [smem:$0x3FAA]  }
0x29: {  	s4 =	sld [smem:$0x3FAC]  }
0x2a: {  	p0 =	seq.s32 s5, $0x0;
	s5 =	sld [smem:$0x3FAD]  }
0x2b: {  	s6 =	sld [smem:$0x3FAE]  }
0x2c: {  	s7 =	sld [smem:$0x3FAF]  }
0x2d: {  	s3 =	simm.s32 $0x108;
	s8 =	sld [smem:$0x3FB0]  }
0x2e: {  	s3 =	simm.s32 @!p0 $0x1082;
	s9 =	sld [smem:$0x3FB1]  }
0x2f: {  	lr =	sadd.s32 s0, s3;
	s0 =	sld [smem:$0x3FA8]  }
0x30: {  	s3 =	sld [smem:$0x3FAB]  }
0x31: {  	[smem:$0x3FB4] =	sst s10  }
0x32: {  	s10 =	sld [smem:$0x3FB2];
	_ =	sdelay $0x3  }
0x33: {  	p0 =	seq.s32 s10, $0x1;
	s10 =	sld [smem:$0x3FB4];
	_ =	sdelay $0x3  }
0x34: {  	[smem:$0x3FB4] =	sst s10  }
0x35: {  	s10 =	sld [smem:$0x3FB3];
	_ =	sdelay $0x3  }
0x36: {  	p1 =	seq.s32 s10, $0x1;
	s10 =	sld [smem:$0x3FB4];
	_ =	sdelay $0x3  }
0x37: {  	[smem:$0x3FB4] =	sst s10  }
0x38: {  	s10 =	sld [smem:$0x3FB5]  }
0x39: {  	_ = 	snop;
	(pc) =	sbr.ind lr, $3  }
0x3a: {  	_ = 	snop  }
0x3b: {  	_ = 	snop  }
0x3c: {  	p2 =	seq.s32 s10, $0x1;
	s10 =	sld [smem:$0x3FB4]  }
0x3d: {  	_ =	shalt  }
0x3e: {  	_ =	shalt  }
0x3f: {  	_ =	shalt  }
0x40: {  	_ =	shalt  }
0x41: {  	_ =	shalt  }
0x42: {  	_ =	shalt  }
0x43: {  	_ =	shalt  }
0x44: {  	_ =	shalt  }
0x45: {  	_ =	shalt  }
0x46: {  	_ =	shalt  }
0x47: {  	_ =	shalt  }
0x48: {  	_ =	shalt  }
0x49: {  	_ =	shalt  }
0x4a: {  	_ =	shalt  }
0x4b: {  	_ =	shalt  }
0x4c: {  	_ =	shalt  }
0x4d: {  	_ =	shalt  }
0x4e: {  	_ =	shalt  }
0x4f: {  	_ =	shalt  }
0x50: {  	_ =	shalt  }
0x51: {  	_ =	shalt  }
0x52: {  	_ =	shalt  }
0x53: {  	_ =	shalt  }
0x54: {  	_ =	shalt  }
0x55: {  	_ =	shalt  }
0x56: {  	_ =	shalt  }
0x57: {  	_ =	shalt  }
0x58: {  	_ =	shalt  }
0x59: {  	_ =	shalt  }
0x5a: {  	_ =	shalt  }
0x5b: {  	_ =	shalt  }
0x5c: {  	_ =	shalt  }
0x5d: {  	_ =	shalt  }
0x5e: {  	_ =	shalt  }
0x5f: {  	_ =	shalt  }
0x60: {  	_ =	shalt  }
0x61: {  	_ =	shalt  }
0x62: {  	_ =	shalt  }
0x63: {  	_ =	shalt  }
0x64: {  	_ =	shalt  }
0x65: {  	_ =	shalt  }
0x66: {  	_ =	shalt  }
0x67: {  	_ =	shalt  }
0x68: {  	_ =	shalt  }
0x69: {  	_ =	shalt  }
0x6a: {  	_ =	shalt  }
0x6b: {  	_ =	shalt  }
0x6c: {  	_ =	shalt  }
0x6d: {  	_ =	shalt  }
0x6e: {  	_ =	shalt  }
0x6f: {  	_ =	shalt  }
0x70: {  	_ =	shalt  }
0x71: {  	_ =	shalt  }
0x72: {  	_ =	shalt  }
0x73: {  	_ =	shalt  }
0x74: {  	_ =	shalt  }
0x75: {  	_ =	shalt  }
0x76: {  	_ =	shalt  }
0x77: {  	_ =	shalt  }
0x78: {  	_ =	shalt  }
0x79: {  	_ =	shalt  }
0x7a: {  	_ =	shalt  }
0x7b: {  	_ =	shalt  }
0x7c: {  	_ =	shalt  }
0x7d: {  	_ =	shalt  }
0x7e: {  	_ =	shalt  }
0x7f: {  	_ =	shalt  }
0x80: {  	_ =	shalt  }
0x81: {  	_ =	shalt  }
0x82: {  	_ =	shalt  }
0x83: {  	_ =	shalt  }
0x84: {  	_ =	shalt  }
0x85: {  	_ =	shalt  }
0x86: {  	_ =	shalt  }
0x87: {  	_ =	shalt  }
.Lfunc_end0:
.L_simem_size_0:
called_computation_lowered:
.L_overlay_start_0:
0x88: {  	s2 =	sld [smem:$0x3FD9]  }
0x89: {  	s3 =	sld [smem:$0x3FFE];
	_ =	sdelay $0x1  }
0x8a: {  	s1 =	srdreg.scid  }
0x8b: {  	s0 =	sand.u32 $0x1, s1  }
0x8c: {  	s17 =	sshll.u32 s0, $0xA;
	s2 =	sadd.s32 s3, s2  }
0x8d: {  	s2 =	sadd.s32 s2, s17  }
0x8e: {  	[smem:$0x3FC0] =	sst s2  }
0x8f: {  	_ = 	snop  }
0x90: {  	s2 =	sld [smem:$0x3FC9]  }
0x91: {  	s18 =	sld [smem:$0x3FD0];
	(tm) =	ssettm $0x1  }
0x92: {  	s4 =	sld [smem:$0x3FFB];
	_ =	sdelay $0x3  }
0x93: {  	_ =	strace s4  }
0x94: {  	s4 =	sld [smem:$0x3FFC];
	_ =	sdelay $0x3  }
0x95: {  	_ =	strace s4  }
0x96: {  	s4 =	sld [smem:$0x3FFD];
	_ =	sdelay $0x3  }
0x97: {  	_ =	strace s4  }
0x98: {  	_ =	strace $0x8FFFFFFF  }
0x99: {  	s19 =	sld [smem:$0x3FDB];
	_ =	sdelay $0x1  }
0x9a: {  	s5 =	simm.s32 $_scs_section_size  }
0x9b: {  	s6 =	simm.s32 $_size__tile_overlayer_lowered;
	s7 =	simm.s32 $_tile_overlayer_lowered  }
0x9c: {  	s22 =	simm.s32 $0x1BFF;
	s21 =	sshll.u32 s7, $0x1;
	s4 =	sadd.s32 s5, s19  }
0x9d: {  	s8 =	simm.s32 $0x0;
	s20 =	sshll.u32 s6, $0x1;
	s6 =	sadd.s32 s21, s4  }
0x9e: {  	[timem:s8], [sflag:s22] =	dma.local [hbm:s6], s20  }
0x9f: {  	_ =	swait.ge [sflag:s22], s20  }
0xa0: {  	s5 =	ssub.s32 $0x0, s20;
	[sflag:s22] =	ssyncset.done $0x0  }
0xa1: {  	[sflag:s22] =	ssyncadd.s32 s5;
	_ =	sdelay $0x1  }
0xa2: {  	s23 =	simm.s32 $0x1B8B  }
0xa3: {  	_ =	swait.ge [sflag:s23], $0x1  }
0xa4: {  	[sflag:s23] =	ssyncset.done $0x0  }
0xa5: {  	s25 =	simm.s32 $0x1B8E;
	s24 =	sld [smem:$0x3FFE];
	[sflag:s23] =	ssyncadd.s32 $0xFFFFFFFF  }
0xa6: {  	s26 =	simm.s32 $execute0_lowered;
	[smem:$0x3FD2] =	sst s25  }
0xa7: {  	s6 =	sshll.u32 s26, $0x1;
	_ =	strace $0x80000046;
	[dreg:$0x1] =	wrdreg $0xFFFFFFFF  }
0xa8: {  	s28 =	simm.s32 $_size_execute0_lowered;
	s4 =	sadd.s32 s4, s6;
	[dreg:$0x0] =	wrdreg $0x0  }
0xa9: {  	s6 =	sshll.u32 s28, $0x1;
	[dreg:$0x2] =	wrdreg s4  }
0xaa: {  	[dreg:$0x3] =	wrdreg s6  }
0xab: {  	[dreg:$0x4] =	wrdreg $0xC0  }
0xac: {  	_ =	task [dreg:s8], $0x5FFFF  }
0xad: {  	[dreg:$0x1] =	wrdreg $0xFFFFFFFF  }
0xae: {  	[dreg:$0x0] =	wrdreg $0x60  }
0xaf: {  	[dreg:$0x2] =	wrdreg s2  }
0xb0: {  	[dreg:$0x3] =	wrdreg s24  }
0xb1: {  	[dreg:$0x4] =	wrdreg s18  }
0xb2: {  	[dreg:$0x5] =	wrdreg $0x116400  }
0xb3: {  	[dreg:$0x6] =	wrdreg $0x1C1000  }
0xb4: {  	[dreg:$0x7] =	wrdreg $0x9  }
0xb5: {  	_ =	task.clear_ibuf [dreg:s8], $0x8FFFF;
	_ =	strace $0x90000046  }
0xb6: {  	s29 =	simm.s32 $0x9;
	_ =	strace $0x80000048  }
0xb7: {  	_ =	swait.ge [sflag:s29], $0x1  }
0xb8: {  	[sflag:s29] =	ssyncadd.s32 $0xFFFFFFFF  }
0xb9: {  	_ =	strace $0x90000048  }
0xba: {  	_ =	sfence  }
0xbb: {  	s30 =	sld [smem:$0x0];
	_ =	sdelay $0x2  }
0xbc: {  	s31 =	sshll.u32 s1, $0xD;
	s1 =	sshrl.u32 s1, $0x2  }
0xbd: {  	s3 =	sand.u32 $0x4000, s31;
	s1 =	sadd.s32 s1, s30  }
0xbe: {  	s0 =	sor.u32 s3, s0;
	s1 =	sshll.u32 s1, $0x11  }
0xbf: {  	s0 =	sor.u32 s1, s0  }
0xc0: {  	s0 =	sadd.s32 $0x8F2B, s0  }
0xc1: {  	[sflag:s0] =	ssyncadd.remote.s32 $0x1  }
0xc2: {  	_ =	sfence.sel $0xFFFF  }
0xc3: {  	[dreg:$0x0] =	wrdreg $0xFFFFFFFF;
	(pc) =	sbr.abs _section_cstart, $3  }
0xc4: {  	[dreg:$0x1] =	wrdreg $0xFFFFFFFF  }
0xc5: {  	_ =	task.clear_ibuf [dreg:s8], $0x2FFFF;
	_ =	strace $0x9FFFFFFF  }
0xc6: {  	(tm) =	ssettm $0x7FFFFFFF  }
0xc7: {  	_ =	shalt  }
tec
execute0_lowered:
.L_overlay_start_1:
0x0: {  	(tag) =	ssettag $0x1  }
0x1: {  	s1 =	rddreg [dreg:$0x0]  }
0x2: {  	s0 =	rddreg [dreg:$0x1]  }
0x3: {  	s2 =	rddreg [dreg:$0x2]  }
0x4: {  	s3 =	rddreg [dreg:$0x3];
	s20 =	stileid.u32  }
0x5: {  	s4 =	rddreg [dreg:$0x4];
	s5 =	simm.s32 $0x0;
	s7 =	smul.u32 $0x4E20, s20  }
0x6: {  	s6 =	srdreg.scid;
	s30 =	simm.s32 $0xFC40;
	s8 =	smul.u32 $0x270, s20  }
0x7: {  	s31 =	simm.s32 $0x7;
	[smem:$0x7FF] =	sst s5;
	s10 =	smul.u32 $0x9C00, s20  }
0x8: {  	s22 =	sand.u32 $0x1, s6;
	s16 =	smul.u32 $0x2700, s20;
	p0 =	seq.s32 s20, $0xF  }
0x9: {  	p1 =	sne.s32 s20, $0xF;
	s29 =	sadd.s32 $0x27000, s4;
	s20 =	simm.s32 $0x6  }
0xa: {  	_ =	strace $0x80000047;
	s6 =	ssub.s32 $0x2, s22;
	s28 =	smul.u32 $0x27100, s22  }
0xb: {  	s7 =	sshrl.u32 s7, $0x3;
	s9 =	sshrl.u32 s6, $0x1;
	s11 =	sadd.s32 $0x68, s8  }
0xc: {  	s13 =	sadd.s32 $0xD0, s8;
	s15 =	sadd.s32 $0x138, s8;
	s23 =	sadd.s32 $0x1A0, s8  }
0xd: {  	s8 =	sadd.s32 $0x208, s8;
	s7 =	sadd.s32 s7, s0;
	s0 =	sadd.s32 $0x16A00, s0  }
0xe: {  	s9 =	ssub.s32 s6, s9;
	s6 =	sadd.s32 s10, s3;
	s12 =	sshll.u32 s11, $0x6  }
0xf: {  	s14 =	sshll.u32 s13, $0x6;
	s21 =	sshll.u32 s15, $0x6;
	s17 =	sshll.u32 s23, $0x6  }
0x10: {  	s18 =	sshll.u32 s8, $0x6;
	s11 =	sshll.u32 s11, $0x4;
	s13 =	sshll.u32 s13, $0x4  }
0x11: {  	s8 =	sshll.u32 s8, $0x4;
	s12 =	sadd.s32 s12, s3;
	s19 =	sadd.s32 s14, s3  }
0x12: {  	s24 =	sadd.s32 s17, s3;
	s25 =	sadd.s32 s18, s3;
	[dreg:$0x6] =	wrdreg s12  }
0x13: {  	s11 =	sadd.s32 s11, s4;
	s13 =	sadd.s32 s13, s4;
	[dreg:$0x7] =	wrdreg s19  }
0x14: {  	s17 =	sshll.u32 s15, $0x4;
	s18 =	sshll.u32 s23, $0x4;
	[dreg:$0x9] =	wrdreg s24  }
0x15: {  	s8 =	sadd.s32 s8, s4;
	s14 =	simm.s32 $0x2;
	[dreg:$0xa] =	wrdreg s25  }
0x16: {  	s15 =	simm.s32 $0x4;
	s19 =	smul.u32 $0x9C400, s22;
	[dreg:$0xc] =	wrdreg s11  }
0x17: {  	s12 =	sadd.s32 s21, s3;
	[dreg:$0xd] =	wrdreg s13;
	s11 =	sadd.s32 s17, s4  }
0x18: {  	[dreg:$0x10] =	wrdreg s8;
	s24 =	sshrl.u32 s28, $0x3;
	s25 =	sadd.s32 $0x3000, s7  }
0x19: {  	s7 =	sadd.s32 $0xCC40, s7;
	s8 =	simm.s32 $0x9C40;
	[dreg:$0x8] =	wrdreg s12  }
0x1a: {  	s13 =	simm.s32 $0x1B280;
	s17 =	simm.s32 $0x3;
	[dreg:$0xe] =	wrdreg s11  }
0x1b: {  	v0 =	vmov s22;
	s22 =	simm.s32 $0x20;
	s12 =	sadd.s32 s16, s4;
	[dreg:$0x12] =	wrdreg s25  }
0x1c: {  	s11 =	sadd.s32 s18, s4;
	[dreg:$0x13] =	wrdreg s7;
	s7 =	simm.s32 $0x80  }
0x1d: {  	s18 =	simm.s32 $0x5;
	s10 =	sadd.s32 s10, s19;
	s26 =	sshrl.u32 s19, $0x3  }
0x1e: {  	s19 =	sadd.s32 s16, s28;
	[dreg:$0xf] =	wrdreg s11;
	s28 =	sadd.s32 $0x9C000, s3  }
0x1f: {  	s11 =	simm.s32 $0xDC40;
	s16 =	simm.s32 $0x4EA0;
	s10 =	sshrl.u32 s10, $0x3  }
0x20: {  	s21 =	sshrl.u32 s19, $0x3;
	[dreg:$0x19] =	wrdreg s28;
	s19 =	simm.s32 $0x4F20  }
0x21: {  	s10 =	sadd.s32 s2, s10;
	s2 =	sadd.s32 s2, s26;
	s23 =	sadd.s32 s0, s21  }
0x22: {  	s0 =	sadd.s32 s0, s24;
	s26 =	smax.u32 s9, $0x1;
	[dreg:$0xb] =	wrdreg s10  }
0x23: {  	s9 =	simm.s32 $0xBC40;
	s21 =	simm.s32 $0x9BA0;
	[dreg:$0x11] =	wrdreg s23  }
0x24: {  	s2 =	sadd.s32 $0x12480, s2;
	s0 =	sadd.s32 $0x4920, s0;
	[dreg:$0x16] =	wrdreg s26  }
0x25: {  	s10 =	simm.s32 $0x1;
	[dreg:$0x15] =	wrdreg s0;
	s0 =	sadd.s32 $0x92400, s3  }
0x26: {  	[dreg:$0x14] =	wrdreg s2;
	s2 =	sadd.s32 $0x24900, s4;
	s0 =	sshrl.u32 @p0 s0, $0x3  }
0x27: {  	s23 =	simm.s32 $0x9C20;
	[dreg:$0x17] =	wrdreg s0;
	s0 =	sshrl.u32 @p0 s2, $0x3  }
0x28: {  	v1 =	vimm.f32 $0.0e+00;
	v2 =	vimm.f32 $5.000000000e-01;
	s2 =	simm.s32 $0x4E20;
	[dreg:$0x18] =	wrdreg s0;
	s0 =	simm.s32 $0x1BA80  }
.LBB2_1:
0x29: {  	s25 =	simm.s32 $0x100;
	s24 =	simm.s32 $0x0  }
.LBB2_2:
0x2a: {  	p2 =	sne.s32 s25, $0x6700;
	[tilespmem:s24+$0xFC70] =	vst v1;
	s26 =	smov.u32 s25;
	s25 =	sadd.s32 $0x100, s25  }
.Ltmp0:
0x2b: {  	[tilespmem:s24+$0xFC60] =	vst v1;
	(pc) =	sbr.rel @p2 .LBB2_2-.Ltmp0, $3  }
0x2c: {  	[tilespmem:s24+$0xFC40] =	vst v1  }
0x2d: {  	[tilespmem:s24+$0xFC50] =	vst v1;
	_ =	sdelay $0x1  }
0x2e: {  	s24 =	sshra.s32 s26, $0x2  }
0x2f: {  	[tilespmem:s24+$0xFC70] =	vst v1  }
0x30: {  	[tilespmem:s24+$0xFC60] =	vst v1  }
0x31: {  	[tilespmem:s24+$0xFC40] =	vst v1  }
0x32: {  	[tilespmem:s24+$0xFC50] =	vst v1  }
0x33: {  	[spmem:s6] =	stream.linear.scatter [tilespmem:s30], [sflag:$0x7], $0x1A00, $0x38;
	[tilespmem:$0x1E810] =	vst v63  }
0x34: {  	_ =	swait.ge [sflag:s31], $0x1A00  }
0x35: {  	[sflag:s31] =	ssyncset.done $0x0  }
0x36: {  	s26 =	rddreg [dreg:$0x6];
	[sflag:s31] =	ssyncadd.s32 $0xFFFFE600  }
0x37: {  	[spmem:s26] =	stream.linear.scatter [tilespmem:s30], [sflag:$0x7], $0x1A00, $0x38;
	[tilespmem:$0x1E810] =	vst v63  }
0x38: {  	_ =	swait.ge [sflag:s31], $0x1A00  }
0x39: {  	[sflag:s31] =	ssyncset.done $0x0  }
0x3a: {  	s28 =	rddreg [dreg:$0x7];
	[sflag:s31] =	ssyncadd.s32 $0xFFFFE600  }
0x3b: {  	[spmem:s28] =	stream.linear.scatter [tilespmem:s30], [sflag:$0x7], $0x1A00, $0x38;
	[tilespmem:$0x1E810] =	vst v63  }
0x3c: {  	_ =	swait.ge [sflag:s31], $0x1A00  }
0x3d: {  	[sflag:s31] =	ssyncset.done $0x0  }
0x3e: {  	s25 =	rddreg [dreg:$0x8];
	[sflag:s31] =	ssyncadd.s32 $0xFFFFE600  }
0x3f: {  	[spmem:s25] =	stream.linear.scatter [tilespmem:s30], [sflag:$0x7], $0x1A00, $0x38;
	[tilespmem:$0x1E810] =	vst v63  }
0x40: {  	_ =	swait.ge [sflag:s31], $0x1A00  }
0x41: {  	[sflag:s31] =	ssyncset.done $0x0  }
0x42: {  	s26 =	rddreg [dreg:$0x9];
	[sflag:s31] =	ssyncadd.s32 $0xFFFFE600  }
0x43: {  	[spmem:s26] =	stream.linear.scatter [tilespmem:s30], [sflag:$0x7], $0x1A00, $0x38;
	[tilespmem:$0x1E810] =	vst v63  }
0x44: {  	_ =	swait.ge [sflag:s31], $0x1A00  }
0x45: {  	[sflag:s31] =	ssyncset.done $0x0  }
0x46: {  	s28 =	rddreg [dreg:$0xa];
	[sflag:s31] =	ssyncadd.s32 $0xFFFFE600  }
0x47: {  	[spmem:s28] =	stream.linear.scatter [tilespmem:s30], [sflag:$0x7], $0x1A00, $0x38;
	[tilespmem:$0x1E810] =	vst v63  }
0x48: {  	_ =	swait.ge [sflag:s31], $0x1A00  }
0x49: {  	[sflag:s31] =	ssyncset.done $0x0  }
0x4a: {  	s24 =	simm.s32 @!p1 $0xFC40;
	s25 =	rddreg [dreg:$0x19];
	[sflag:s31] =	ssyncadd.s32 $0xFFFFE600  }
0x4b: {  	[spmem:s25] =	stream.linear.scatter @!p1 [tilespmem:s24], [sflag:$0x7], $0x400, $0x38;
	[tilespmem:$0x1E810] =	vst v63  }
0x4c: {  	s24 =	simm.s32 @!p1 $0x7  }
0x4d: {  	_ =	swait.ge @!p1 [sflag:s24], $0x400  }
0x4e: {  	[sflag:s24] =	ssyncset.done @!p1 $0x0  }
0x4f: {  	s25 =	simm.s32 $0x0;
	[sflag:s24] =	ssyncadd.s32 @!p1 $0xFFFFFC00;
	s24 =	simm.s32 $0x40  }
.LBB2_4:
0x50: {  	p2 =	sne.s32 s24, $0x19C0;
	[tilespmem:s25+$0x1BA80] =	vst v1;
	s25 =	smov.u32 s24;
	s24 =	sadd.s32 $0x40, s24  }
.Ltmp1:
0x51: {  	(pc) =	sbr.rel @p2 .LBB2_4-.Ltmp1, $2  }
0x52: {  	_ =	sdelay $0x2  }
0x53: {  	s25 =	sshra.s32 s25, $0x2  }
0x54: {  	[tilespmem:s25+$0x1BA80] =	vst v1;
	s24 =	simm.s32 $0x40;
	s25 =	simm.s32 $0x0  }
.LBB2_6:
0x55: {  	p2 =	sne.s32 s24, $0x1FC0;
	[tilespmem:s25+$0x1B280] =	vst v2;
	s25 =	smov.u32 s24;
	s24 =	sadd.s32 $0x40, s24  }
.Ltmp2:
0x56: {  	(pc) =	sbr.rel @p2 .LBB2_6-.Ltmp2, $2  }
0x57: {  	_ =	sdelay $0x2  }
0x58: {  	s25 =	sshra.s32 s25, $0x2  }
0x59: {  	[tilespmem:s25+$0x1B280] =	vst v2  }
0x5a: {  	[spmem:s12] =	stream.linear.scatter [tilespmem:s0], [sflag:$0x7], $0x680, $0x38;
	[tilespmem:$0x1E810] =	vst v63  }
0x5b: {  	_ =	swait.ge [sflag:s31], $0x680  }
0x5c: {  	[sflag:s31] =	ssyncset.done $0x0  }
0x5d: {  	s24 =	rddreg [dreg:$0xc];
	[sflag:s31] =	ssyncadd.s32 $0xFFFFF980  }
0x5e: {  	[spmem:s24] =	stream.linear.scatter [tilespmem:s0], [sflag:$0x7], $0x680, $0x38;
	[tilespmem:$0x1E810] =	vst v63  }
0x5f: {  	_ =	swait.ge [sflag:s31], $0x680  }
0x60: {  	[sflag:s31] =	ssyncset.done $0x0  }
0x61: {  	s25 =	rddreg [dreg:$0xd];
	[sflag:s31] =	ssyncadd.s32 $0xFFFFF980  }
0x62: {  	[spmem:s25] =	stream.linear.scatter [tilespmem:s0], [sflag:$0x7], $0x680, $0x38;
	[tilespmem:$0x1E810] =	vst v63  }
0x63: {  	_ =	swait.ge [sflag:s31], $0x680  }
0x64: {  	[sflag:s31] =	ssyncset.done $0x0  }
0x65: {  	s26 =	rddreg [dreg:$0xe];
	[sflag:s31] =	ssyncadd.s32 $0xFFFFF980  }
0x66: {  	[spmem:s26] =	stream.linear.scatter [tilespmem:s0], [sflag:$0x7], $0x680, $0x38;
	[tilespmem:$0x1E810] =	vst v63  }
0x67: {  	_ =	swait.ge [sflag:s31], $0x680  }
0x68: {  	[sflag:s31] =	ssyncset.done $0x0  }
0x69: {  	s28 =	rddreg [dreg:$0xf];
	[sflag:s31] =	ssyncadd.s32 $0xFFFFF980  }
0x6a: {  	[spmem:s28] =	stream.linear.scatter [tilespmem:s0], [sflag:$0x7], $0x680, $0x38;
	[tilespmem:$0x1E810] =	vst v63  }
0x6b: {  	_ =	swait.ge [sflag:s31], $0x680  }
0x6c: {  	[sflag:s31] =	ssyncset.done $0x0  }
0x6d: {  	s25 =	rddreg [dreg:$0x10];
	[sflag:s31] =	ssyncadd.s32 $0xFFFFF980  }
0x6e: {  	[spmem:s25] =	stream.linear.scatter [tilespmem:s0], [sflag:$0x7], $0x680, $0x38;
	[tilespmem:$0x1E810] =	vst v63  }
0x6f: {  	_ =	swait.ge [sflag:s31], $0x680  }
0x70: {  	[sflag:s31] =	ssyncset.done $0x0  }
0x71: {  	s24 =	simm.s32 @!p1 $0x1BA80;
	[sflag:s31] =	ssyncadd.s32 $0xFFFFF980  }
0x72: {  	[spmem:s29] =	stream.linear.scatter @!p1 [tilespmem:s24], [sflag:$0x7], $0x100, $0x38;
	[tilespmem:$0x1E810] =	vst v63  }
0x73: {  	s24 =	simm.s32 @!p1 $0x7  }
0x74: {  	_ =	swait.ge @!p1 [sflag:s24], $0x100  }
0x75: {  	[sflag:s24] =	ssyncset.done @!p1 $0x0  }
0x76: {  	s26 =	rddreg [dreg:$0x12];
	[sflag:s24] =	ssyncadd.s32 @!p1 $0xFFFFFF00;
	s24 =	simm.s32 $0x0  }
0x77: {  	[tilespmem:s24], [sflag:$0x7] =	stream.linear.gather [hbm4b:s26+s24], $0x4E20, $0x38;
	[tilespmem:$0x1E810] =	vst v63  }
0x78: {  	_ =	swait.ge [sflag:s31], $0x4E20  }
0x79: {  	[sflag:s31] =	ssyncset.done $0x0  }
0x7a: {  	s28 =	rddreg [dreg:$0x13];
	[sflag:s31] =	ssyncadd.s32 $0xFFFFB1E0  }
0x7b: {  	[tilespmem:s2], [sflag:$0x7] =	stream.linear.gather [hbm4b:s28+s24], $0x4E20, $0x38;
	[tilespmem:$0x1E810] =	vst v63  }
0x7c: {  	_ =	swait.ge [sflag:s31], $0x4E20  }
0x7d: {  	[sflag:s31] =	ssyncset.done $0x0  }
0x7e: {  	s25 =	simm.s32 $0x40;
	s24 =	simm.s32 $0x0;
	[sflag:s31] =	ssyncadd.s32 $0xFFFFB1E0  }
.LBB2_8:
0x7f: {  	p2 =	sne.s32 s25, $0x13840;
	v3 =	vld [tilespmem:s24+$0x0];
	_ =	sdelay $0x2  }
.Ltmp3:
0x80: {  	(pc) =	sbr.rel @p2 .LBB2_8-.Ltmp3, $4  }
0x81: {  	_ = 	snop  }
0x82: {  	v3 =	vshll.u32 v3, $0x1  }
0x83: {  	v3 =	vor.u32 v0, v3  }
0x84: {  	[tilespmem:s24+$0x0] =	vst v3;
	s24 =	sshra.s32 s25, $0x2;
	s25 =	sadd.s32 $0x40, s25  }
0x85: {  	v3 =	vld [tilespmem:s24+$0x0];
	_ =	sdelay $0x4  }
0x86: {  	v3 =	vshll.u32 v3, $0x1  }
0x87: {  	v3 =	vor.u32 v0, v3  }
0x88: {  	[tilespmem:s24+$0x0] =	vst v3  }
0x89: {  	s28 =	simm.s32 $0x0;
	[bflag:$0x0] =	sbarrier.arrive $0xFFFF  }
0x8a: {  	[tilespmem:s8], [sflag:$0x1] =	stream.indirect.gather [hbm4b:s1+s7], $0x40, s28, s7, $0xb8;
	[tilespmem:$0x1E810] =	vst v63  }
0x8b: {  	_ = 	snop  }
0x8c: {  	[tilespmem:s9], [sflag:$0x2] =	stream.indirect.gather [hbm4b:s1+s7], $0x40, s7, s7, $0xb8;
	[tilespmem:$0x1E810] =	vst v63  }
0x8d: {  	_ =	swait.ge [sflag:s10], $0x2000  }
0x8e: {  	[sflag:s10] =	ssyncset.done $0x0  }
0x8f: {  	s25 =	simm.s32 $0x100;
	[sflag:s10] =	ssyncadd.s32 $0xFFFFE000  }
0x90: {  	[tilespmem:s11], [sflag:$0x3] =	stream.indirect.gather [hbm4b:s1+s7], $0x40, s25, s7, $0xb8;
	[tilespmem:$0x1E810] =	vst v63  }
0x91: {  	_ = 	snop  }
0x92: {  	[spmem:s3] =	stream.indirect.scatter.add.f32 [tilespmem:s8], [sflag:$0x4], $0x40, s2, s7, $0xb8;
	[tilespmem:$0x1E810] =	vst v63  }
0x93: {  	_ = 	snop  }
0x94: {  	[spmem:s4] =	stream.indirect.scatter.add.f32 [tilespmem:s13], [sflag:$0x7], $0x10, s2, s7, $0xb8;
	[tilespmem:$0x1E810] =	vst v63  }
0x95: {  	_ =	swait.ge [sflag:s31], $0x800  }
0x96: {  	[sflag:s31] =	ssyncset.done $0x0  }
0x97: {  	[sflag:s31] =	ssyncadd.s32 $0xFFFFF800  }
0x98: {  	_ =	swait.ge [sflag:s14], $0x2000  }
0x99: {  	[sflag:s14] =	ssyncset.done $0x0  }
0x9a: {  	[sflag:s14] =	ssyncadd.s32 $0xFFFFE000  }
0x9b: {  	_ =	swait.ge [sflag:s15], $0x2000  }
0x9c: {  	[sflag:s15] =	ssyncset.done $0x0  }
0x9d: {  	s26 =	simm.s32 $0x180;
	[sflag:s15] =	ssyncadd.s32 $0xFFFFE000  }
0x9e: {  	[tilespmem:s8], [sflag:$0x1] =	stream.indirect.gather [hbm4b:s1+s7], $0x40, s26, s7, $0xb8;
	[tilespmem:$0x1E810] =	vst v63  }
0x9f: {  	_ = 	snop  }
0xa0: {  	[spmem:s3] =	stream.indirect.scatter.add.f32 [tilespmem:s9], [sflag:$0x5], $0x40, s16, s7, $0xb8;
	[tilespmem:$0x1E810] =	vst v63  }
0xa1: {  	_ = 	snop  }
0xa2: {  	[spmem:s4] =	stream.indirect.scatter.add.f32 [tilespmem:s13], [sflag:$0x7], $0x10, s16, s7, $0xb8;
	[tilespmem:$0x1E810] =	vst v63  }
0xa3: {  	_ =	swait.ge [sflag:s31], $0x800  }
0xa4: {  	[sflag:s31] =	ssyncset.done $0x0  }
0xa5: {  	[sflag:s31] =	ssyncadd.s32 $0xFFFFF800  }
0xa6: {  	_ =	swait.ge [sflag:s17], $0x2000  }
0xa7: {  	[sflag:s17] =	ssyncset.done $0x0  }
0xa8: {  	[sflag:s17] =	ssyncadd.s32 $0xFFFFE000  }
0xa9: {  	_ =	swait.ge [sflag:s18], $0x2000  }
0xaa: {  	[sflag:s18] =	ssyncset.done $0x0  }
0xab: {  	s28 =	simm.s32 $0x200;
	[sflag:s18] =	ssyncadd.s32 $0xFFFFE000  }
0xac: {  	[tilespmem:s9], [sflag:$0x2] =	stream.indirect.gather [hbm4b:s1+s7], $0x40, s28, s7, $0xb8;
	[tilespmem:$0x1E810] =	vst v63  }
0xad: {  	_ = 	snop  }
0xae: {  	[spmem:s3] =	stream.indirect.scatter.add.f32 [tilespmem:s11], [sflag:$0x6], $0x40, s19, s7, $0xb8;
	[tilespmem:$0x1E810] =	vst v63  }
0xaf: {  	_ = 	snop  }
0xb0: {  	[spmem:s4] =	stream.indirect.scatter.add.f32 [tilespmem:s13], [sflag:$0x7], $0x10, s19, s7, $0xb8;
	[tilespmem:$0x1E810] =	vst v63  }
0xb1: {  	_ =	swait.ge [sflag:s31], $0x800  }
0xb2: {  	[sflag:s31] =	ssyncset.done $0x0  }
0xb3: {  	[sflag:s31] =	ssyncadd.s32 $0xFFFFF800  }
0xb4: {  	_ =	swait.ge [sflag:s10], $0x2000  }
0xb5: {  	[sflag:s10] =	ssyncset.done $0x0  }
0xb6: {  	[sflag:s10] =	ssyncadd.s32 $0xFFFFE000  }
0xb7: {  	_ =	swait.ge [sflag:s20], $0x2000  }
0xb8: {  	[sflag:s20] =	ssyncset.done $0x0  }
0xb9: {  	s25 =	simm.s32 $0x280;
	[sflag:s20] =	ssyncadd.s32 $0xFFFFE000  }
0xba: {  	[tilespmem:s11], [sflag:$0x3] =	stream.indirect.gather [hbm4b:s1+s7], $0x40, s25, s7, $0xb8;
	[tilespmem:$0x1E810] =	vst v63  }
0xbb: {  	s26 =	simm.s32 $0x4FA0  }
0xbc: {  	[spmem:s3] =	stream.indirect.scatter.add.f32 [tilespmem:s8], [sflag:$0x4], $0x40, s26, s7, $0xb8;
	[tilespmem:$0x1E810] =	vst v63  }
0xbd: {  	_ = 	snop  }
0xbe: {  	[spmem:s4] =	stream.indirect.scatter.add.f32 [tilespmem:s13], [sflag:$0x7], $0x10, s26, s7, $0xb8;
	[tilespmem:$0x1E810] =	vst v63  }
0xbf: {  	_ =	swait.ge [sflag:s31], $0x800  }
0xc0: {  	[sflag:s31] =	ssyncset.done $0x0  }
0xc1: {  	[sflag:s31] =	ssyncadd.s32 $0xFFFFF800  }
0xc2: {  	_ =	swait.ge [sflag:s14], $0x2000  }
0xc3: {  	[sflag:s14] =	ssyncset.done $0x0  }
0xc4: {  	[sflag:s14] =	ssyncadd.s32 $0xFFFFE000  }
0xc5: {  	_ =	swait.ge [sflag:s15], $0x2000  }
0xc6: {  	[sflag:s15] =	ssyncset.done $0x0  }
0xc7: {  	s28 =	simm.s32 $0x300;
	[sflag:s15] =	ssyncadd.s32 $0xFFFFE000  }
0xc8: {  	[tilespmem:s8], [sflag:$0x1] =	stream.indirect.gather [hbm4b:s1+s7], $0x40, s28, s7, $0xb8;
	[tilespmem:$0x1E810] =	vst v63  }
0xc9: {  	s25 =	simm.s32 $0x5020  }
0xca: {  	[spmem:s3] =	stream.indirect.scatter.add.f32 [tilespmem:s9], [sflag:$0x5], $0x40, s25, s7, $0xb8;
	[tilespmem:$0x1E810] =	vst v63  }
0xcb: {  	_ = 	snop  }
0xcc: {  	[spmem:s4] =	stream.indirect.scatter.add.f32 [tilespmem:s13], [sflag:$0x7], $0x10, s25, s7, $0xb8;
	[tilespmem:$0x1E810] =	vst v63  }
0xcd: {  	_ =	swait.ge [sflag:s31], $0x800  }
0xce: {  	[sflag:s31] =	ssyncset.done $0x0  }
0xcf: {  	[sflag:s31] =	ssyncadd.s32 $0xFFFFF800  }
0xd0: {  	_ =	swait.ge [sflag:s17], $0x2000  }
0xd1: {  	[sflag:s17] =	ssyncset.done $0x0  }
0xd2: {  	[sflag:s17] =	ssyncadd.s32 $0xFFFFE000  }
0xd3: {  	_ =	swait.ge [sflag:s18], $0x2000  }
0xd4: {  	[sflag:s18] =	ssyncset.done $0x0  }
0xd5: {  	s26 =	simm.s32 $0x380;
	[sflag:s18] =	ssyncadd.s32 $0xFFFFE000  }
0xd6: {  	[tilespmem:s9], [sflag:$0x2] =	stream.indirect.gather [hbm4b:s1+s7], $0x40, s26, s7, $0xb8;
	[tilespmem:$0x1E810] =	vst v63  }
0xd7: {  	s28 =	simm.s32 $0x50A0  }
0xd8: {  	[spmem:s3] =	stream.indirect.scatter.add.f32 [tilespmem:s11], [sflag:$0x6], $0x40, s28, s7, $0xb8;
	[tilespmem:$0x1E810] =	vst v63  }
0xd9: {  	_ = 	snop  }
0xda: {  	[spmem:s4] =	stream.indirect.scatter.add.f32 [tilespmem:s13], [sflag:$0x7], $0x10, s28, s7, $0xb8;
	[tilespmem:$0x1E810] =	vst v63  }
0xdb: {  	_ =	swait.ge [sflag:s31], $0x800  }
0xdc: {  	s24 =	simm.s32 $0x600;
	[sflag:s31] =	ssyncset.done $0x0  }
.LBB2_10:
0xdd: {  	[sflag:s31] =	ssyncadd.s32 $0xFFFFF800;
	s25 =	smov.u32 s24;
	s24 =	sadd.s32 $0x600, s24  }
0xde: {  	p2 =	sne.s32 s24, $0x12C00  }
0xdf: {  	_ =	swait.ge [sflag:s10], $0x2000  }
0xe0: {  	[sflag:s10] =	ssyncset.done $0x0  }
0xe1: {  	[sflag:s10] =	ssyncadd.s32 $0xFFFFE000  }
0xe2: {  	_ =	swait.ge [sflag:s20], $0x2000  }
0xe3: {  	s25 =	sshra.s32 s25, $0x2;
	[sflag:s20] =	ssyncset.done $0x0  }
0xe4: {  	s26 =	sadd.s32 $0x280, s25;
	[sflag:s20] =	ssyncadd.s32 $0xFFFFE000  }
0xe5: {  	[tilespmem:s11], [sflag:$0x3] =	stream.indirect.gather [hbm4b:s1+s7], $0x40, s26, s7, $0xb8;
	[tilespmem:$0x1E810] =	vst v63  }
0xe6: {  	s26 =	sadd.s32 $0x4FA0, s25  }
0xe7: {  	[spmem:s3] =	stream.indirect.scatter.add.f32 [tilespmem:s8], [sflag:$0x4], $0x40, s26, s7, $0xb8;
	[tilespmem:$0x1E810] =	vst v63  }
0xe8: {  	_ = 	snop  }
0xe9: {  	[spmem:s4] =	stream.indirect.scatter.add.f32 [tilespmem:s13], [sflag:$0x7], $0x10, s26, s7, $0xb8;
	[tilespmem:$0x1E810] =	vst v63  }
0xea: {  	_ =	swait.ge [sflag:s31], $0x800  }
0xeb: {  	[sflag:s31] =	ssyncset.done $0x0  }
0xec: {  	[sflag:s31] =	ssyncadd.s32 $0xFFFFF800  }
0xed: {  	_ =	swait.ge [sflag:s14], $0x2000  }
0xee: {  	[sflag:s14] =	ssyncset.done $0x0  }
0xef: {  	[sflag:s14] =	ssyncadd.s32 $0xFFFFE000  }
0xf0: {  	_ =	swait.ge [sflag:s15], $0x2000  }
0xf1: {  	[sflag:s15] =	ssyncset.done $0x0  }
0xf2: {  	s26 =	sadd.s32 $0x300, s25;
	[sflag:s15] =	ssyncadd.s32 $0xFFFFE000  }
0xf3: {  	[tilespmem:s8], [sflag:$0x1] =	stream.indirect.gather [hbm4b:s1+s7], $0x40, s26, s7, $0xb8;
	[tilespmem:$0x1E810] =	vst v63  }
0xf4: {  	s26 =	sadd.s32 $0x5020, s25  }
0xf5: {  	[spmem:s3] =	stream.indirect.scatter.add.f32 [tilespmem:s9], [sflag:$0x5], $0x40, s26, s7, $0xb8;
	[tilespmem:$0x1E810] =	vst v63  }
0xf6: {  	_ = 	snop  }
0xf7: {  	[spmem:s4] =	stream.indirect.scatter.add.f32 [tilespmem:s13], [sflag:$0x7], $0x10, s26, s7, $0xb8;
	[tilespmem:$0x1E810] =	vst v63  }
0xf8: {  	_ =	swait.ge [sflag:s31], $0x800  }
0xf9: {  	[sflag:s31] =	ssyncset.done $0x0  }
0xfa: {  	[sflag:s31] =	ssyncadd.s32 $0xFFFFF800  }
0xfb: {  	_ =	swait.ge [sflag:s17], $0x2000  }
0xfc: {  	[sflag:s17] =	ssyncset.done $0x0  }
0xfd: {  	[sflag:s17] =	ssyncadd.s32 $0xFFFFE000  }
0xfe: {  	_ =	swait.ge [sflag:s18], $0x2000  }
0xff: {  	[sflag:s18] =	ssyncset.done $0x0  }
0x100: {  	s26 =	sadd.s32 $0x380, s25;
	[sflag:s18] =	ssyncadd.s32 $0xFFFFE000  }
0x101: {  	[tilespmem:s9], [sflag:$0x2] =	stream.indirect.gather [hbm4b:s1+s7], $0x40, s26, s7, $0xb8;
	[tilespmem:$0x1E810] =	vst v63  }
0x102: {  	s25 =	sadd.s32 $0x50A0, s25  }
0x103: {  	[spmem:s3] =	stream.indirect.scatter.add.f32 [tilespmem:s11], [sflag:$0x6], $0x40, s25, s7, $0xb8;
	[tilespmem:$0x1E810] =	vst v63  }
.Ltmp4:
0x104: {  	_ = 	snop;
	(pc) =	sbr.rel @p2 .LBB2_10-.Ltmp4, $4  }
0x105: {  	_ = 	snop  }
0x106: {  	[spmem:s4] =	stream.indirect.scatter.add.f32 [tilespmem:s13], [sflag:$0x7], $0x10, s25, s7, $0xb8;
	[tilespmem:$0x1E810] =	vst v63  }
0x107: {  	_ =	swait.ge [sflag:s31], $0x800  }
0x108: {  	[sflag:s31] =	ssyncset.done $0x0  }
0x109: {  	[sflag:s31] =	ssyncadd.s32 $0xFFFFF800  }
0x10a: {  	_ =	swait.ge [sflag:s10], $0x2000  }
0x10b: {  	[sflag:s10] =	ssyncset.done $0x0  }
0x10c: {  	[sflag:s10] =	ssyncadd.s32 $0xFFFFE000  }
0x10d: {  	_ =	swait.ge [sflag:s20], $0x2000  }
0x10e: {  	[sflag:s20] =	ssyncset.done $0x0  }
0x10f: {  	s25 =	simm.s32 $0x4D80;
	s24 =	sshra.s32 s24, $0x2;
	[sflag:s20] =	ssyncadd.s32 $0xFFFFE000  }
0x110: {  	[tilespmem:s11], [sflag:$0x3] =	stream.indirect.gather [hbm4b:s1+s7], $0x40, s25, s7, $0xb8;
	[tilespmem:$0x1E810] =	vst v63  }
0x111: {  	s28 =	sadd.s32 $0x4FA0, s24  }
0x112: {  	[spmem:s3] =	stream.indirect.scatter.add.f32 [tilespmem:s8], [sflag:$0x4], $0x40, s28, s7, $0xb8;
	[tilespmem:$0x1E810] =	vst v63  }
0x113: {  	_ = 	snop  }
0x114: {  	[spmem:s4] =	stream.indirect.scatter.add.f32 [tilespmem:s13], [sflag:$0x7], $0x10, s28, s7, $0xb8;
	[tilespmem:$0x1E810] =	vst v63  }
0x115: {  	_ =	swait.ge [sflag:s31], $0x800  }
0x116: {  	[sflag:s31] =	ssyncset.done $0x0  }
0x117: {  	[sflag:s31] =	ssyncadd.s32 $0xFFFFF800  }
0x118: {  	_ =	swait.ge [sflag:s14], $0x2000  }
0x119: {  	[sflag:s14] =	ssyncset.done $0x0  }
0x11a: {  	s24 =	sadd.s32 $0x5020, s24;
	[sflag:s14] =	ssyncadd.s32 $0xFFFFE000  }
0x11b: {  	[spmem:s3] =	stream.indirect.scatter.add.f32 [tilespmem:s9], [sflag:$0x5], $0x40, s24, s7, $0xb8;
	[tilespmem:$0x1E810] =	vst v63  }
0x11c: {  	_ = 	snop  }
0x11d: {  	[spmem:s4] =	stream.indirect.scatter.add.f32 [tilespmem:s13], [sflag:$0x7], $0x10, s24, s7, $0xb8;
	[tilespmem:$0x1E810] =	vst v63  }
0x11e: {  	_ =	swait.ge [sflag:s31], $0x800  }
0x11f: {  	[sflag:s31] =	ssyncset.done $0x0  }
0x120: {  	[sflag:s31] =	ssyncadd.s32 $0xFFFFF800  }
0x121: {  	_ =	swait.ge [sflag:s17], $0x2000  }
0x122: {  	[sflag:s17] =	ssyncset.done $0x0  }
0x123: {  	[sflag:s17] =	ssyncadd.s32 $0xFFFFE000  }
0x124: {  	[spmem:s3] =	stream.indirect.scatter.add.f32 [tilespmem:s11], [sflag:$0x6], $0x40, s21, s7, $0xb8;
	[tilespmem:$0x1E810] =	vst v63  }
0x125: {  	_ = 	snop  }
0x126: {  	[spmem:s4] =	stream.indirect.scatter.add.f32 [tilespmem:s13], [sflag:$0x7], $0x10, s21, s7, $0xb8;
	[tilespmem:$0x1E810] =	vst v63  }
0x127: {  	_ =	swait.ge [sflag:s31], $0x800  }
0x128: {  	[sflag:s31] =	ssyncset.done $0x0  }
0x129: {  	[sflag:s31] =	ssyncadd.s32 $0xFFFFF800  }
0x12a: {  	_ =	swait.ge [sflag:s15], $0x2000  }
0x12b: {  	[sflag:s15] =	ssyncset.done $0x0  }
0x12c: {  	s26 =	simm.s32 $0x4E00;
	[sflag:s15] =	ssyncadd.s32 $0xFFFFE000  }
0x12d: {  	[tilespmem:s8], [sflag:$0x1] =	stream.indirect.gather [hbm4b:s1+s22], $0x40, s26, s22, $0xb8;
	[tilespmem:$0x1E810] =	vst v63  }
0x12e: {  	_ =	swait.ge [sflag:s10], $0x800  }
0x12f: {  	[sflag:s10] =	ssyncset.done $0x0  }
0x130: {  	[sflag:s10] =	ssyncadd.s32 $0xFFFFF800  }
0x131: {  	[spmem:s3] =	stream.indirect.scatter.add.f32 [tilespmem:s8], [sflag:$0x4], $0x40, s23, s22, $0xb8;
	[tilespmem:$0x1E810] =	vst v63  }
0x132: {  	_ = 	snop  }
0x133: {  	[spmem:s4] =	stream.indirect.scatter.add.f32 [tilespmem:s13], [sflag:$0x7], $0x10, s23, s22, $0xb8;
	[tilespmem:$0x1E810] =	vst v63  }
0x134: {  	_ =	swait.ge [sflag:s31], $0x200  }
0x135: {  	[sflag:s31] =	ssyncset.done $0x0  }
0x136: {  	[sflag:s31] =	ssyncadd.s32 $0xFFFFFE00  }
0x137: {  	_ =	swait.ge [sflag:s15], $0x800  }
0x138: {  	[sflag:s15] =	ssyncset.done $0x0  }
0x139: {  	[sflag:s15] =	ssyncadd.s32 $0xFFFFF800  }
0x13a: {  	_ =	swait.ge [sflag:s18], $0x2000  }
0x13b: {  	[sflag:s18] =	ssyncset.done $0x0  }
0x13c: {  	[sflag:s18] =	ssyncadd.s32 $0xFFFFE000  }
0x13d: {  	_ =	swait.ge [sflag:s20], $0x2000  }
0x13e: {  	[sflag:s20] =	ssyncset.done $0x0  }
0x13f: {  	[sflag:s20] =	ssyncadd.s32 $0xFFFFE000  }
0x140: {  	[bflag:$0x0] =	sbarrier.arrive $0xFFFF  }
0x141: {  	s25 =	rddreg [dreg:$0x14]  }
0x142: {  	s24 =	simm.s32 @p0 $0x1FC7;
	s26 =	rddreg [dreg:$0x17]  }
0x143: {  	[hbm:s25], [sflag:s24] =	dma.local @p0 [spmem:s26], $0x1400  }
0x144: {  	s25 =	simm.s32 @p0 $0x7  }
0x145: {  	_ =	swait.ge @p0 [sflag:s25], $0x1400  }
0x146: {  	[sflag:s25] =	ssyncset.done @p0 $0x0;
	s26 =	rddreg [dreg:$0x15]  }
0x147: {  	s28 =	rddreg [dreg:$0x18];
	[sflag:s25] =	ssyncadd.s32 @p0 $0xFFFFEC00  }
0x148: {  	[hbm:s26], [sflag:s24] =	dma.local @p0 [spmem:s28], $0x500  }
0x149: {  	s24 =	stileid.u32  }
0x14a: {  	_ =	swait.ge @p0 [sflag:s25], $0x500;
	s24 =	sshll.u32 @!p0 s24, $0x6  }
0x14b: {  	[sflag:s25] =	ssyncset.done @p0 $0x0;
	s24 =	sor.u32 @!p0 $0x1C07, s24  }
0x14c: {  	s26 =	rddreg [dreg:$0xb];
	[sflag:s25] =	ssyncadd.s32 @p0 $0xFFFFFB00;
	s25 =	sshrl.u32 @!p0 s6, $0x3  }
0x14d: {  	[hbm:s26], [sflag:s24] =	dma.local @!p0 [spmem:s25], $0x1380  }
0x14e: {  	s25 =	simm.s32 @!p0 $0x7  }
0x14f: {  	_ =	swait.ge @!p0 [sflag:s25], $0x1380  }
0x150: {  	[sflag:s25] =	ssyncset.done @!p0 $0x0  }
0x151: {  	s26 =	sshrl.u32 @!p0 s12, $0x3;
	s28 =	rddreg [dreg:$0x11];
	[sflag:s25] =	ssyncadd.s32 @!p0 $0xFFFFEC80  }
0x152: {  	[hbm:s28], [sflag:s24] =	dma.local @!p0 [spmem:s26], $0x4E0  }
0x153: {  	_ =	swait.ge @!p0 [sflag:s25], $0x4E0  }
0x154: {  	s5 =	sadd.s32 $0x1, s5;
	s28 =	rddreg [dreg:$0x16]  }
0x155: {  	p2 =	sne.s32 s5, s28  }
.Ltmp5:
0x156: {  	_ = 	snop;
	(pc) =	sbr.rel @p2 .LBB2_1-.Ltmp5, $3  }
0x157: {  	_ =	sdelay $0x1  }
0x158: {  	[sflag:s25] =	ssyncset.done @!p0 $0x0  }
0x159: {  	[sflag:s25] =	ssyncadd.s32 @!p0 $0xFFFFFB20  }
0x15a: {  	_ =	sfence.sel $0x180000  }
0x15b: {  	[bflag:$0x0] =	sbarrier.arrive $0xFFFF  }
0x15c: {  	_ =	strace $0x90000047  }
0x15d: {  	s0 =	stileid.u32;
	[bflag:$0x2] =	sbarrier.arrive $0xFFFF  }
0x15e: {  	p0 =	sne.s32 s0, $0x0;
	s0 =	rddreg [dreg:$0x5]  }
0x15f: {  	s0 =	sadd.s32 @!p0 $0x100000, s0  }
0x160: {  	[sflag:s0] =	ssyncadd.tile.s32 @!p0 $0x1;
	_ =	shalt  }
.Lfunc_end2:
_tile_overlayer_lowered:
.L_overlay_start_2:
0x161: {  	(tag) =	ssettag $0x2  }
0x162: {  	s0 =	rddreg [dreg:$0x0];
	s2 =	stileid.u32  }
0x163: {  	s1 =	rddreg [dreg:$0x1];
	p0 =	sne.s32 s2, $0x0  }
0x164: {  	s3 =	rddreg [dreg:$0x2];
	[bflag:$0x3] =	sbarrier.arrive $0xFFFF;
	s2 =	simm.s32 @!p0 $0x1C07  }
0x165: {  	[timem:s3], [sflag:s2] =	dma.local @!p0 [hbm:s0], s1  }
0x166: {  	s0 =	simm.s32 @!p0 $0x7  }
0x167: {  	_ =	swait.ge @!p0 [sflag:s0], s1  }
0x168: {  	s1 =	ssub.s32 @!p0 $0x0, s1;
	[sflag:s0] =	ssyncset.done @!p0 $0x0  }
0x169: {  	[sflag:s0] =	ssyncadd.s32 @!p0 s1  }
0x16a: {  	[bflag:$0x3] =	sbarrier.arrive $0xFFFF  }
0x16b: {  	_ =	shalt  }

// kernel: kernel.9.cloned.1.call-start
scs
__scs_entry_jumppad:
0x0: {  	(pc) =	sbr.rel $0x88, $3  }
0x1: {  	(tag) =	ssettag $0x0;
	lr =	simm.s32 $0x1  }
0x2: {  	[smem:$0x3F99] =	sst lr;
	_ =	strace $0xD0000000  }
0x3: {  	_ = 	snop  }
0x4: {  	_ = 	snop  }
0x5: {  	_ = 	snop  }
0x6: {  	_ = 	snop  }
0x7: {  	_ = 	snop  }
__scs_overlays_trampoline_lowered:
0x8: {  	[smem:$0x3FA8] =	sst s0  }
0x9: {  	[smem:$0x3FA9] =	sst s1  }
0xa: {  	[smem:$0x3FAA] =	sst s2  }
0xb: {  	[smem:$0x3FAB] =	sst s3  }
0xc: {  	[smem:$0x3FAC] =	sst s4  }
0xd: {  	[smem:$0x3FAD] =	sst s5  }
0xe: {  	[smem:$0x3FAE] =	sst s6  }
0xf: {  	[smem:$0x3FAF] =	sst s7  }
0x10: {  	[smem:$0x3FB0] =	sst s8  }
0x11: {  	[smem:$0x3FB1] =	sst s9;
	s0 =	simm.s32 @!p0 $0x0  }
0x12: {  	s1 =	sld [smem:$0x3F97];
	s0 =	simm.s32 @p0 $0x1  }
0x13: {  	[smem:$0x3FB2] =	sst s0;
	s0 =	simm.s32 @!p1 $0x0  }
0x14: {  	s2 =	sld [smem:$0x3F96];
	s0 =	simm.s32 @p1 $0x1  }
0x15: {  	[smem:$0x3FB3] =	sst s0;
	s0 =	simm.s32 @!p2 $0x0  }
0x16: {  	s3 =	sld [smem:$0x3FDB];
	s0 =	simm.s32 @p2 $0x1  }
0x17: {  	s4 =	simm.s32 $0x1BF5;
	[smem:$0x3FB5] =	sst s0  }
0x18: {  	s0 =	sld [smem:$0x3F98];
	_ =	swait.ge [sflag:s4], $0x0  }
0x19: {  	s7 =	sld [smem:$0x3F99]  }
0x1a: {  	s8 =	sadd.s32 $0xFFFFE003, lr  }
0x1b: {  	s9 =	sadd.s32 $0xFFFFFEF7, lr;
	s5 =	simm.s32 $0xFFFFFFFF;
	p2 =	slt.u32 s8, $0xFFFFF086  }
0x1c: {  	p1 =	slt.u32 s9, $0xF7A;
	s5 =	simm.s32 @!p2 $0x0  }
0x1d: {  	s5 =	simm.s32 @p1 $0x1;
	p0 =	seq.s32 s7, s2  }
0x1e: {  	s7 =	smul.u32 @!p0 $0xF7A, s2;
	p2 =	seq.s32 @!p0 s5, $0x0  }
0x1f: {  	s9 =	smul.u32 $0xF7A, s1;
	s8 =	simm.s32 @!p0 $0x1BF5;
	p2 =	por !p2, p0  }
0x20: {  	[sflag:s8] =	ssyncset.s32 @!p0 $0xFFFFF086;
	s6 =	sadd.s32 @!p0 s3, s7;
	s7 =	simm.s32 @!p0 $0x108  }
0x21: {  	s3 =	sadd.s32 s3, s9;
	s6 =	sadd.s32 @!p0 $0x88, s6;
	s7 =	simm.s32 @p2 $0x1082  }
0x22: {  	[simem:s7], [sflag:s8] =	dma.local @!p0 [hbm:s6], $0xF7A  }
0x23: {  	s9 =	sor.u32 $0xD0000000, s2;
	s6 =	simm.s32 $0x108;
	_ =	swait.ge @!p0 [sflag:s8], $0x0  }
0x24: {  	s3 =	sadd.s32 $0x88, s3;
	s6 =	simm.s32 @!p1 $0x1082;
	[sflag:s4] =	ssyncset.s32 $0xFFFFF086  }
0x25: {  	[simem:s6], [sflag:s4] =	dma.local [hbm:s3], $0xF7A  }
0x26: {  	[smem:$0x3F99] =	sst s1;
	(tag) =	ssettag s2;
	_ =	strace s9  }
0x27: {  	s1 =	sld [smem:$0x3FA9]  }
0x28: {  	s2 =	sld [smem:$0x3FAA]  }
0x29: {  	s4 =	sld [smem:$0x3FAC]  }
0x2a: {  	p0 =	seq.s32 s5, $0x0;
	s5 =	sld [smem:$0x3FAD]  }
0x2b: {  	s6 =	sld [smem:$0x3FAE]  }
0x2c: {  	s7 =	sld [smem:$0x3FAF]  }
0x2d: {  	s3 =	simm.s32 $0x108;
	s8 =	sld [smem:$0x3FB0]  }
0x2e: {  	s3 =	simm.s32 @!p0 $0x1082;
	s9 =	sld [smem:$0x3FB1]  }
0x2f: {  	lr =	sadd.s32 s0, s3;
	s0 =	sld [smem:$0x3FA8]  }
0x30: {  	s3 =	sld [smem:$0x3FAB]  }
0x31: {  	[smem:$0x3FB4] =	sst s10  }
0x32: {  	s10 =	sld [smem:$0x3FB2];
	_ =	sdelay $0x3  }
0x33: {  	p0 =	seq.s32 s10, $0x1;
	s10 =	sld [smem:$0x3FB4];
	_ =	sdelay $0x3  }
0x34: {  	[smem:$0x3FB4] =	sst s10  }
0x35: {  	s10 =	sld [smem:$0x3FB3];
	_ =	sdelay $0x3  }
0x36: {  	p1 =	seq.s32 s10, $0x1;
	s10 =	sld [smem:$0x3FB4];
	_ =	sdelay $0x3  }
0x37: {  	[smem:$0x3FB4] =	sst s10  }
0x38: {  	s10 =	sld [smem:$0x3FB5]  }
0x39: {  	_ = 	snop;
	(pc) =	sbr.ind lr, $3  }
0x3a: {  	_ = 	snop  }
0x3b: {  	_ = 	snop  }
0x3c: {  	p2 =	seq.s32 s10, $0x1;
	s10 =	sld [smem:$0x3FB4]  }
0x3d: {  	_ =	shalt  }
0x3e: {  	_ =	shalt  }
0x3f: {  	_ =	shalt  }
0x40: {  	_ =	shalt  }
0x41: {  	_ =	shalt  }
0x42: {  	_ =	shalt  }
0x43: {  	_ =	shalt  }
0x44: {  	_ =	shalt  }
0x45: {  	_ =	shalt  }
0x46: {  	_ =	shalt  }
0x47: {  	_ =	shalt  }
0x48: {  	_ =	shalt  }
0x49: {  	_ =	shalt  }
0x4a: {  	_ =	shalt  }
0x4b: {  	_ =	shalt  }
0x4c: {  	_ =	shalt  }
0x4d: {  	_ =	shalt  }
0x4e: {  	_ =	shalt  }
0x4f: {  	_ =	shalt  }
0x50: {  	_ =	shalt  }
0x51: {  	_ =	shalt  }
0x52: {  	_ =	shalt  }
0x53: {  	_ =	shalt  }
0x54: {  	_ =	shalt  }
0x55: {  	_ =	shalt  }
0x56: {  	_ =	shalt  }
0x57: {  	_ =	shalt  }
0x58: {  	_ =	shalt  }
0x59: {  	_ =	shalt  }
0x5a: {  	_ =	shalt  }
0x5b: {  	_ =	shalt  }
0x5c: {  	_ =	shalt  }
0x5d: {  	_ =	shalt  }
0x5e: {  	_ =	shalt  }
0x5f: {  	_ =	shalt  }
0x60: {  	_ =	shalt  }
0x61: {  	_ =	shalt  }
0x62: {  	_ =	shalt  }
0x63: {  	_ =	shalt  }
0x64: {  	_ =	shalt  }
0x65: {  	_ =	shalt  }
0x66: {  	_ =	shalt  }
0x67: {  	_ =	shalt  }
0x68: {  	_ =	shalt  }
0x69: {  	_ =	shalt  }
0x6a: {  	_ =	shalt  }
0x6b: {  	_ =	shalt  }
0x6c: {  	_ =	shalt  }
0x6d: {  	_ =	shalt  }
0x6e: {  	_ =	shalt  }
0x6f: {  	_ =	shalt  }
0x70: {  	_ =	shalt  }
0x71: {  	_ =	shalt  }
0x72: {  	_ =	shalt  }
0x73: {  	_ =	shalt  }
0x74: {  	_ =	shalt  }
0x75: {  	_ =	shalt  }
0x76: {  	_ =	shalt  }
0x77: {  	_ =	shalt  }
0x78: {  	_ =	shalt  }
0x79: {  	_ =	shalt  }
0x7a: {  	_ =	shalt  }
0x7b: {  	_ =	shalt  }
0x7c: {  	_ =	shalt  }
0x7d: {  	_ =	shalt  }
0x7e: {  	_ =	shalt  }
0x7f: {  	_ =	shalt  }
0x80: {  	_ =	shalt  }
0x81: {  	_ =	shalt  }
0x82: {  	_ =	shalt  }
0x83: {  	_ =	shalt  }
0x84: {  	_ =	shalt  }
0x85: {  	_ =	shalt  }
0x86: {  	_ =	shalt  }
0x87: {  	_ =	shalt  }
.Lfunc_end0:
.L_simem_size_0:
called_computation.1_lowered:
.L_overlay_start_0:
0x88: {  	s2 =	sld [smem:$0x3FD9]  }
0x89: {  	s3 =	sld [smem:$0x3FFE];
	_ =	sdelay $0x1  }
0x8a: {  	s1 =	srdreg.scid  }
0x8b: {  	s0 =	sand.u32 $0x1, s1  }
0x8c: {  	s17 =	sshll.u32 s0, $0xA;
	s2 =	sadd.s32 s3, s2  }
0x8d: {  	s2 =	sadd.s32 s2, s17  }
0x8e: {  	[smem:$0x3FC0] =	sst s2  }
0x8f: {  	_ = 	snop  }
0x90: {  	s2 =	sld [smem:$0x3FD0];
	(tm) =	ssettm $0x1  }
0x91: {  	s18 =	sld [smem:$0x3FFB];
	_ =	sdelay $0x3  }
0x92: {  	_ =	strace s18  }
0x93: {  	s3 =	sld [smem:$0x3FFC];
	_ =	sdelay $0x3  }
0x94: {  	_ =	strace s3  }
0x95: {  	s3 =	sld [smem:$0x3FFD];
	_ =	sdelay $0x3  }
0x96: {  	_ =	strace s3  }
0x97: {  	_ =	strace $0x8FFFFFFF  }
0x98: {  	s19 =	sld [smem:$0x3FDB];
	_ =	sdelay $0x1  }
0x99: {  	s4 =	simm.s32 $_scs_section_size  }
0x9a: {  	s5 =	simm.s32 $_size__tile_overlayer_lowered;
	s6 =	simm.s32 $_tile_overlayer_lowered  }
0x9b: {  	s22 =	simm.s32 $0x1BFF;
	s21 =	sshll.u32 s6, $0x1;
	s3 =	sadd.s32 s4, s19  }
0x9c: {  	s7 =	simm.s32 $0x0;
	s20 =	sshll.u32 s5, $0x1;
	s5 =	sadd.s32 s21, s3  }
0x9d: {  	[timem:s7], [sflag:s22] =	dma.local [hbm:s5], s20  }
0x9e: {  	_ =	swait.ge [sflag:s22], s20  }
0x9f: {  	s4 =	ssub.s32 $0x0, s20;
	[sflag:s22] =	ssyncset.done $0x0  }
0xa0: {  	[sflag:s22] =	ssyncadd.s32 s4;
	_ =	sdelay $0x1  }
0xa1: {  	s23 =	simm.s32 $0x1B8B  }
0xa2: {  	_ =	swait.ge [sflag:s23], $0x1  }
0xa3: {  	[sflag:s23] =	ssyncset.done $0x0  }
0xa4: {  	s25 =	simm.s32 $0x1B8E;
	s24 =	sld [smem:$0x3FFE];
	[sflag:s23] =	ssyncadd.s32 $0xFFFFFFFF  }
0xa5: {  	s26 =	simm.s32 $execute0_lowered;
	[smem:$0x3FD2] =	sst s25  }
0xa6: {  	s5 =	sshll.u32 s26, $0x1;
	_ =	strace $0x80000049;
	[dreg:$0x1] =	wrdreg $0xFFFFFFFF  }
0xa7: {  	s28 =	simm.s32 $_size_execute0_lowered;
	s3 =	sadd.s32 s3, s5;
	[dreg:$0x0] =	wrdreg $0x0  }
0xa8: {  	s5 =	sshll.u32 s28, $0x1;
	[dreg:$0x2] =	wrdreg s3  }
0xa9: {  	[dreg:$0x3] =	wrdreg s5  }
0xaa: {  	[dreg:$0x4] =	wrdreg $0xC0  }
0xab: {  	_ =	task [dreg:s7], $0x5FFFF  }
0xac: {  	[dreg:$0x1] =	wrdreg $0xFFFFFFFF  }
0xad: {  	[dreg:$0x0] =	wrdreg $0x60  }
0xae: {  	[dreg:$0x2] =	wrdreg s2  }
0xaf: {  	[dreg:$0x3] =	wrdreg s24  }
0xb0: {  	[dreg:$0x4] =	wrdreg $0x116400  }
0xb1: {  	[dreg:$0x5] =	wrdreg $0x9  }
0xb2: {  	_ =	task.clear_ibuf [dreg:s7], $0x6FFFF;
	_ =	strace $0x90000049  }
0xb3: {  	s29 =	simm.s32 $0x9;
	_ =	strace $0x8000004B  }
0xb4: {  	_ =	swait.ge [sflag:s29], $0x1  }
0xb5: {  	[sflag:s29] =	ssyncadd.s32 $0xFFFFFFFF  }
0xb6: {  	_ =	strace $0x9000004B  }
0xb7: {  	_ =	sfence  }
0xb8: {  	s30 =	sld [smem:$0x0];
	_ =	sdelay $0x2  }
0xb9: {  	s31 =	sshll.u32 s1, $0xD;
	s1 =	sshrl.u32 s1, $0x2  }
0xba: {  	s3 =	sand.u32 $0x4000, s31;
	s1 =	sadd.s32 s1, s30  }
0xbb: {  	s0 =	sor.u32 s3, s0;
	s1 =	sshll.u32 s1, $0x11  }
0xbc: {  	s0 =	sor.u32 s1, s0  }
0xbd: {  	s0 =	sadd.s32 $0x8F2B, s0  }
0xbe: {  	[sflag:s0] =	ssyncadd.remote.s32 $0x1  }
0xbf: {  	_ =	sfence.sel $0xFFFF  }
0xc0: {  	[dreg:$0x0] =	wrdreg $0xFFFFFFFF;
	(pc) =	sbr.abs _section_cstart, $3  }
0xc1: {  	[dreg:$0x1] =	wrdreg $0xFFFFFFFF  }
0xc2: {  	_ =	task.clear_ibuf [dreg:s7], $0x2FFFF;
	_ =	strace $0x9FFFFFFF  }
0xc3: {  	(tm) =	ssettm $0x7FFFFFFF  }
tec
execute0_lowered:
.L_overlay_start_1:
0x0: {  	(tag) =	ssettag $0x1  }
0x1: {  	s0 =	rddreg [dreg:$0x0]  }
0x2: {  	s1 =	rddreg [dreg:$0x1]  }
0x3: {  	s2 =	rddreg [dreg:$0x2];
	s23 =	stileid.u32  }
0x4: {  	s3 =	simm.s32 $0x0;
	s5 =	srdreg.scid;
	s17 =	simm.s32 $0xFC40  }
0x5: {  	s18 =	simm.s32 $0x7;
	s19 =	simm.s32 $0x4E20;
	s20 =	simm.s32 $0x80  }
0x6: {  	s21 =	simm.s32 $0x9C40;
	s22 =	simm.s32 $0xBC40;
	s28 =	simm.s32 $0x2  }
0x7: {  	s29 =	simm.s32 $0x4;
	s31 =	simm.s32 $0x6;
	s4 =	smul.u32 $0x4E20, s23  }
0x8: {  	[smem:$0x7FF] =	sst s3;
	s5 =	sand.u32 $0x1, s5;
	s6 =	smul.u32 $0x27000, s23  }
0x9: {  	s13 =	smul.u32 $0x9C00, s23;
	s10 =	sadd.s32 $0x9C000, s2;
	p0 =	sne.s32 s23, $0xF  }
0xa: {  	p1 =	seq.s32 s23, $0xF;
	s23 =	simm.s32 $0x1;
	_ =	strace $0x8000004A  }
0xb: {  	s24 =	ssub.s32 $0x2, s5;
	s5 =	smul.u32 $0x9C400, s5;
	s4 =	sshrl.u32 s4, $0x3  }
0xc: {  	s7 =	sshrl.u32 s24, $0x1;
	s6 =	sshrl.u32 s6, $0x2;
	s12 =	sadd.s32 s4, s1  }
0xd: {  	s1 =	sadd.s32 $0xBCC00, s1;
	s16 =	ssub.s32 s24, s7;
	s9 =	sadd.s32 s6, s2  }
0xe: {  	s4 =	sadd.s32 s13, s2;
	s14 =	sshrl.u32 s5, $0x3;
	s5 =	sadd.s32 s13, s5  }
0xf: {  	s24 =	simm.s32 $0x5;
	s6 =	sadd.s32 $0x1A00, s9;
	s25 =	sadd.s32 $0x3400, s9  }
0x10: {  	s7 =	sadd.s32 $0x4E00, s9;
	s8 =	sadd.s32 $0x6800, s9;
	s9 =	sadd.s32 $0x8200, s9  }
0x11: {  	s11 =	sadd.s32 $0x3000, s12;
	s12 =	sadd.s32 $0xCC40, s12;
	s13 =	sadd.s32 s0, s14  }
0x12: {  	s26 =	sshrl.u32 s5, $0x3;
	s30 =	sadd.s32 s1, s14;
	[dreg:$0x4] =	wrdreg s6  }
0x13: {  	s0 =	sadd.s32 $0x92400, s2;
	s16 =	smax.u32 s16, $0x1;
	[dreg:$0x5] =	wrdreg s25  }
0x14: {  	s14 =	sadd.s32 s1, s26;
	s15 =	sadd.s32 $0x12480, s30;
	s25 =	sshrl.u32 @p1 s0, $0x3  }
0x15: {  	v0 =	vimm.f32 $0.0e+00;
	s26 =	simm.s32 $0xDC40;
	s0 =	simm.s32 $0x3;
	s1 =	simm.s32 $0x20  }
.LBB2_1:
0x16: {  	s5 =	simm.s32 $0x100;
	s30 =	simm.s32 $0x0  }
.LBB2_2:
0x17: {  	p2 =	sne.s32 s5, $0x6700;
	[tilespmem:s30+$0xFC70] =	vst v0;
	s6 =	smov.u32 s5;
	s5 =	sadd.s32 $0x100, s5  }
.Ltmp0:
0x18: {  	[tilespmem:s30+$0xFC60] =	vst v0;
	(pc) =	sbr.rel @p2 .LBB2_2-.Ltmp0, $3  }
0x19: {  	[tilespmem:s30+$0xFC40] =	vst v0  }
0x1a: {  	[tilespmem:s30+$0xFC50] =	vst v0;
	_ =	sdelay $0x1  }
0x1b: {  	s30 =	sshra.s32 s6, $0x2  }
0x1c: {  	[tilespmem:s30+$0xFC70] =	vst v0  }
0x1d: {  	[tilespmem:s30+$0xFC60] =	vst v0  }
0x1e: {  	[tilespmem:s30+$0xFC40] =	vst v0  }
0x1f: {  	[tilespmem:s30+$0xFC50] =	vst v0  }
0x20: {  	[spmem:s4] =	stream.linear.scatter [tilespmem:s17], [sflag:$0x7], $0x1A00, $0x38;
	[tilespmem:$0x1B280] =	vst v63  }
0x21: {  	_ =	swait.ge [sflag:s18], $0x1A00  }
0x22: {  	[sflag:s18] =	ssyncset.done $0x0  }
0x23: {  	s5 =	rddreg [dreg:$0x4];
	[sflag:s18] =	ssyncadd.s32 $0xFFFFE600  }
0x24: {  	[spmem:s5] =	stream.linear.scatter [tilespmem:s17], [sflag:$0x7], $0x1A00, $0x38;
	[tilespmem:$0x1B280] =	vst v63  }
0x25: {  	_ =	swait.ge [sflag:s18], $0x1A00  }
0x26: {  	[sflag:s18] =	ssyncset.done $0x0  }
0x27: {  	s6 =	rddreg [dreg:$0x5];
	[sflag:s18] =	ssyncadd.s32 $0xFFFFE600  }
0x28: {  	[spmem:s6] =	stream.linear.scatter [tilespmem:s17], [sflag:$0x7], $0x1A00, $0x38;
	[tilespmem:$0x1B280] =	vst v63  }
0x29: {  	_ =	swait.ge [sflag:s18], $0x1A00  }
0x2a: {  	[sflag:s18] =	ssyncset.done $0x0  }
0x2b: {  	[sflag:s18] =	ssyncadd.s32 $0xFFFFE600  }
0x2c: {  	[spmem:s7] =	stream.linear.scatter [tilespmem:s17], [sflag:$0x7], $0x1A00, $0x38;
	[tilespmem:$0x1B280] =	vst v63  }
0x2d: {  	_ =	swait.ge [sflag:s18], $0x1A00  }
0x2e: {  	[sflag:s18] =	ssyncset.done $0x0  }
0x2f: {  	[sflag:s18] =	ssyncadd.s32 $0xFFFFE600  }
0x30: {  	[spmem:s8] =	stream.linear.scatter [tilespmem:s17], [sflag:$0x7], $0x1A00, $0x38;
	[tilespmem:$0x1B280] =	vst v63  }
0x31: {  	_ =	swait.ge [sflag:s18], $0x1A00  }
0x32: {  	[sflag:s18] =	ssyncset.done $0x0  }
0x33: {  	[sflag:s18] =	ssyncadd.s32 $0xFFFFE600  }
0x34: {  	[spmem:s9] =	stream.linear.scatter [tilespmem:s17], [sflag:$0x7], $0x1A00, $0x38;
	[tilespmem:$0x1B280] =	vst v63  }
0x35: {  	_ =	swait.ge [sflag:s18], $0x1A00  }
0x36: {  	[sflag:s18] =	ssyncset.done $0x0  }
0x37: {  	s5 =	simm.s32 @!p0 $0xFC40;
	[sflag:s18] =	ssyncadd.s32 $0xFFFFE600  }
0x38: {  	[spmem:s10] =	stream.linear.scatter @!p0 [tilespmem:s5], [sflag:$0x7], $0x400, $0x38;
	[tilespmem:$0x1B280] =	vst v63  }
0x39: {  	s5 =	simm.s32 @!p0 $0x7  }
0x3a: {  	_ =	swait.ge @!p0 [sflag:s5], $0x400  }
0x3b: {  	[sflag:s5] =	ssyncset.done @!p0 $0x0  }
0x3c: {  	s6 =	simm.s32 $0x0;
	[sflag:s5] =	ssyncadd.s32 @!p0 $0xFFFFFC00  }
0x3d: {  	[tilespmem:s6], [sflag:$0x7] =	stream.linear.gather [hbm4b:s11+s6], $0x4E20, $0x38;
	[tilespmem:$0x1B280] =	vst v63  }
0x3e: {  	_ =	swait.ge [sflag:s18], $0x4E20  }
0x3f: {  	[sflag:s18] =	ssyncset.done $0x0  }
0x40: {  	[sflag:s18] =	ssyncadd.s32 $0xFFFFB1E0  }
0x41: {  	[tilespmem:s19], [sflag:$0x7] =	stream.linear.gather [hbm4b:s12+s6], $0x4E20, $0x38;
	[tilespmem:$0x1B280] =	vst v63  }
0x42: {  	_ =	swait.ge [sflag:s18], $0x4E20  }
0x43: {  	[sflag:s18] =	ssyncset.done $0x0  }
0x44: {  	[sflag:s18] =	ssyncadd.s32 $0xFFFFB1E0  }
0x45: {  	[bflag:$0x0] =	sbarrier.arrive $0xFFFF  }
0x46: {  	[tilespmem:s21], [sflag:$0x1] =	stream.indirect.gather [hbm4b:s13+s20], $0x40, s6, s20, $0xb8;
	[tilespmem:$0x1B280] =	vst v63  }
0x47: {  	_ = 	snop  }
0x48: {  	[tilespmem:s22], [sflag:$0x2] =	stream.indirect.gather [hbm4b:s13+s20], $0x40, s20, s20, $0xb8;
	[tilespmem:$0x1B280] =	vst v63  }
0x49: {  	_ =	swait.ge [sflag:s23], $0x2000  }
0x4a: {  	[sflag:s23] =	ssyncset.done $0x0  }
0x4b: {  	s6 =	simm.s32 $0x100;
	[sflag:s23] =	ssyncadd.s32 $0xFFFFE000  }
0x4c: {  	[tilespmem:s26], [sflag:$0x3] =	stream.indirect.gather [hbm4b:s13+s20], $0x40, s6, s20, $0xb8;
	[tilespmem:$0x1B280] =	vst v63  }
0x4d: {  	_ = 	snop  }
0x4e: {  	[spmem:s2] =	stream.indirect.scatter.add.f32 [tilespmem:s21], [sflag:$0x4], $0x40, s19, s20, $0xb8;
	[tilespmem:$0x1B280] =	vst v63  }
0x4f: {  	_ =	swait.ge [sflag:s28], $0x2000  }
0x50: {  	[sflag:s28] =	ssyncset.done $0x0  }
0x51: {  	[sflag:s28] =	ssyncadd.s32 $0xFFFFE000  }
0x52: {  	_ =	swait.ge [sflag:s29], $0x2000  }
0x53: {  	[sflag:s29] =	ssyncset.done $0x0  }
0x54: {  	s6 =	simm.s32 $0x180;
	[sflag:s29] =	ssyncadd.s32 $0xFFFFE000  }
0x55: {  	[tilespmem:s21], [sflag:$0x1] =	stream.indirect.gather [hbm4b:s13+s20], $0x40, s6, s20, $0xb8;
	[tilespmem:$0x1B280] =	vst v63  }
0x56: {  	s6 =	simm.s32 $0x4EA0  }
0x57: {  	[spmem:s2] =	stream.indirect.scatter.add.f32 [tilespmem:s22], [sflag:$0x5], $0x40, s6, s20, $0xb8;
	[tilespmem:$0x1B280] =	vst v63  }
0x58: {  	_ =	swait.ge [sflag:s0], $0x2000  }
0x59: {  	[sflag:s0] =	ssyncset.done $0x0  }
0x5a: {  	[sflag:s0] =	ssyncadd.s32 $0xFFFFE000  }
0x5b: {  	_ =	swait.ge [sflag:s24], $0x2000  }
0x5c: {  	[sflag:s24] =	ssyncset.done $0x0  }
0x5d: {  	s6 =	simm.s32 $0x200;
	[sflag:s24] =	ssyncadd.s32 $0xFFFFE000  }
0x5e: {  	[tilespmem:s22], [sflag:$0x2] =	stream.indirect.gather [hbm4b:s13+s20], $0x40, s6, s20, $0xb8;
	[tilespmem:$0x1B280] =	vst v63  }
0x5f: {  	s6 =	simm.s32 $0x4F20  }
0x60: {  	[spmem:s2] =	stream.indirect.scatter.add.f32 [tilespmem:s26], [sflag:$0x6], $0x40, s6, s20, $0xb8;
	[tilespmem:$0x1B280] =	vst v63  }
0x61: {  	_ =	swait.ge [sflag:s23], $0x2000  }
0x62: {  	[sflag:s23] =	ssyncset.done $0x0  }
0x63: {  	[sflag:s23] =	ssyncadd.s32 $0xFFFFE000  }
0x64: {  	_ =	swait.ge [sflag:s31], $0x2000  }
0x65: {  	[sflag:s31] =	ssyncset.done $0x0  }
0x66: {  	s6 =	simm.s32 $0x280;
	[sflag:s31] =	ssyncadd.s32 $0xFFFFE000  }
0x67: {  	[tilespmem:s26], [sflag:$0x3] =	stream.indirect.gather [hbm4b:s13+s20], $0x40, s6, s20, $0xb8;
	[tilespmem:$0x1B280] =	vst v63  }
0x68: {  	s6 =	simm.s32 $0x4FA0  }
0x69: {  	[spmem:s2] =	stream.indirect.scatter.add.f32 [tilespmem:s21], [sflag:$0x4], $0x40, s6, s20, $0xb8;
	[tilespmem:$0x1B280] =	vst v63  }
0x6a: {  	_ =	swait.ge [sflag:s28], $0x2000  }
0x6b: {  	[sflag:s28] =	ssyncset.done $0x0  }
0x6c: {  	[sflag:s28] =	ssyncadd.s32 $0xFFFFE000  }
0x6d: {  	_ =	swait.ge [sflag:s29], $0x2000  }
0x6e: {  	[sflag:s29] =	ssyncset.done $0x0  }
0x6f: {  	s6 =	simm.s32 $0x300;
	[sflag:s29] =	ssyncadd.s32 $0xFFFFE000  }
0x70: {  	[tilespmem:s21], [sflag:$0x1] =	stream.indirect.gather [hbm4b:s13+s20], $0x40, s6, s20, $0xb8;
	[tilespmem:$0x1B280] =	vst v63  }
0x71: {  	s6 =	simm.s32 $0x5020  }
0x72: {  	[spmem:s2] =	stream.indirect.scatter.add.f32 [tilespmem:s22], [sflag:$0x5], $0x40, s6, s20, $0xb8;
	[tilespmem:$0x1B280] =	vst v63  }
0x73: {  	_ =	swait.ge [sflag:s0], $0x2000  }
0x74: {  	[sflag:s0] =	ssyncset.done $0x0  }
0x75: {  	[sflag:s0] =	ssyncadd.s32 $0xFFFFE000  }
0x76: {  	_ =	swait.ge [sflag:s24], $0x2000  }
0x77: {  	[sflag:s24] =	ssyncset.done $0x0  }
0x78: {  	s6 =	simm.s32 $0x380;
	[sflag:s24] =	ssyncadd.s32 $0xFFFFE000  }
0x79: {  	[tilespmem:s22], [sflag:$0x2] =	stream.indirect.gather [hbm4b:s13+s20], $0x40, s6, s20, $0xb8;
	[tilespmem:$0x1B280] =	vst v63  }
0x7a: {  	s6 =	simm.s32 $0x50A0  }
0x7b: {  	[spmem:s2] =	stream.indirect.scatter.add.f32 [tilespmem:s26], [sflag:$0x6], $0x40, s6, s20, $0xb8;
	[tilespmem:$0x1B280] =	vst v63  }
0x7c: {  	_ =	swait.ge [sflag:s23], $0x2000  }
0x7d: {  	[sflag:s23] =	ssyncset.done $0x0  }
0x7e: {  	[sflag:s23] =	ssyncadd.s32 $0xFFFFE000  }
0x7f: {  	_ =	swait.ge [sflag:s31], $0x2000  }
0x80: {  	[sflag:s31] =	ssyncset.done $0x0  }
0x81: {  	s6 =	simm.s32 $0x400;
	[sflag:s31] =	ssyncadd.s32 $0xFFFFE000  }
0x82: {  	[tilespmem:s26], [sflag:$0x3] =	stream.indirect.gather [hbm4b:s13+s20], $0x40, s6, s20, $0xb8;
	[tilespmem:$0x1B280] =	vst v63  }
0x83: {  	s6 =	simm.s32 $0x5120  }
0x84: {  	[spmem:s2] =	stream.indirect.scatter.add.f32 [tilespmem:s21], [sflag:$0x4], $0x40, s6, s20, $0xb8;
	[tilespmem:$0x1B280] =	vst v63  }
0x85: {  	_ =	swait.ge [sflag:s28], $0x2000  }
0x86: {  	s30 =	simm.s32 $0x600;
	[sflag:s28] =	ssyncset.done $0x0  }
.LBB2_4:
0x87: {  	[sflag:s28] =	ssyncadd.s32 $0xFFFFE000;
	s5 =	smov.u32 s30;
	s30 =	sadd.s32 $0x600, s30  }
0x88: {  	p2 =	sne.s32 s30, $0x12C00  }
0x89: {  	_ =	swait.ge [sflag:s29], $0x2000  }
0x8a: {  	s5 =	sshra.s32 s5, $0x2;
	[sflag:s29] =	ssyncset.done $0x0  }
0x8b: {  	s6 =	sadd.s32 $0x300, s5;
	[sflag:s29] =	ssyncadd.s32 $0xFFFFE000  }
0x8c: {  	[tilespmem:s21], [sflag:$0x1] =	stream.indirect.gather [hbm4b:s13+s20], $0x40, s6, s20, $0xb8;
	[tilespmem:$0x1B280] =	vst v63  }
0x8d: {  	s6 =	sadd.s32 $0x5020, s5  }
0x8e: {  	[spmem:s2] =	stream.indirect.scatter.add.f32 [tilespmem:s22], [sflag:$0x5], $0x40, s6, s20, $0xb8;
	[tilespmem:$0x1B280] =	vst v63  }
0x8f: {  	_ =	swait.ge [sflag:s0], $0x2000  }
0x90: {  	[sflag:s0] =	ssyncset.done $0x0  }
0x91: {  	[sflag:s0] =	ssyncadd.s32 $0xFFFFE000  }
0x92: {  	_ =	swait.ge [sflag:s24], $0x2000  }
0x93: {  	[sflag:s24] =	ssyncset.done $0x0  }
0x94: {  	s6 =	sadd.s32 $0x380, s5;
	[sflag:s24] =	ssyncadd.s32 $0xFFFFE000  }
0x95: {  	[tilespmem:s22], [sflag:$0x2] =	stream.indirect.gather [hbm4b:s13+s20], $0x40, s6, s20, $0xb8;
	[tilespmem:$0x1B280] =	vst v63  }
0x96: {  	s6 =	sadd.s32 $0x50A0, s5  }
0x97: {  	[spmem:s2] =	stream.indirect.scatter.add.f32 [tilespmem:s26], [sflag:$0x6], $0x40, s6, s20, $0xb8;
	[tilespmem:$0x1B280] =	vst v63  }
0x98: {  	_ =	swait.ge [sflag:s23], $0x2000  }
0x99: {  	[sflag:s23] =	ssyncset.done $0x0  }
0x9a: {  	[sflag:s23] =	ssyncadd.s32 $0xFFFFE000  }
0x9b: {  	_ =	swait.ge [sflag:s31], $0x2000  }
0x9c: {  	[sflag:s31] =	ssyncset.done $0x0  }
0x9d: {  	s6 =	sadd.s32 $0x400, s5;
	[sflag:s31] =	ssyncadd.s32 $0xFFFFE000  }
0x9e: {  	[tilespmem:s26], [sflag:$0x3] =	stream.indirect.gather [hbm4b:s13+s20], $0x40, s6, s20, $0xb8;
	[tilespmem:$0x1B280] =	vst v63  }
.Ltmp1:
0x9f: {  	_ = 	snop;
	(pc) =	sbr.rel @p2 .LBB2_4-.Ltmp1, $4  }
0xa0: {  	s5 =	sadd.s32 $0x5120, s5  }
0xa1: {  	[spmem:s2] =	stream.indirect.scatter.add.f32 [tilespmem:s21], [sflag:$0x4], $0x40, s5, s20, $0xb8;
	[tilespmem:$0x1B280] =	vst v63  }
0xa2: {  	_ =	swait.ge [sflag:s28], $0x2000  }
0xa3: {  	[sflag:s28] =	ssyncset.done $0x0  }
0xa4: {  	s5 =	sshra.s32 s30, $0x2  }
0xa5: {  	[sflag:s28] =	ssyncadd.s32 $0xFFFFE000;
	s6 =	sadd.s32 $0x5020, s5  }
0xa6: {  	[spmem:s2] =	stream.indirect.scatter.add.f32 [tilespmem:s22], [sflag:$0x5], $0x40, s6, s20, $0xb8;
	[tilespmem:$0x1B280] =	vst v63  }
0xa7: {  	_ =	swait.ge [sflag:s0], $0x2000  }
0xa8: {  	[sflag:s0] =	ssyncset.done $0x0  }
0xa9: {  	s5 =	sadd.s32 $0x50A0, s5;
	[sflag:s0] =	ssyncadd.s32 $0xFFFFE000  }
0xaa: {  	[spmem:s2] =	stream.indirect.scatter.add.f32 [tilespmem:s26], [sflag:$0x6], $0x40, s5, s20, $0xb8;
	[tilespmem:$0x1B280] =	vst v63  }
0xab: {  	_ =	swait.ge [sflag:s29], $0x2000  }
0xac: {  	[sflag:s29] =	ssyncset.done $0x0  }
0xad: {  	s6 =	simm.s32 $0x4E00;
	[sflag:s29] =	ssyncadd.s32 $0xFFFFE000  }
0xae: {  	[tilespmem:s21], [sflag:$0x1] =	stream.indirect.gather [hbm4b:s13+s1], $0x40, s6, s1, $0xb8;
	[tilespmem:$0x1B280] =	vst v63  }
0xaf: {  	_ =	swait.ge [sflag:s23], $0x800  }
0xb0: {  	[sflag:s23] =	ssyncset.done $0x0  }
0xb1: {  	s30 =	simm.s32 $0x9C20;
	[sflag:s23] =	ssyncadd.s32 $0xFFFFF800  }
0xb2: {  	[spmem:s2] =	stream.indirect.scatter.add.f32 [tilespmem:s21], [sflag:$0x4], $0x40, s30, s1, $0xb8;
	[tilespmem:$0x1B280] =	vst v63  }
0xb3: {  	_ =	swait.ge [sflag:s29], $0x800  }
0xb4: {  	[sflag:s29] =	ssyncset.done $0x0  }
0xb5: {  	[sflag:s29] =	ssyncadd.s32 $0xFFFFF800  }
0xb6: {  	_ =	swait.ge [sflag:s24], $0x2000  }
0xb7: {  	[sflag:s24] =	ssyncset.done $0x0  }
0xb8: {  	[sflag:s24] =	ssyncadd.s32 $0xFFFFE000  }
0xb9: {  	_ =	swait.ge [sflag:s31], $0x2000  }
0xba: {  	[sflag:s31] =	ssyncset.done $0x0  }
0xbb: {  	[sflag:s31] =	ssyncadd.s32 $0xFFFFE000  }
0xbc: {  	s5 =	simm.s32 @p1 $0x1FC7;
	[bflag:$0x0] =	sbarrier.arrive $0xFFFF  }
0xbd: {  	[hbm:s15], [sflag:s5] =	dma.local @p1 [spmem:s25], $0x1400  }
0xbe: {  	s5 =	simm.s32 @p1 $0x7  }
0xbf: {  	s3 =	sadd.s32 $0x1, s3;
	s6 =	stileid.u32;
	_ =	swait.ge @p1 [sflag:s5], $0x1400  }
0xc0: {  	p2 =	sne.s32 s3, s16;
	s6 =	sshll.u32 @!p1 s6, $0x6;
	[sflag:s5] =	ssyncset.done @p1 $0x0  }
0xc1: {  	[sflag:s5] =	ssyncadd.s32 @p1 $0xFFFFEC00;
	s5 =	sor.u32 @!p1 $0x1C07, s6;
	s6 =	sshrl.u32 @!p1 s4, $0x3  }
0xc2: {  	[hbm:s14], [sflag:s5] =	dma.local @!p1 [spmem:s6], $0x1380  }
.Ltmp2:
0xc3: {  	_ = 	snop;
	(pc) =	sbr.rel @p2 .LBB2_1-.Ltmp2, $4  }
0xc4: {  	s5 =	simm.s32 @!p1 $0x7  }
0xc5: {  	_ =	swait.ge @!p1 [sflag:s5], $0x1380  }
0xc6: {  	[sflag:s5] =	ssyncset.done @!p1 $0x0  }
0xc7: {  	[sflag:s5] =	ssyncadd.s32 @!p1 $0xFFFFEC80  }
0xc8: {  	_ =	sfence.sel $0x180000  }
0xc9: {  	[bflag:$0x0] =	sbarrier.arrive $0xFFFF  }
0xca: {  	_ =	strace $0x9000004A  }
0xcb: {  	s0 =	stileid.u32;
	[bflag:$0x2] =	sbarrier.arrive $0xFFFF  }
0xcc: {  	p0 =	sne.s32 s0, $0x0;
	s0 =	rddreg [dreg:$0x3]  }
0xcd: {  	s0 =	sadd.s32 @!p0 $0x100000, s0  }
0xce: {  	[sflag:s0] =	ssyncadd.tile.s32 @!p0 $0x1;
	_ =	shalt  }
.Lfunc_end2:
_tile_overlayer_lowered:
.L_overlay_start_2:
0xcf: {  	(tag) =	ssettag $0x2  }
0xd0: {  	s0 =	rddreg [dreg:$0x0];
	s2 =	stileid.u32  }
0xd1: {  	s1 =	rddreg [dreg:$0x1];
	p0 =	sne.s32 s2, $0x0  }
0xd2: {  	s3 =	rddreg [dreg:$0x2];
	[bflag:$0x3] =	sbarrier.arrive $0xFFFF;
	s2 =	simm.s32 @!p0 $0x1C07  }
0xd3: {  	[timem:s3], [sflag:s2] =	dma.local @!p0 [hbm:s0], s1  }
0xd4: {  	s0 =	simm.s32 @!p0 $0x7  }
0xd5: {  	_ =	swait.ge @!p0 [sflag:s0], s1  }
0xd6: {  	s1 =	ssub.s32 @!p0 $0x0, s1;
	[sflag:s0] =	ssyncset.done @!p0 $0x0  }
0xd7: {  	[sflag:s0] =	ssyncadd.s32 @!p0 s1  }
0xd8: {  	[bflag:$0x3] =	sbarrier.arrive $0xFFFF  }
0xd9: {  	_ =	shalt  }

</sc_bundles>
